<compile_context>
chip_gen: v7x
topology: tpu7x:2x2x1
jax: 0.10.2.dev20260603
libtpu: 0.0.44.dev20260713+nightly
codegen_flags: <defaults>
</compile_context>

<pallas_src>
import functools

import jax
import jax.numpy as jnp
from jax import lax
from jax.experimental import pallas as pl
from jax.experimental.pallas import tpu as pltpu
from jax.experimental.pallas import tpu_sc as plsc

NUM_HIDDENS = 1024
B_TOTAL = 4 * 4096
NC = 2
NS = 16
NW = NC * NS
B_PER_W = B_TOTAL // NW
CHUNK = 16
NCHUNK = B_PER_W // CHUNK
NBUF = 6


def _make_gather():
    mesh = plsc.VectorSubcoreMesh(core_axis_name="c", subcore_axis_name="s")

    @functools.partial(
        pl.kernel,
        mesh=mesh,
        out_type=jax.ShapeDtypeStruct((B_TOTAL, NUM_HIDDENS), jnp.float32),
        scratch_types=[
            pltpu.VMEM((B_PER_W,), jnp.int32),
            pltpu.VMEM((NBUF, CHUNK, NUM_HIDDENS), jnp.float32),
        ]
        + [pltpu.SemaphoreType.DMA] * (2 * NBUF),
    )
    def k(table_hbm, idx_hbm, out_hbm, idx_v, rows_v, *sems):
        wid = lax.axis_index("s") * NC + lax.axis_index("c")
        base = wid * B_PER_W
        gsem = sems[:NBUF]
        ssem = sems[NBUF:]
        pltpu.sync_copy(idx_hbm.at[pl.ds(base, B_PER_W)], idx_v)

        def start_gather(g, b):
            return pltpu.async_copy(
                table_hbm.at[idx_v.at[pl.ds(g * CHUNK, CHUNK)]],
                rows_v.at[b],
                gsem[b],
            )

        def start_scatter(g, b):
            return pltpu.async_copy(
                rows_v.at[b],
                out_hbm.at[pl.ds(base + g * CHUNK, CHUNK)],
                ssem[b],
            )

        gather_h = [None] * NBUF
        scatter_h = [None] * NBUF
        gather_h[0] = start_gather(0, 0)
        for g in range(NCHUNK):
            b = g % NBUF
            if g + 1 < NCHUNK:
                nb = (g + 1) % NBUF
                if scatter_h[nb] is not None:
                    scatter_h[nb].wait()
                gather_h[nb] = start_gather(g + 1, nb)
            gather_h[b].wait()
            scatter_h[b] = start_scatter(g, b)
        for b in range(NBUF):
            if scatter_h[b] is not None:
                scatter_h[b].wait()

    return k


_gather = _make_gather()


def kernel(position_ids, PosEnc):
    ids = position_ids.reshape(-1).astype(jnp.int32)
    out = _gather(PosEnc, ids)
    return out.reshape(position_ids.shape + (NUM_HIDDENS,))

# --- scband reference (transcript-rebuilt; emitter-appended) ---
"""Pipeline reference for scband-trigono-abs-pos-enc-29472065585377 (READ-ONLY COPY).

The authoritative reference and input builder live on the scoring server;
editing this copy changes nothing except your own understanding.
"""

import jax, jax.numpy as jnp
import numpy as np

NUM_HIDDENS = 1024
MAX_LEN = 8192

def make_posenc(num_hiddens=NUM_HIDDENS, max_len=MAX_LEN):
    X = np.arange(max_len, dtype=np.float32).reshape(-1, 1) / np.power(
        10000.0, np.arange(0, num_hiddens, 2, dtype=np.float32).reshape(1, -1) / num_hiddens
    )
    P = np.zeros((max_len, num_hiddens), dtype=np.float32)
    P[:, 0::2] = np.sin(X)
    if num_hiddens % 2 == 0:
        P[:, 1::2] = np.cos(X)
    else:
        P[:, 1::2] = np.cos(X[:, :-1])
    return jnp.asarray(P)

def setup_inputs(seed: int = 0) -> dict:
    key = jax.random.key(seed)
    position_ids = jax.random.randint(key, (4, 4096), 0, MAX_LEN)
    PosEnc = make_posenc()
    return {"position_ids": position_ids, "PosEnc": PosEnc}

def reference(position_ids, PosEnc):
    # PosEnc[position_ids, :] -> gather rows of the positional-encoding table
    return jnp.take(PosEnc, position_ids, axis=0)

if __name__ == "__main__":
    import jax
    _d = setup_inputs()
    print(jax.jit(kernel)(*tuple(_d.values())))

</pallas_src>

<mosaic_0001>
#map = affine_map<(d0, d1) -> (0, 0)>
#map1 = affine_map<(d0, d1) -> (0)>
module attributes {stable_mosaic.version = 14 : i64} {
  func.func @k(%arg0: i32, %arg1: i32, %arg2: memref<8192x1024xf32, #tpu.memory_space<hbm>>, %arg3: memref<16384xi32, #tpu.memory_space<hbm>>, %arg4: memref<16384x1024xf32, #tpu.memory_space<hbm>>, %arg5: memref<512xi32, #tpu.memory_space<vmem>>, %arg6: memref<6x16x1024xf32, #tpu.memory_space<vmem>>, %arg7: memref<!tpu.dma_semaphore, #tpu.memory_space<semaphore_mem>>, %arg8: memref<!tpu.dma_semaphore, #tpu.memory_space<semaphore_mem>>, %arg9: memref<!tpu.dma_semaphore, #tpu.memory_space<semaphore_mem>>, %arg10: memref<!tpu.dma_semaphore, #tpu.memory_space<semaphore_mem>>, %arg11: memref<!tpu.dma_semaphore, #tpu.memory_space<semaphore_mem>>, %arg12: memref<!tpu.dma_semaphore, #tpu.memory_space<semaphore_mem>>, %arg13: memref<!tpu.dma_semaphore, #tpu.memory_space<semaphore_mem>>, %arg14: memref<!tpu.dma_semaphore, #tpu.memory_space<semaphore_mem>>, %arg15: memref<!tpu.dma_semaphore, #tpu.memory_space<semaphore_mem>>, %arg16: memref<!tpu.dma_semaphore, #tpu.memory_space<semaphore_mem>>, %arg17: memref<!tpu.dma_semaphore, #tpu.memory_space<semaphore_mem>>, %arg18: memref<!tpu.dma_semaphore, #tpu.memory_space<semaphore_mem>>) attributes {dimension_semantics = [#tpu.dimension_semantics<core_parallel>, #tpu.dimension_semantics<subcore_parallel>], iteration_bounds = array<i64: 2, 16>, scalar_prefetch = 0 : i64, scratch_operands = 14 : i64, tpu.core_type = #tpu.core_type<sc_vector_subcore>, window_params = [{transform_indices = #map}, {transform_indices = #map1}, {transform_indices = #map}]} {
    %mul3A = arith.constant 2 : i32
    %mul3A_0 = arith.muli %arg1, %mul3A : i32
    %add3A = arith.addi %mul3A_0, %arg0 : i32
    %mul3A_1 = arith.constant 512 : i32
    %mul3A_2 = arith.muli %add3A, %mul3A_1 : i32
    "tpu.region"() ({
      %run_scoped3A = tpu.sem_alloc : memref<!tpu.dma_semaphore, #tpu.memory_space<semaphore_mem>>
      %dma_start3A_1537 = tpu.memref_slice %arg3[%mul3A_2] : memref<16384xi32, #tpu.memory_space<hbm>> -> memref<512xi32, #tpu.memory_space<hbm>>
      %dma_start3A_1538 = tpu.memref_slice %arg3[%mul3A_2] : memref<16384xi32, #tpu.memory_space<hbm>> -> memref<512xi32, #tpu.memory_space<hbm>>
      tpu.enqueue_dma source(%dma_start3A_1538 : memref<512xi32, #tpu.memory_space<hbm>>) target(%arg5 : memref<512xi32, #tpu.memory_space<vmem>>) target_semaphore(%run_scoped3A : memref<!tpu.dma_semaphore, #tpu.memory_space<semaphore_mem>>)
      %dma_wait3A_1539 = tpu.memref_slice %arg3[%mul3A_2] : memref<16384xi32, #tpu.memory_space<hbm>> -> memref<512xi32, #tpu.memory_space<hbm>>
      %dma_wait3A_1540 = tpu.memref_slice %arg3[%mul3A_2] : memref<16384xi32, #tpu.memory_space<hbm>> -> memref<512xi32, #tpu.memory_space<hbm>>
      tpu.wait_dma2 semaphore(%run_scoped3A : memref<!tpu.dma_semaphore, #tpu.memory_space<semaphore_mem>>) src(%dma_wait3A_1540 : memref<512xi32, #tpu.memory_space<hbm>>) dst(%arg5 : memref<512xi32, #tpu.memory_space<vmem>>)
      tpu.yield
    }) : () -> ()
    %dma_start3A = arith.constant 0 : i32
    %dma_start3A_3 = arith.constant 0 : i32
    %dma_start3A_4 = arith.constant 0 : i32
    %dma_start3A_5 = tpu.memref_slice %arg6[%dma_start3A, %dma_start3A_3, %dma_start3A_4] : memref<6x16x1024xf32, #tpu.memory_space<vmem>> -> memref<1x16x1024xf32, #tpu.memory_space<vmem>>
    %dma_start3A_6 = tpu.memref_squeeze %dma_start3A_5 : memref<1x16x1024xf32, #tpu.memory_space<vmem>> -> memref<16x1024xf32, #tpu.memory_space<vmem>>
    %dma_start3A_7 = arith.constant 0 : i32
    %dma_start3A_8 = tpu.memref_slice %arg5[%dma_start3A_7] : memref<512xi32, #tpu.memory_space<vmem>> -> memref<16xi32, #tpu.memory_space<vmem>>
    %dma_start3A_9 = arith.constant 0 : i32
    %dma_start3A_10 = arith.constant 0 : i32
    %dma_start3A_11 = tpu.memref_slice %arg2[%dma_start3A_9, %dma_start3A_10] : memref<8192x1024xf32, #tpu.memory_space<hbm>> -> memref<8192x1024xf32, #tpu.memory_space<hbm>>
    tpu.enqueue_indirect_dma source(%dma_start3A_11 : memref<8192x1024xf32, #tpu.memory_space<hbm>>) target(%dma_start3A_6 : memref<16x1024xf32, #tpu.memory_space<vmem>>) offsets(%dma_start3A_8 : memref<16xi32, #tpu.memory_space<vmem>>) semaphore(%arg7 : memref<!tpu.dma_semaphore, #tpu.memory_space<semaphore_mem>>)
    %dma_start3A_12 = arith.constant 1 : i32
    %dma_start3A_13 = arith.constant 0 : i32
    %dma_start3A_14 = arith.constant 0 : i32
    %dma_start3A_15 = tpu.memref_slice %arg6[%dma_start3A_12, %dma_start3A_13, %dma_start3A_14] : memref<6x16x1024xf32, #tpu.memory_space<vmem>> -> memref<1x16x1024xf32, #tpu.memory_space<vmem>>
    %dma_start3A_16 = tpu.memref_squeeze %dma_start3A_15 : memref<1x16x1024xf32, #tpu.memory_space<vmem>> -> memref<16x1024xf32, #tpu.memory_space<vmem>>
    %dma_start3A_17 = arith.constant 16 : i32
    %dma_start3A_18 = tpu.memref_slice %arg5[%dma_start3A_17] : memref<512xi32, #tpu.memory_space<vmem>> -> memref<16xi32, #tpu.memory_space<vmem>>
    %dma_start3A_19 = arith.constant 0 : i32
    %dma_start3A_20 = arith.constant 0 : i32
    %dma_start3A_21 = tpu.memref_slice %arg2[%dma_start3A_19, %dma_start3A_20] : memref<8192x1024xf32, #tpu.memory_space<hbm>> -> memref<8192x1024xf32, #tpu.memory_space<hbm>>
    tpu.enqueue_indirect_dma source(%dma_start3A_21 : memref<8192x1024xf32, #tpu.memory_space<hbm>>) target(%dma_start3A_16 : memref<16x1024xf32, #tpu.memory_space<vmem>>) offsets(%dma_start3A_18 : memref<16xi32, #tpu.memory_space<vmem>>) semaphore(%arg8 : memref<!tpu.dma_semaphore, #tpu.memory_space<semaphore_mem>>)
    %dma_wait3A = arith.constant 0 : i32
    %dma_wait3A_22 = arith.constant 0 : i32
    %dma_wait3A_23 = arith.constant 0 : i32
    %dma_wait3A_24 = tpu.memref_slice %arg6[%dma_wait3A, %dma_wait3A_22, %dma_wait3A_23] : memref<6x16x1024xf32, #tpu.memory_space<vmem>> -> memref<1x16x1024xf32, #tpu.memory_space<vmem>>
    %dma_wait3A_25 = tpu.memref_squeeze %dma_wait3A_24 : memref<1x16x1024xf32, #tpu.memory_space<vmem>> -> memref<16x1024xf32, #tpu.memory_space<vmem>>
    %dma_wait3A_26 = arith.constant 0 : i32
    %dma_wait3A_27 = tpu.memref_slice %arg5[%dma_wait3A_26] : memref<512xi32, #tpu.memory_space<vmem>> -> memref<16xi32, #tpu.memory_space<vmem>>
    %dma_wait3A_28 = arith.constant 0 : i32
    %dma_wait3A_29 = arith.constant 0 : i32
    %dma_wait3A_30 = tpu.memref_slice %arg2[%dma_wait3A_28, %dma_wait3A_29] : memref<8192x1024xf32, #tpu.memory_space<hbm>> -> memref<8192x1024xf32, #tpu.memory_space<hbm>>
    tpu.wait_indirect_dma semaphore(%arg7 : memref<!tpu.dma_semaphore, #tpu.memory_space<semaphore_mem>>) src(%dma_wait3A_30 : memref<8192x1024xf32, #tpu.memory_space<hbm>>) dst(%dma_wait3A_25 : memref<16x1024xf32, #tpu.memory_space<vmem>>)
    %add3A_31 = arith.constant 0 : i32
    %add3A_32 = arith.addi %mul3A_2, %add3A_31 : i32
    %dma_start3A_33 = arith.constant 0 : i32
    %dma_start3A_34 = arith.constant 0 : i32
    %dma_start3A_35 = arith.constant 0 : i32
    %dma_start3A_36 = tpu.memref_slice %arg6[%dma_start3A_33, %dma_start3A_34, %dma_start3A_35] : memref<6x16x1024xf32, #tpu.memory_space<vmem>> -> memref<1x16x1024xf32, #tpu.memory_space<vmem>>
    %dma_start3A_37 = tpu.memref_squeeze %dma_start3A_36 : memref<1x16x1024xf32, #tpu.memory_space<vmem>> -> memref<16x1024xf32, #tpu.memory_space<vmem>>
    %dma_start3A_38 = arith.constant 0 : i32
    %dma_start3A_39 = tpu.memref_slice %arg4[%add3A_32, %dma_start3A_38] : memref<16384x1024xf32, #tpu.memory_space<hbm>> -> memref<16x1024xf32, #tpu.memory_space<hbm>>
    %dma_start3A_40 = arith.constant 0 : i32
    %dma_start3A_41 = tpu.memref_slice %arg4[%add3A_32, %dma_start3A_40] : memref<16384x1024xf32, #tpu.memory_space<hbm>> -> memref<16x1024xf32, #tpu.memory_space<hbm>>
    %dma_start3A_42 = arith.constant 0 : i32
    %dma_start3A_43 = arith.constant 0 : i32
    %dma_start3A_44 = tpu.memref_slice %arg6[%dma_start3A_33, %dma_start3A_42, %dma_start3A_43] : memref<6x16x1024xf32, #tpu.memory_space<vmem>> -> memref<1x16x1024xf32, #tpu.memory_space<vmem>>
    %dma_start3A_45 = tpu.memref_squeeze %dma_start3A_44 : memref<1x16x1024xf32, #tpu.memory_space<vmem>> -> memref<16x1024xf32, #tpu.memory_space<vmem>>
    tpu.enqueue_dma source(%dma_start3A_45 : memref<16x1024xf32, #tpu.memory_space<vmem>>) target(%dma_start3A_41 : memref<16x1024xf32, #tpu.memory_space<hbm>>) target_semaphore(%arg13 : memref<!tpu.dma_semaphore, #tpu.memory_space<semaphore_mem>>)
    %dma_start3A_46 = arith.constant 2 : i32
    %dma_start3A_47 = arith.constant 0 : i32
    %dma_start3A_48 = arith.constant 0 : i32
    %dma_start3A_49 = tpu.memref_slice %arg6[%dma_start3A_46, %dma_start3A_47, %dma_start3A_48] : memref<6x16x1024xf32, #tpu.memory_space<vmem>> -> memref<1x16x1024xf32, #tpu.memory_space<vmem>>
    %dma_start3A_50 = tpu.memref_squeeze %dma_start3A_49 : memref<1x16x1024xf32, #tpu.memory_space<vmem>> -> memref<16x1024xf32, #tpu.memory_space<vmem>>
    %dma_start3A_51 = arith.constant 32 : i32
    %dma_start3A_52 = tpu.memref_slice %arg5[%dma_start3A_51] : memref<512xi32, #tpu.memory_space<vmem>> -> memref<16xi32, #tpu.memory_space<vmem>>
    %dma_start3A_53 = arith.constant 0 : i32
    %dma_start3A_54 = arith.constant 0 : i32
    %dma_start3A_55 = tpu.memref_slice %arg2[%dma_start3A_53, %dma_start3A_54] : memref<8192x1024xf32, #tpu.memory_space<hbm>> -> memref<8192x1024xf32, #tpu.memory_space<hbm>>
    tpu.enqueue_indirect_dma source(%dma_start3A_55 : memref<8192x1024xf32, #tpu.memory_space<hbm>>) target(%dma_start3A_50 : memref<16x1024xf32, #tpu.memory_space<vmem>>) offsets(%dma_start3A_52 : memref<16xi32, #tpu.memory_space<vmem>>) semaphore(%arg9 : memref<!tpu.dma_semaphore, #tpu.memory_space<semaphore_mem>>)
    %dma_wait3A_56 = arith.constant 1 : i32
    %dma_wait3A_57 = arith.constant 0 : i32
    %dma_wait3A_58 = arith.constant 0 : i32
    %dma_wait3A_59 = tpu.memref_slice %arg6[%dma_wait3A_56, %dma_wait3A_57, %dma_wait3A_58] : memref<6x16x1024xf32, #tpu.memory_space<vmem>> -> memref<1x16x1024xf32, #tpu.memory_space<vmem>>
    %dma_wait3A_60 = tpu.memref_squeeze %dma_wait3A_59 : memref<1x16x1024xf32, #tpu.memory_space<vmem>> -> memref<16x1024xf32, #tpu.memory_space<vmem>>
    %dma_wait3A_61 = arith.constant 16 : i32
    %dma_wait3A_62 = tpu.memref_slice %arg5[%dma_wait3A_61] : memref<512xi32, #tpu.memory_space<vmem>> -> memref<16xi32, #tpu.memory_space<vmem>>
    %dma_wait3A_63 = arith.constant 0 : i32
    %dma_wait3A_64 = arith.constant 0 : i32
    %dma_wait3A_65 = tpu.memref_slice %arg2[%dma_wait3A_63, %dma_wait3A_64] : memref<8192x1024xf32, #tpu.memory_space<hbm>> -> memref<8192x1024xf32, #tpu.memory_space<hbm>>
    tpu.wait_indirect_dma semaphore(%arg8 : memref<!tpu.dma_semaphore, #tpu.memory_space<semaphore_mem>>) src(%dma_wait3A_65 : memref<8192x1024xf32, #tpu.memory_space<hbm>>) dst(%dma_wait3A_60 : memref<16x1024xf32, #tpu.memory_space<vmem>>)
    %add3A_66 = arith.constant 16 : i32
    %add3A_67 = arith.addi %mul3A_2, %add3A_66 : i32
    %dma_start3A_68 = arith.constant 1 : i32
    %dma_start3A_69 = arith.constant 0 : i32
    %dma_start3A_70 = arith.constant 0 : i32
    %dma_start3A_71 = tpu.memref_slice %arg6[%dma_start3A_68, %dma_start3A_69, %dma_start3A_70] : memref<6x16x1024xf32, #tpu.memory_space<vmem>> -> memref<1x16x1024xf32, #tpu.memory_space<vmem>>
    %dma_start3A_72 = tpu.memref_squeeze %dma_start3A_71 : memref<1x16x1024xf32, #tpu.memory_space<vmem>> -> memref<16x1024xf32, #tpu.memory_space<vmem>>
    %dma_start3A_73 = arith.constant 0 : i32
    %dma_start3A_74 = tpu.memref_slice %arg4[%add3A_67, %dma_start3A_73] : memref<16384x1024xf32, #tpu.memory_space<hbm>> -> memref<16x1024xf32, #tpu.memory_space<hbm>>
    %dma_start3A_75 = arith.constant 0 : i32
    %dma_start3A_76 = tpu.memref_slice %arg4[%add3A_67, %dma_start3A_75] : memref<16384x1024xf32, #tpu.memory_space<hbm>> -> memref<16x1024xf32, #tpu.memory_space<hbm>>
    %dma_start3A_77 = arith.constant 0 : i32
    %dma_start3A_78 = arith.constant 0 : i32
    %dma_start3A_79 = tpu.memref_slice %arg6[%dma_start3A_68, %dma_start3A_77, %dma_start3A_78] : memref<6x16x1024xf32, #tpu.memory_space<vmem>> -> memref<1x16x1024xf32, #tpu.memory_space<vmem>>
    %dma_start3A_80 = tpu.memref_squeeze %dma_start3A_79 : memref<1x16x1024xf32, #tpu.memory_space<vmem>> -> memref<16x1024xf32, #tpu.memory_space<vmem>>
    tpu.enqueue_dma source(%dma_start3A_80 : memref<16x1024xf32, #tpu.memory_space<vmem>>) target(%dma_start3A_76 : memref<16x1024xf32, #tpu.memory_space<hbm>>) target_semaphore(%arg14 : memref<!tpu.dma_semaphore, #tpu.memory_space<semaphore_mem>>)
    %dma_start3A_81 = arith.constant 3 : i32
    %dma_start3A_82 = arith.constant 0 : i32
    %dma_start3A_83 = arith.constant 0 : i32
    %dma_start3A_84 = tpu.memref_slice %arg6[%dma_start3A_81, %dma_start3A_82, %dma_start3A_83] : memref<6x16x1024xf32, #tpu.memory_space<vmem>> -> memref<1x16x1024xf32, #tpu.memory_space<vmem>>
    %dma_start3A_85 = tpu.memref_squeeze %dma_start3A_84 : memref<1x16x1024xf32, #tpu.memory_space<vmem>> -> memref<16x1024xf32, #tpu.memory_space<vmem>>
    %dma_start3A_86 = arith.constant 48 : i32
    %dma_start3A_87 = tpu.memref_slice %arg5[%dma_start3A_86] : memref<512xi32, #tpu.memory_space<vmem>> -> memref<16xi32, #tpu.memory_space<vmem>>
    %dma_start3A_88 = arith.constant 0 : i32
    %dma_start3A_89 = arith.constant 0 : i32
    %dma_start3A_90 = tpu.memref_slice %arg2[%dma_start3A_88, %dma_start3A_89] : memref<8192x1024xf32, #tpu.memory_space<hbm>> -> memref<8192x1024xf32, #tpu.memory_space<hbm>>
    tpu.enqueue_indirect_dma source(%dma_start3A_90 : memref<8192x1024xf32, #tpu.memory_space<hbm>>) target(%dma_start3A_85 : memref<16x1024xf32, #tpu.memory_space<vmem>>) offsets(%dma_start3A_87 : memref<16xi32, #tpu.memory_space<vmem>>) semaphore(%arg10 : memref<!tpu.dma_semaphore, #tpu.memory_space<semaphore_mem>>)
    %dma_wait3A_91 = arith.constant 2 : i32
    %dma_wait3A_92 = arith.constant 0 : i32
    %dma_wait3A_93 = arith.constant 0 : i32
    %dma_wait3A_94 = tpu.memref_slice %arg6[%dma_wait3A_91, %dma_wait3A_92, %dma_wait3A_93] : memref<6x16x1024xf32, #tpu.memory_space<vmem>> -> memref<1x16x1024xf32, #tpu.memory_space<vmem>>
    %dma_wait3A_95 = tpu.memref_squeeze %dma_wait3A_94 : memref<1x16x1024xf32, #tpu.memory_space<vmem>> -> memref<16x1024xf32, #tpu.memory_space<vmem>>
    %dma_wait3A_96 = arith.constant 32 : i32
    %dma_wait3A_97 = tpu.memref_slice %arg5[%dma_wait3A_96] : memref<512xi32, #tpu.memory_space<vmem>> -> memref<16xi32, #tpu.memory_space<vmem>>
    %dma_wait3A_98 = arith.constant 0 : i32
    %dma_wait3A_99 = arith.constant 0 : i32
    %dma_wait3A_100 = tpu.memref_slice %arg2[%dma_wait3A_98, %dma_wait3A_99] : memref<8192x1024xf32, #tpu.memory_space<hbm>> -> memref<8192x1024xf32, #tpu.memory_space<hbm>>
    tpu.wait_indirect_dma semaphore(%arg9 : memref<!tpu.dma_semaphore, #tpu.memory_space<semaphore_mem>>) src(%dma_wait3A_100 : memref<8192x1024xf32, #tpu.memory_space<hbm>>) dst(%dma_wait3A_95 : memref<16x1024xf32, #tpu.memory_space<vmem>>)
    %add3A_101 = arith.constant 32 : i32
    %add3A_102 = arith.addi %mul3A_2, %add3A_101 : i32
    %dma_start3A_103 = arith.constant 2 : i32
    %dma_start3A_104 = arith.constant 0 : i32
    %dma_start3A_105 = arith.constant 0 : i32
    %dma_start3A_106 = tpu.memref_slice %arg6[%dma_start3A_103, %dma_start3A_104, %dma_start3A_105] : memref<6x16x1024xf32, #tpu.memory_space<vmem>> -> memref<1x16x1024xf32, #tpu.memory_space<vmem>>
    %dma_start3A_107 = tpu.memref_squeeze %dma_start3A_106 : memref<1x16x1024xf32, #tpu.memory_space<vmem>> -> memref<16x1024xf32, #tpu.memory_space<vmem>>
    %dma_start3A_108 = arith.constant 0 : i32
    %dma_start3A_109 = tpu.memref_slice %arg4[%add3A_102, %dma_start3A_108] : memref<16384x1024xf32, #tpu.memory_space<hbm>> -> memref<16x1024xf32, #tpu.memory_space<hbm>>
    %dma_start3A_110 = arith.constant 0 : i32
    %dma_start3A_111 = tpu.memref_slice %arg4[%add3A_102, %dma_start3A_110] : memref<16384x1024xf32, #tpu.memory_space<hbm>> -> memref<16x1024xf32, #tpu.memory_space<hbm>>
    %dma_start3A_112 = arith.constant 0 : i32
    %dma_start3A_113 = arith.constant 0 : i32
    %dma_start3A_114 = tpu.memref_slice %arg6[%dma_start3A_103, %dma_start3A_112, %dma_start3A_113] : memref<6x16x1024xf32, #tpu.memory_space<vmem>> -> memref<1x16x1024xf32, #tpu.memory_space<vmem>>
    %dma_start3A_115 = tpu.memref_squeeze %dma_start3A_114 : memref<1x16x1024xf32, #tpu.memory_space<vmem>> -> memref<16x1024xf32, #tpu.memory_space<vmem>>
    tpu.enqueue_dma source(%dma_start3A_115 : memref<16x1024xf32, #tpu.memory_space<vmem>>) target(%dma_start3A_111 : memref<16x1024xf32, #tpu.memory_space<hbm>>) target_semaphore(%arg15 : memref<!tpu.dma_semaphore, #tpu.memory_space<semaphore_mem>>)
    %dma_start3A_116 = arith.constant 4 : i32
    %dma_start3A_117 = arith.constant 0 : i32
    %dma_start3A_118 = arith.constant 0 : i32
    %dma_start3A_119 = tpu.memref_slice %arg6[%dma_start3A_116, %dma_start3A_117, %dma_start3A_118] : memref<6x16x1024xf32, #tpu.memory_space<vmem>> -> memref<1x16x1024xf32, #tpu.memory_space<vmem>>
    %dma_start3A_120 = tpu.memref_squeeze %dma_start3A_119 : memref<1x16x1024xf32, #tpu.memory_space<vmem>> -> memref<16x1024xf32, #tpu.memory_space<vmem>>
    %dma_start3A_121 = arith.constant 64 : i32
    %dma_start3A_122 = tpu.memref_slice %arg5[%dma_start3A_121] : memref<512xi32, #tpu.memory_space<vmem>> -> memref<16xi32, #tpu.memory_space<vmem>>
    %dma_start3A_123 = arith.constant 0 : i32
    %dma_start3A_124 = arith.constant 0 : i32
    %dma_start3A_125 = tpu.memref_slice %arg2[%dma_start3A_123, %dma_start3A_124] : memref<8192x1024xf32, #tpu.memory_space<hbm>> -> memref<8192x1024xf32, #tpu.memory_space<hbm>>
    tpu.enqueue_indirect_dma source(%dma_start3A_125 : memref<8192x1024xf32, #tpu.memory_space<hbm>>) target(%dma_start3A_120 : memref<16x1024xf32, #tpu.memory_space<vmem>>) offsets(%dma_start3A_122 : memref<16xi32, #tpu.memory_space<vmem>>) semaphore(%arg11 : memref<!tpu.dma_semaphore, #tpu.memory_space<semaphore_mem>>)
    %dma_wait3A_126 = arith.constant 3 : i32
    %dma_wait3A_127 = arith.constant 0 : i32
    %dma_wait3A_128 = arith.constant 0 : i32
    %dma_wait3A_129 = tpu.memref_slice %arg6[%dma_wait3A_126, %dma_wait3A_127, %dma_wait3A_128] : memref<6x16x1024xf32, #tpu.memory_space<vmem>> -> memref<1x16x1024xf32, #tpu.memory_space<vmem>>
    %dma_wait3A_130 = tpu.memref_squeeze %dma_wait3A_129 : memref<1x16x1024xf32, #tpu.memory_space<vmem>> -> memref<16x1024xf32, #tpu.memory_space<vmem>>
    %dma_wait3A_131 = arith.constant 48 : i32
    %dma_wait3A_132 = tpu.memref_slice %arg5[%dma_wait3A_131] : memref<512xi32, #tpu.memory_space<vmem>> -> memref<16xi32, #tpu.memory_space<vmem>>
    %dma_wait3A_133 = arith.constant 0 : i32
    %dma_wait3A_134 = arith.constant 0 : i32
    %dma_wait3A_135 = tpu.memref_slice %arg2[%dma_wait3A_133, %dma_wait3A_134] : memref<8192x1024xf32, #tpu.memory_space<hbm>> -> memref<8192x1024xf32, #tpu.memory_space<hbm>>
    tpu.wait_indirect_dma semaphore(%arg10 : memref<!tpu.dma_semaphore, #tpu.memory_space<semaphore_mem>>) src(%dma_wait3A_135 : memref<8192x1024xf32, #tpu.memory_space<hbm>>) dst(%dma_wait3A_130 : memref<16x1024xf32, #tpu.memory_space<vmem>>)
    %add3A_136 = arith.constant 48 : i32
    %add3A_137 = arith.addi %mul3A_2, %add3A_136 : i32
    %dma_start3A_138 = arith.constant 3 : i32
    %dma_start3A_139 = arith.constant 0 : i32
    %dma_start3A_140 = arith.constant 0 : i32
    %dma_start3A_141 = tpu.memref_slice %arg6[%dma_start3A_138, %dma_start3A_139, %dma_start3A_140] : memref<6x16x1024xf32, #tpu.memory_space<vmem>> -> memref<1x16x1024xf32, #tpu.memory_space<vmem>>
    %dma_start3A_142 = tpu.memref_squeeze %dma_start3A_141 : memref<1x16x1024xf32, #tpu.memory_space<vmem>> -> memref<16x1024xf32, #tpu.memory_space<vmem>>
    %dma_start3A_143 = arith.constant 0 : i32
    %dma_start3A_144 = tpu.memref_slice %arg4[%add3A_137, %dma_start3A_143] : memref<16384x1024xf32, #tpu.memory_space<hbm>> -> memref<16x1024xf32, #tpu.memory_space<hbm>>
    %dma_start3A_145 = arith.constant 0 : i32
    %dma_start3A_146 = tpu.memref_slice %arg4[%add3A_137, %dma_start3A_145] : memref<16384x1024xf32, #tpu.memory_space<hbm>> -> memref<16x1024xf32, #tpu.memory_space<hbm>>
    %dma_start3A_147 = arith.constant 0 : i32
    %dma_start3A_148 = arith.constant 0 : i32
    %dma_start3A_149 = tpu.memref_slice %arg6[%dma_start3A_138, %dma_start3A_147, %dma_start3A_148] : memref<6x16x1024xf32, #tpu.memory_space<vmem>> -> memref<1x16x1024xf32, #tpu.memory_space<vmem>>
    %dma_start3A_150 = tpu.memref_squeeze %dma_start3A_149 : memref<1x16x1024xf32, #tpu.memory_space<vmem>> -> memref<16x1024xf32, #tpu.memory_space<vmem>>
    tpu.enqueue_dma source(%dma_start3A_150 : memref<16x1024xf32, #tpu.memory_space<vmem>>) target(%dma_start3A_146 : memref<16x1024xf32, #tpu.memory_space<hbm>>) target_semaphore(%arg16 : memref<!tpu.dma_semaphore, #tpu.memory_space<semaphore_mem>>)
    %dma_start3A_151 = arith.constant 5 : i32
    %dma_start3A_152 = arith.constant 0 : i32
    %dma_start3A_153 = arith.constant 0 : i32
    %dma_start3A_154 = tpu.memref_slice %arg6[%dma_start3A_151, %dma_start3A_152, %dma_start3A_153] : memref<6x16x1024xf32, #tpu.memory_space<vmem>> -> memref<1x16x1024xf32, #tpu.memory_space<vmem>>
    %dma_start3A_155 = tpu.memref_squeeze %dma_start3A_154 : memref<1x16x1024xf32, #tpu.memory_space<vmem>> -> memref<16x1024xf32, #tpu.memory_space<vmem>>
    %dma_start3A_156 = arith.constant 80 : i32
    %dma_start3A_157 = tpu.memref_slice %arg5[%dma_start3A_156] : memref<512xi32, #tpu.memory_space<vmem>> -> memref<16xi32, #tpu.memory_space<vmem>>
    %dma_start3A_158 = arith.constant 0 : i32
    %dma_start3A_159 = arith.constant 0 : i32
    %dma_start3A_160 = tpu.memref_slice %arg2[%dma_start3A_158, %dma_start3A_159] : memref<8192x1024xf32, #tpu.memory_space<hbm>> -> memref<8192x1024xf32, #tpu.memory_space<hbm>>
    tpu.enqueue_indirect_dma source(%dma_start3A_160 : memref<8192x1024xf32, #tpu.memory_space<hbm>>) target(%dma_start3A_155 : memref<16x1024xf32, #tpu.memory_space<vmem>>) offsets(%dma_start3A_157 : memref<16xi32, #tpu.memory_space<vmem>>) semaphore(%arg12 : memref<!tpu.dma_semaphore, #tpu.memory_space<semaphore_mem>>)
    %dma_wait3A_161 = arith.constant 4 : i32
    %dma_wait3A_162 = arith.constant 0 : i32
    %dma_wait3A_163 = arith.constant 0 : i32
    %dma_wait3A_164 = tpu.memref_slice %arg6[%dma_wait3A_161, %dma_wait3A_162, %dma_wait3A_163] : memref<6x16x1024xf32, #tpu.memory_space<vmem>> -> memref<1x16x1024xf32, #tpu.memory_space<vmem>>
    %dma_wait3A_165 = tpu.memref_squeeze %dma_wait3A_164 : memref<1x16x1024xf32, #tpu.memory_space<vmem>> -> memref<16x1024xf32, #tpu.memory_space<vmem>>
    %dma_wait3A_166 = arith.constant 64 : i32
    %dma_wait3A_167 = tpu.memref_slice %arg5[%dma_wait3A_166] : memref<512xi32, #tpu.memory_space<vmem>> -> memref<16xi32, #tpu.memory_space<vmem>>
    %dma_wait3A_168 = arith.constant 0 : i32
    %dma_wait3A_169 = arith.constant 0 : i32
    %dma_wait3A_170 = tpu.memref_slice %arg2[%dma_wait3A_168, %dma_wait3A_169] : memref<8192x1024xf32, #tpu.memory_space<hbm>> -> memref<8192x1024xf32, #tpu.memory_space<hbm>>
    tpu.wait_indirect_dma semaphore(%arg11 : memref<!tpu.dma_semaphore, #tpu.memory_space<semaphore_mem>>) src(%dma_wait3A_170 : memref<8192x1024xf32, #tpu.memory_space<hbm>>) dst(%dma_wait3A_165 : memref<16x1024xf32, #tpu.memory_space<vmem>>)
    %add3A_171 = arith.constant 64 : i32
    %add3A_172 = arith.addi %mul3A_2, %add3A_171 : i32
    %dma_start3A_173 = arith.constant 4 : i32
    %dma_start3A_174 = arith.constant 0 : i32
    %dma_start3A_175 = arith.constant 0 : i32
    %dma_start3A_176 = tpu.memref_slice %arg6[%dma_start3A_173, %dma_start3A_174, %dma_start3A_175] : memref<6x16x1024xf32, #tpu.memory_space<vmem>> -> memref<1x16x1024xf32, #tpu.memory_space<vmem>>
    %dma_start3A_177 = tpu.memref_squeeze %dma_start3A_176 : memref<1x16x1024xf32, #tpu.memory_space<vmem>> -> memref<16x1024xf32, #tpu.memory_space<vmem>>
    %dma_start3A_178 = arith.constant 0 : i32
    %dma_start3A_179 = tpu.memref_slice %arg4[%add3A_172, %dma_start3A_178] : memref<16384x1024xf32, #tpu.memory_space<hbm>> -> memref<16x1024xf32, #tpu.memory_space<hbm>>
    %dma_start3A_180 = arith.constant 0 : i32
    %dma_start3A_181 = tpu.memref_slice %arg4[%add3A_172, %dma_start3A_180] : memref<16384x1024xf32, #tpu.memory_space<hbm>> -> memref<16x1024xf32, #tpu.memory_space<hbm>>
    %dma_start3A_182 = arith.constant 0 : i32
    %dma_start3A_183 = arith.constant 0 : i32
    %dma_start3A_184 = tpu.memref_slice %arg6[%dma_start3A_173, %dma_start3A_182, %dma_start3A_183] : memref<6x16x1024xf32, #tpu.memory_space<vmem>> -> memref<1x16x1024xf32, #tpu.memory_space<vmem>>
    %dma_start3A_185 = tpu.memref_squeeze %dma_start3A_184 : memref<1x16x1024xf32, #tpu.memory_space<vmem>> -> memref<16x1024xf32, #tpu.memory_space<vmem>>
    tpu.enqueue_dma source(%dma_start3A_185 : memref<16x1024xf32, #tpu.memory_space<vmem>>) target(%dma_start3A_181 : memref<16x1024xf32, #tpu.memory_space<hbm>>) target_semaphore(%arg17 : memref<!tpu.dma_semaphore, #tpu.memory_space<semaphore_mem>>)
    %dma_wait3A_186 = arith.constant 0 : i32
    %dma_wait3A_187 = arith.constant 0 : i32
    %dma_wait3A_188 = arith.constant 0 : i32
    %dma_wait3A_189 = tpu.memref_slice %arg6[%dma_wait3A_186, %dma_wait3A_187, %dma_wait3A_188] : memref<6x16x1024xf32, #tpu.memory_space<vmem>> -> memref<1x16x1024xf32, #tpu.memory_space<vmem>>
    %dma_wait3A_190 = tpu.memref_squeeze %dma_wait3A_189 : memref<1x16x1024xf32, #tpu.memory_space<vmem>> -> memref<16x1024xf32, #tpu.memory_space<vmem>>
    %dma_wait3A_191 = arith.constant 0 : i32
    %dma_wait3A_192 = tpu.memref_slice %arg4[%add3A_32, %dma_wait3A_191] : memref<16384x1024xf32, #tpu.memory_space<hbm>> -> memref<16x1024xf32, #tpu.memory_space<hbm>>
    %dma_wait3A_193 = arith.constant 0 : i32
    %dma_wait3A_194 = tpu.memref_slice %arg4[%add3A_32, %dma_wait3A_193] : memref<16384x1024xf32, #tpu.memory_space<hbm>> -> memref<16x1024xf32, #tpu.memory_space<hbm>>
    %dma_wait3A_195 = arith.constant 0 : i32
    %dma_wait3A_196 = arith.constant 0 : i32
    %dma_wait3A_197 = tpu.memref_slice %arg6[%dma_wait3A_186, %dma_wait3A_195, %dma_wait3A_196] : memref<6x16x1024xf32, #tpu.memory_space<vmem>> -> memref<1x16x1024xf32, #tpu.memory_space<vmem>>
    %dma_wait3A_198 = tpu.memref_squeeze %dma_wait3A_197 : memref<1x16x1024xf32, #tpu.memory_space<vmem>> -> memref<16x1024xf32, #tpu.memory_space<vmem>>
    tpu.wait_dma2 semaphore(%arg13 : memref<!tpu.dma_semaphore, #tpu.memory_space<semaphore_mem>>) src(%dma_wait3A_198 : memref<16x1024xf32, #tpu.memory_space<vmem>>) dst(%dma_wait3A_194 : memref<16x1024xf32, #tpu.memory_space<hbm>>)
    %dma_start3A_199 = arith.constant 0 : i32
    %dma_start3A_200 = arith.constant 0 : i32
    %dma_start3A_201 = arith.constant 0 : i32
    %dma_start3A_202 = tpu.memref_slice %arg6[%dma_start3A_199, %dma_start3A_200, %dma_start3A_201] : memref<6x16x1024xf32, #tpu.memory_space<vmem>> -> memref<1x16x1024xf32, #tpu.memory_space<vmem>>
    %dma_start3A_203 = tpu.memref_squeeze %dma_start3A_202 : memref<1x16x1024xf32, #tpu.memory_space<vmem>> -> memref<16x1024xf32, #tpu.memory_space<vmem>>
    %dma_start3A_204 = arith.constant 96 : i32
    %dma_start3A_205 = tpu.memref_slice %arg5[%dma_start3A_204] : memref<512xi32, #tpu.memory_space<vmem>> -> memref<16xi32, #tpu.memory_space<vmem>>
    %dma_start3A_206 = arith.constant 0 : i32
    %dma_start3A_207 = arith.constant 0 : i32
    %dma_start3A_208 = tpu.memref_slice %arg2[%dma_start3A_206, %dma_start3A_207] : memref<8192x1024xf32, #tpu.memory_space<hbm>> -> memref<8192x1024xf32, #tpu.memory_space<hbm>>
    tpu.enqueue_indirect_dma source(%dma_start3A_208 : memref<8192x1024xf32, #tpu.memory_space<hbm>>) target(%dma_start3A_203 : memref<16x1024xf32, #tpu.memory_space<vmem>>) offsets(%dma_start3A_205 : memref<16xi32, #tpu.memory_space<vmem>>) semaphore(%arg7 : memref<!tpu.dma_semaphore, #tpu.memory_space<semaphore_mem>>)
    %dma_wait3A_209 = arith.constant 5 : i32
    %dma_wait3A_210 = arith.constant 0 : i32
    %dma_wait3A_211 = arith.constant 0 : i32
    %dma_wait3A_212 = tpu.memref_slice %arg6[%dma_wait3A_209, %dma_wait3A_210, %dma_wait3A_211] : memref<6x16x1024xf32, #tpu.memory_space<vmem>> -> memref<1x16x1024xf32, #tpu.memory_space<vmem>>
    %dma_wait3A_213 = tpu.memref_squeeze %dma_wait3A_212 : memref<1x16x1024xf32, #tpu.memory_space<vmem>> -> memref<16x1024xf32, #tpu.memory_space<vmem>>
    %dma_wait3A_214 = arith.constant 80 : i32
    %dma_wait3A_215 = tpu.memref_slice %arg5[%dma_wait3A_214] : memref<512xi32, #tpu.memory_space<vmem>> -> memref<16xi32, #tpu.memory_space<vmem>>
    %dma_wait3A_216 = arith.constant 0 : i32
    %dma_wait3A_217 = arith.constant 0 : i32
    %dma_wait3A_218 = tpu.memref_slice %arg2[%dma_wait3A_216, %dma_wait3A_217] : memref<8192x1024xf32, #tpu.memory_space<hbm>> -> memref<8192x1024xf32, #tpu.memory_space<hbm>>
    tpu.wait_indirect_dma semaphore(%arg12 : memref<!tpu.dma_semaphore, #tpu.memory_space<semaphore_mem>>) src(%dma_wait3A_218 : memref<8192x1024xf32, #tpu.memory_space<hbm>>) dst(%dma_wait3A_213 : memref<16x1024xf32, #tpu.memory_space<vmem>>)
    %add3A_219 = arith.constant 80 : i32
    %add3A_220 = arith.addi %mul3A_2, %add3A_219 : i32
    %dma_start3A_221 = arith.constant 5 : i32
    %dma_start3A_222 = arith.constant 0 : i32
    %dma_start3A_223 = arith.constant 0 : i32
    %dma_start3A_224 = tpu.memref_slice %arg6[%dma_start3A_221, %dma_start3A_222, %dma_start3A_223] : memref<6x16x1024xf32, #tpu.memory_space<vmem>> -> memref<1x16x1024xf32, #tpu.memory_space<vmem>>
    %dma_start3A_225 = tpu.memref_squeeze %dma_start3A_224 : memref<1x16x1024xf32, #tpu.memory_space<vmem>> -> memref<16x1024xf32, #tpu.memory_space<vmem>>
    %dma_start3A_226 = arith.constant 0 : i32
    %dma_start3A_227 = tpu.memref_slice %arg4[%add3A_220, %dma_start3A_226] : memref<16384x1024xf32, #tpu.memory_space<hbm>> -> memref<16x1024xf32, #tpu.memory_space<hbm>>
    %dma_start3A_228 = arith.constant 0 : i32
    %dma_start3A_229 = tpu.memref_slice %arg4[%add3A_220, %dma_start3A_228] : memref<16384x1024xf32, #tpu.memory_space<hbm>> -> memref<16x1024xf32, #tpu.memory_space<hbm>>
    %dma_start3A_230 = arith.constant 0 : i32
    %dma_start3A_231 = arith.constant 0 : i32
    %dma_start3A_232 = tpu.memref_slice %arg6[%dma_start3A_221, %dma_start3A_230, %dma_start3A_231] : memref<6x16x1024xf32, #tpu.memory_space<vmem>> -> memref<1x16x1024xf32, #tpu.memory_space<vmem>>
    %dma_start3A_233 = tpu.memref_squeeze %dma_start3A_232 : memref<1x16x1024xf32, #tpu.memory_space<vmem>> -> memref<16x1024xf32, #tpu.memory_space<vmem>>
    tpu.enqueue_dma source(%dma_start3A_233 : memref<16x1024xf32, #tpu.memory_space<vmem>>) target(%dma_start3A_229 : memref<16x1024xf32, #tpu.memory_space<hbm>>) target_semaphore(%arg18 : memref<!tpu.dma_semaphore, #tpu.memory_space<semaphore_mem>>)
    %dma_wait3A_234 = arith.constant 1 : i32
    %dma_wait3A_235 = arith.constant 0 : i32
    %dma_wait3A_236 = arith.constant 0 : i32
    %dma_wait3A_237 = tpu.memref_slice %arg6[%dma_wait3A_234, %dma_wait3A_235, %dma_wait3A_236] : memref<6x16x1024xf32, #tpu.memory_space<vmem>> -> memref<1x16x1024xf32, #tpu.memory_space<vmem>>
    %dma_wait3A_238 = tpu.memref_squeeze %dma_wait3A_237 : memref<1x16x1024xf32, #tpu.memory_space<vmem>> -> memref<16x1024xf32, #tpu.memory_space<vmem>>
    %dma_wait3A_239 = arith.constant 0 : i32
    %dma_wait3A_240 = tpu.memref_slice %arg4[%add3A_67, %dma_wait3A_239] : memref<16384x1024xf32, #tpu.memory_space<hbm>> -> memref<16x1024xf32, #tpu.memory_space<hbm>>
    %dma_wait3A_241 = arith.constant 0 : i32
    %dma_wait3A_242 = tpu.memref_slice %arg4[%add3A_67, %dma_wait3A_241] : memref<16384x1024xf32, #tpu.memory_space<hbm>> -> memref<16x1024xf32, #tpu.memory_space<hbm>>
    %dma_wait3A_243 = arith.constant 0 : i32
    %dma_wait3A_244 = arith.constant 0 : i32
    %dma_wait3A_245 = tpu.memref_slice %arg6[%dma_wait3A_234, %dma_wait3A_243, %dma_wait3A_244] : memref<6x16x1024xf32, #tpu.memory_space<vmem>> -> memref<1x16x1024xf32, #tpu.memory_space<vmem>>
    %dma_wait3A_246 = tpu.memref_squeeze %dma_wait3A_245 : memref<1x16x1024xf32, #tpu.memory_space<vmem>> -> memref<16x1024xf32, #tpu.memory_space<vmem>>
    tpu.wait_dma2 semaphore(%arg14 : memref<!tpu.dma_semaphore, #tpu.memory_space<semaphore_mem>>) src(%dma_wait3A_246 : memref<16x1024xf32, #tpu.memory_space<vmem>>) dst(%dma_wait3A_242 : memref<16x1024xf32, #tpu.memory_space<hbm>>)
    %dma_start3A_247 = arith.constant 1 : i32
    %dma_start3A_248 = arith.constant 0 : i32
    %dma_start3A_249 = arith.constant 0 : i32
    %dma_start3A_250 = tpu.memref_slice %arg6[%dma_start3A_247, %dma_start3A_248, %dma_start3A_249] : memref<6x16x1024xf32, #tpu.memory_space<vmem>> -> memref<1x16x1024xf32, #tpu.memory_space<vmem>>
    %dma_start3A_251 = tpu.memref_squeeze %dma_start3A_250 : memref<1x16x1024xf32, #tpu.memory_space<vmem>> -> memref<16x1024xf32, #tpu.memory_space<vmem>>
    %dma_start3A_252 = arith.constant 112 : i32
    %dma_start3A_253 = tpu.memref_slice %arg5[%dma_start3A_252] : memref<512xi32, #tpu.memory_space<vmem>> -> memref<16xi32, #tpu.memory_space<vmem>>
    %dma_start3A_254 = arith.constant 0 : i32
    %dma_start3A_255 = arith.constant 0 : i32
    %dma_start3A_256 = tpu.memref_slice %arg2[%dma_start3A_254, %dma_start3A_255] : memref<8192x1024xf32, #tpu.memory_space<hbm>> -> memref<8192x1024xf32, #tpu.memory_space<hbm>>
    tpu.enqueue_indirect_dma source(%dma_start3A_256 : memref<8192x1024xf32, #tpu.memory_space<hbm>>) target(%dma_start3A_251 : memref<16x1024xf32, #tpu.memory_space<vmem>>) offsets(%dma_start3A_253 : memref<16xi32, #tpu.memory_space<vmem>>) semaphore(%arg8 : memref<!tpu.dma_semaphore, #tpu.memory_space<semaphore_mem>>)
    %dma_wait3A_257 = arith.constant 0 : i32
    %dma_wait3A_258 = arith.constant 0 : i32
    %dma_wait3A_259 = arith.constant 0 : i32
    %dma_wait3A_260 = tpu.memref_slice %arg6[%dma_wait3A_257, %dma_wait3A_258, %dma_wait3A_259] : memref<6x16x1024xf32, #tpu.memory_space<vmem>> -> memref<1x16x1024xf32, #tpu.memory_space<vmem>>
    %dma_wait3A_261 = tpu.memref_squeeze %dma_wait3A_260 : memref<1x16x1024xf32, #tpu.memory_space<vmem>> -> memref<16x1024xf32, #tpu.memory_space<vmem>>
    %dma_wait3A_262 = arith.constant 96 : i32
    %dma_wait3A_263 = tpu.memref_slice %arg5[%dma_wait3A_262] : memref<512xi32, #tpu.memory_space<vmem>> -> memref<16xi32, #tpu.memory_space<vmem>>
    %dma_wait3A_264 = arith.constant 0 : i32
    %dma_wait3A_265 = arith.constant 0 : i32
    %dma_wait3A_266 = tpu.memref_slice %arg2[%dma_wait3A_264, %dma_wait3A_265] : memref<8192x1024xf32, #tpu.memory_space<hbm>> -> memref<8192x1024xf32, #tpu.memory_space<hbm>>
    tpu.wait_indirect_dma semaphore(%arg7 : memref<!tpu.dma_semaphore, #tpu.memory_space<semaphore_mem>>) src(%dma_wait3A_266 : memref<8192x1024xf32, #tpu.memory_space<hbm>>) dst(%dma_wait3A_261 : memref<16x1024xf32, #tpu.memory_space<vmem>>)
    %add3A_267 = arith.constant 96 : i32
    %add3A_268 = arith.addi %mul3A_2, %add3A_267 : i32
    %dma_start3A_269 = arith.constant 0 : i32
    %dma_start3A_270 = arith.constant 0 : i32
    %dma_start3A_271 = arith.constant 0 : i32
    %dma_start3A_272 = tpu.memref_slice %arg6[%dma_start3A_269, %dma_start3A_270, %dma_start3A_271] : memref<6x16x1024xf32, #tpu.memory_space<vmem>> -> memref<1x16x1024xf32, #tpu.memory_space<vmem>>
    %dma_start3A_273 = tpu.memref_squeeze %dma_start3A_272 : memref<1x16x1024xf32, #tpu.memory_space<vmem>> -> memref<16x1024xf32, #tpu.memory_space<vmem>>
    %dma_start3A_274 = arith.constant 0 : i32
    %dma_start3A_275 = tpu.memref_slice %arg4[%add3A_268, %dma_start3A_274] : memref<16384x1024xf32, #tpu.memory_space<hbm>> -> memref<16x1024xf32, #tpu.memory_space<hbm>>
    %dma_start3A_276 = arith.constant 0 : i32
    %dma_start3A_277 = tpu.memref_slice %arg4[%add3A_268, %dma_start3A_276] : memref<16384x1024xf32, #tpu.memory_space<hbm>> -> memref<16x1024xf32, #tpu.memory_space<hbm>>
    %dma_start3A_278 = arith.constant 0 : i32
    %dma_start3A_279 = arith.constant 0 : i32
    %dma_start3A_280 = tpu.memref_slice %arg6[%dma_start3A_269, %dma_start3A_278, %dma_start3A_279] : memref<6x16x1024xf32, #tpu.memory_space<vmem>> -> memref<1x16x1024xf32, #tpu.memory_space<vmem>>
    %dma_start3A_281 = tpu.memref_squeeze %dma_start3A_280 : memref<1x16x1024xf32, #tpu.memory_space<vmem>> -> memref<16x1024xf32, #tpu.memory_space<vmem>>
    tpu.enqueue_dma source(%dma_start3A_281 : memref<16x1024xf32, #tpu.memory_space<vmem>>) target(%dma_start3A_277 : memref<16x1024xf32, #tpu.memory_space<hbm>>) target_semaphore(%arg13 : memref<!tpu.dma_semaphore, #tpu.memory_space<semaphore_mem>>)
    %dma_wait3A_282 = arith.constant 2 : i32
    %dma_wait3A_283 = arith.constant 0 : i32
    %dma_wait3A_284 = arith.constant 0 : i32
    %dma_wait3A_285 = tpu.memref_slice %arg6[%dma_wait3A_282, %dma_wait3A_283, %dma_wait3A_284] : memref<6x16x1024xf32, #tpu.memory_space<vmem>> -> memref<1x16x1024xf32, #tpu.memory_space<vmem>>
    %dma_wait3A_286 = tpu.memref_squeeze %dma_wait3A_285 : memref<1x16x1024xf32, #tpu.memory_space<vmem>> -> memref<16x1024xf32, #tpu.memory_space<vmem>>
    %dma_wait3A_287 = arith.constant 0 : i32
    %dma_wait3A_288 = tpu.memref_slice %arg4[%add3A_102, %dma_wait3A_287] : memref<16384x1024xf32, #tpu.memory_space<hbm>> -> memref<16x1024xf32, #tpu.memory_space<hbm>>
    %dma_wait3A_289 = arith.constant 0 : i32
    %dma_wait3A_290 = tpu.memref_slice %arg4[%add3A_102, %dma_wait3A_289] : memref<16384x1024xf32, #tpu.memory_space<hbm>> -> memref<16x1024xf32, #tpu.memory_space<hbm>>
    %dma_wait3A_291 = arith.constant 0 : i32
    %dma_wait3A_292 = arith.constant 0 : i32
    %dma_wait3A_293 = tpu.memref_slice %arg6[%dma_wait3A_282, %dma_wait3A_291, %dma_wait3A_292] : memref<6x16x1024xf32, #tpu.memory_space<vmem>> -> memref<1x16x1024xf32, #tpu.memory_space<vmem>>
    %dma_wait3A_294 = tpu.memref_squeeze %dma_wait3A_293 : memref<1x16x1024xf32, #tpu.memory_space<vmem>> -> memref<16x1024xf32, #tpu.memory_space<vmem>>
    tpu.wait_dma2 semaphore(%arg15 : memref<!tpu.dma_semaphore, #tpu.memory_space<semaphore_mem>>) src(%dma_wait3A_294 : memref<16x1024xf32, #tpu.memory_space<vmem>>) dst(%dma_wait3A_290 : memref<16x1024xf32, #tpu.memory_space<hbm>>)
    %dma_start3A_295 = arith.constant 2 : i32
    %dma_start3A_296 = arith.constant 0 : i32
    %dma_start3A_297 = arith.constant 0 : i32
    %dma_start3A_298 = tpu.memref_slice %arg6[%dma_start3A_295, %dma_start3A_296, %dma_start3A_297] : memref<6x16x1024xf32, #tpu.memory_space<vmem>> -> memref<1x16x1024xf32, #tpu.memory_space<vmem>>
    %dma_start3A_299 = tpu.memref_squeeze %dma_start3A_298 : memref<1x16x1024xf32, #tpu.memory_space<vmem>> -> memref<16x1024xf32, #tpu.memory_space<vmem>>
    %dma_start3A_300 = arith.constant 128 : i32
    %dma_start3A_301 = tpu.memref_slice %arg5[%dma_start3A_300] : memref<512xi32, #tpu.memory_space<vmem>> -> memref<16xi32, #tpu.memory_space<vmem>>
    %dma_start3A_302 = arith.constant 0 : i32
    %dma_start3A_303 = arith.constant 0 : i32
    %dma_start3A_304 = tpu.memref_slice %arg2[%dma_start3A_302, %dma_start3A_303] : memref<8192x1024xf32, #tpu.memory_space<hbm>> -> memref<8192x1024xf32, #tpu.memory_space<hbm>>
    tpu.enqueue_indirect_dma source(%dma_start3A_304 : memref<8192x1024xf32, #tpu.memory_space<hbm>>) target(%dma_start3A_299 : memref<16x1024xf32, #tpu.memory_space<vmem>>) offsets(%dma_start3A_301 : memref<16xi32, #tpu.memory_space<vmem>>) semaphore(%arg9 : memref<!tpu.dma_semaphore, #tpu.memory_space<semaphore_mem>>)
    %dma_wait3A_305 = arith.constant 1 : i32
    %dma_wait3A_306 = arith.constant 0 : i32
    %dma_wait3A_307 = arith.constant 0 : i32
    %dma_wait3A_308 = tpu.memref_slice %arg6[%dma_wait3A_305, %dma_wait3A_306, %dma_wait3A_307] : memref<6x16x1024xf32, #tpu.memory_space<vmem>> -> memref<1x16x1024xf32, #tpu.memory_space<vmem>>
    %dma_wait3A_309 = tpu.memref_squeeze %dma_wait3A_308 : memref<1x16x1024xf32, #tpu.memory_space<vmem>> -> memref<16x1024xf32, #tpu.memory_space<vmem>>
    %dma_wait3A_310 = arith.constant 112 : i32
    %dma_wait3A_311 = tpu.memref_slice %arg5[%dma_wait3A_310] : memref<512xi32, #tpu.memory_space<vmem>> -> memref<16xi32, #tpu.memory_space<vmem>>
    %dma_wait3A_312 = arith.constant 0 : i32
    %dma_wait3A_313 = arith.constant 0 : i32
    %dma_wait3A_314 = tpu.memref_slice %arg2[%dma_wait3A_312, %dma_wait3A_313] : memref<8192x1024xf32, #tpu.memory_space<hbm>> -> memref<8192x1024xf32, #tpu.memory_space<hbm>>
    tpu.wait_indirect_dma semaphore(%arg8 : memref<!tpu.dma_semaphore, #tpu.memory_space<semaphore_mem>>) src(%dma_wait3A_314 : memref<8192x1024xf32, #tpu.memory_space<hbm>>) dst(%dma_wait3A_309 : memref<16x1024xf32, #tpu.memory_space<vmem>>)
    %add3A_315 = arith.constant 112 : i32
    %add3A_316 = arith.addi %mul3A_2, %add3A_315 : i32
    %dma_start3A_317 = arith.constant 1 : i32
    %dma_start3A_318 = arith.constant 0 : i32
    %dma_start3A_319 = arith.constant 0 : i32
    %dma_start3A_320 = tpu.memref_slice %arg6[%dma_start3A_317, %dma_start3A_318, %dma_start3A_319] : memref<6x16x1024xf32, #tpu.memory_space<vmem>> -> memref<1x16x1024xf32, #tpu.memory_space<vmem>>
    %dma_start3A_321 = tpu.memref_squeeze %dma_start3A_320 : memref<1x16x1024xf32, #tpu.memory_space<vmem>> -> memref<16x1024xf32, #tpu.memory_space<vmem>>
    %dma_start3A_322 = arith.constant 0 : i32
    %dma_start3A_323 = tpu.memref_slice %arg4[%add3A_316, %dma_start3A_322] : memref<16384x1024xf32, #tpu.memory_space<hbm>> -> memref<16x1024xf32, #tpu.memory_space<hbm>>
    %dma_start3A_324 = arith.constant 0 : i32
    %dma_start3A_325 = tpu.memref_slice %arg4[%add3A_316, %dma_start3A_324] : memref<16384x1024xf32, #tpu.memory_space<hbm>> -> memref<16x1024xf32, #tpu.memory_space<hbm>>
    %dma_start3A_326 = arith.constant 0 : i32
    %dma_start3A_327 = arith.constant 0 : i32
    %dma_start3A_328 = tpu.memref_slice %arg6[%dma_start3A_317, %dma_start3A_326, %dma_start3A_327] : memref<6x16x1024xf32, #tpu.memory_space<vmem>> -> memref<1x16x1024xf32, #tpu.memory_space<vmem>>
    %dma_start3A_329 = tpu.memref_squeeze %dma_start3A_328 : memref<1x16x1024xf32, #tpu.memory_space<vmem>> -> memref<16x1024xf32, #tpu.memory_space<vmem>>
    tpu.enqueue_dma source(%dma_start3A_329 : memref<16x1024xf32, #tpu.memory_space<vmem>>) target(%dma_start3A_325 : memref<16x1024xf32, #tpu.memory_space<hbm>>) target_semaphore(%arg14 : memref<!tpu.dma_semaphore, #tpu.memory_space<semaphore_mem>>)
    %dma_wait3A_330 = arith.constant 3 : i32
    %dma_wait3A_331 = arith.constant 0 : i32
    %dma_wait3A_332 = arith.constant 0 : i32
    %dma_wait3A_333 = tpu.memref_slice %arg6[%dma_wait3A_330, %dma_wait3A_331, %dma_wait3A_332] : memref<6x16x1024xf32, #tpu.memory_space<vmem>> -> memref<1x16x1024xf32, #tpu.memory_space<vmem>>
    %dma_wait3A_334 = tpu.memref_squeeze %dma_wait3A_333 : memref<1x16x1024xf32, #tpu.memory_space<vmem>> -> memref<16x1024xf32, #tpu.memory_space<vmem>>
    %dma_wait3A_335 = arith.constant 0 : i32
    %dma_wait3A_336 = tpu.memref_slice %arg4[%add3A_137, %dma_wait3A_335] : memref<16384x1024xf32, #tpu.memory_space<hbm>> -> memref<16x1024xf32, #tpu.memory_space<hbm>>
    %dma_wait3A_337 = arith.constant 0 : i32
    %dma_wait3A_338 = tpu.memref_slice %arg4[%add3A_137, %dma_wait3A_337] : memref<16384x1024xf32, #tpu.memory_space<hbm>> -> memref<16x1024xf32, #tpu.memory_space<hbm>>
    %dma_wait3A_339 = arith.constant 0 : i32
    %dma_wait3A_340 = arith.constant 0 : i32
    %dma_wait3A_341 = tpu.memref_slice %arg6[%dma_wait3A_330, %dma_wait3A_339, %dma_wait3A_340] : memref<6x16x1024xf32, #tpu.memory_space<vmem>> -> memref<1x16x1024xf32, #tpu.memory_space<vmem>>
    %dma_wait3A_342 = tpu.memref_squeeze %dma_wait3A_341 : memref<1x16x1024xf32, #tpu.memory_space<vmem>> -> memref<16x1024xf32, #tpu.memory_space<vmem>>
    tpu.wait_dma2 semaphore(%arg16 : memref<!tpu.dma_semaphore, #tpu.memory_space<semaphore_mem>>) src(%dma_wait3A_342 : memref<16x1024xf32, #tpu.memory_space<vmem>>) dst(%dma_wait3A_338 : memref<16x1024xf32, #tpu.memory_space<hbm>>)
    %dma_start3A_343 = arith.constant 3 : i32
    %dma_start3A_344 = arith.constant 0 : i32
    %dma_start3A_345 = arith.constant 0 : i32
    %dma_start3A_346 = tpu.memref_slice %arg6[%dma_start3A_343, %dma_start3A_344, %dma_start3A_345] : memref<6x16x1024xf32, #tpu.memory_space<vmem>> -> memref<1x16x1024xf32, #tpu.memory_space<vmem>>
    %dma_start3A_347 = tpu.memref_squeeze %dma_start3A_346 : memref<1x16x1024xf32, #tpu.memory_space<vmem>> -> memref<16x1024xf32, #tpu.memory_space<vmem>>
    %dma_start3A_348 = arith.constant 144 : i32
    %dma_start3A_349 = tpu.memref_slice %arg5[%dma_start3A_348] : memref<512xi32, #tpu.memory_space<vmem>> -> memref<16xi32, #tpu.memory_space<vmem>>
    %dma_start3A_350 = arith.constant 0 : i32
    %dma_start3A_351 = arith.constant 0 : i32
    %dma_start3A_352 = tpu.memref_slice %arg2[%dma_start3A_350, %dma_start3A_351] : memref<8192x1024xf32, #tpu.memory_space<hbm>> -> memref<8192x1024xf32, #tpu.memory_space<hbm>>
    tpu.enqueue_indirect_dma source(%dma_start3A_352 : memref<8192x1024xf32, #tpu.memory_space<hbm>>) target(%dma_start3A_347 : memref<16x1024xf32, #tpu.memory_space<vmem>>) offsets(%dma_start3A_349 : memref<16xi32, #tpu.memory_space<vmem>>) semaphore(%arg10 : memref<!tpu.dma_semaphore, #tpu.memory_space<semaphore_mem>>)
    %dma_wait3A_353 = arith.constant 2 : i32
    %dma_wait3A_354 = arith.constant 0 : i32
    %dma_wait3A_355 = arith.constant 0 : i32
    %dma_wait3A_356 = tpu.memref_slice %arg6[%dma_wait3A_353, %dma_wait3A_354, %dma_wait3A_355] : memref<6x16x1024xf32, #tpu.memory_space<vmem>> -> memref<1x16x1024xf32, #tpu.memory_space<vmem>>
    %dma_wait3A_357 = tpu.memref_squeeze %dma_wait3A_356 : memref<1x16x1024xf32, #tpu.memory_space<vmem>> -> memref<16x1024xf32, #tpu.memory_space<vmem>>
    %dma_wait3A_358 = arith.constant 128 : i32
    %dma_wait3A_359 = tpu.memref_slice %arg5[%dma_wait3A_358] : memref<512xi32, #tpu.memory_space<vmem>> -> memref<16xi32, #tpu.memory_space<vmem>>
    %dma_wait3A_360 = arith.constant 0 : i32
    %dma_wait3A_361 = arith.constant 0 : i32
    %dma_wait3A_362 = tpu.memref_slice %arg2[%dma_wait3A_360, %dma_wait3A_361] : memref<8192x1024xf32, #tpu.memory_space<hbm>> -> memref<8192x1024xf32, #tpu.memory_space<hbm>>
    tpu.wait_indirect_dma semaphore(%arg9 : memref<!tpu.dma_semaphore, #tpu.memory_space<semaphore_mem>>) src(%dma_wait3A_362 : memref<8192x1024xf32, #tpu.memory_space<hbm>>) dst(%dma_wait3A_357 : memref<16x1024xf32, #tpu.memory_space<vmem>>)
    %add3A_363 = arith.constant 128 : i32
    %add3A_364 = arith.addi %mul3A_2, %add3A_363 : i32
    %dma_start3A_365 = arith.constant 2 : i32
    %dma_start3A_366 = arith.constant 0 : i32
    %dma_start3A_367 = arith.constant 0 : i32
    %dma_start3A_368 = tpu.memref_slice %arg6[%dma_start3A_365, %dma_start3A_366, %dma_start3A_367] : memref<6x16x1024xf32, #tpu.memory_space<vmem>> -> memref<1x16x1024xf32, #tpu.memory_space<vmem>>
    %dma_start3A_369 = tpu.memref_squeeze %dma_start3A_368 : memref<1x16x1024xf32, #tpu.memory_space<vmem>> -> memref<16x1024xf32, #tpu.memory_space<vmem>>
    %dma_start3A_370 = arith.constant 0 : i32
    %dma_start3A_371 = tpu.memref_slice %arg4[%add3A_364, %dma_start3A_370] : memref<16384x1024xf32, #tpu.memory_space<hbm>> -> memref<16x1024xf32, #tpu.memory_space<hbm>>
    %dma_start3A_372 = arith.constant 0 : i32
    %dma_start3A_373 = tpu.memref_slice %arg4[%add3A_364, %dma_start3A_372] : memref<16384x1024xf32, #tpu.memory_space<hbm>> -> memref<16x1024xf32, #tpu.memory_space<hbm>>
    %dma_start3A_374 = arith.constant 0 : i32
    %dma_start3A_375 = arith.constant 0 : i32
    %dma_start3A_376 = tpu.memref_slice %arg6[%dma_start3A_365, %dma_start3A_374, %dma_start3A_375] : memref<6x16x1024xf32, #tpu.memory_space<vmem>> -> memref<1x16x1024xf32, #tpu.memory_space<vmem>>
    %dma_start3A_377 = tpu.memref_squeeze %dma_start3A_376 : memref<1x16x1024xf32, #tpu.memory_space<vmem>> -> memref<16x1024xf32, #tpu.memory_space<vmem>>
    tpu.enqueue_dma source(%dma_start3A_377 : memref<16x1024xf32, #tpu.memory_space<vmem>>) target(%dma_start3A_373 : memref<16x1024xf32, #tpu.memory_space<hbm>>) target_semaphore(%arg15 : memref<!tpu.dma_semaphore, #tpu.memory_space<semaphore_mem>>)
    %dma_wait3A_378 = arith.constant 4 : i32
    %dma_wait3A_379 = arith.constant 0 : i32
    %dma_wait3A_380 = arith.constant 0 : i32
    %dma_wait3A_381 = tpu.memref_slice %arg6[%dma_wait3A_378, %dma_wait3A_379, %dma_wait3A_380] : memref<6x16x1024xf32, #tpu.memory_space<vmem>> -> memref<1x16x1024xf32, #tpu.memory_space<vmem>>
    %dma_wait3A_382 = tpu.memref_squeeze %dma_wait3A_381 : memref<1x16x1024xf32, #tpu.memory_space<vmem>> -> memref<16x1024xf32, #tpu.memory_space<vmem>>
    %dma_wait3A_383 = arith.constant 0 : i32
    %dma_wait3A_384 = tpu.memref_slice %arg4[%add3A_172, %dma_wait3A_383] : memref<16384x1024xf32, #tpu.memory_space<hbm>> -> memref<16x1024xf32, #tpu.memory_space<hbm>>
    %dma_wait3A_385 = arith.constant 0 : i32
    %dma_wait3A_386 = tpu.memref_slice %arg4[%add3A_172, %dma_wait3A_385] : memref<16384x1024xf32, #tpu.memory_space<hbm>> -> memref<16x1024xf32, #tpu.memory_space<hbm>>
    %dma_wait3A_387 = arith.constant 0 : i32
    %dma_wait3A_388 = arith.constant 0 : i32
    %dma_wait3A_389 = tpu.memref_slice %arg6[%dma_wait3A_378, %dma_wait3A_387, %dma_wait3A_388] : memref<6x16x1024xf32, #tpu.memory_space<vmem>> -> memref<1x16x1024xf32, #tpu.memory_space<vmem>>
    %dma_wait3A_390 = tpu.memref_squeeze %dma_wait3A_389 : memref<1x16x1024xf32, #tpu.memory_space<vmem>> -> memref<16x1024xf32, #tpu.memory_space<vmem>>
    tpu.wait_dma2 semaphore(%arg17 : memref<!tpu.dma_semaphore, #tpu.memory_space<semaphore_mem>>) src(%dma_wait3A_390 : memref<16x1024xf32, #tpu.memory_space<vmem>>) dst(%dma_wait3A_386 : memref<16x1024xf32, #tpu.memory_space<hbm>>)
    %dma_start3A_391 = arith.constant 4 : i32
    %dma_start3A_392 = arith.constant 0 : i32
    %dma_start3A_393 = arith.constant 0 : i32
    %dma_start3A_394 = tpu.memref_slice %arg6[%dma_start3A_391, %dma_start3A_392, %dma_start3A_393] : memref<6x16x1024xf32, #tpu.memory_space<vmem>> -> memref<1x16x1024xf32, #tpu.memory_space<vmem>>
    %dma_start3A_395 = tpu.memref_squeeze %dma_start3A_394 : memref<1x16x1024xf32, #tpu.memory_space<vmem>> -> memref<16x1024xf32, #tpu.memory_space<vmem>>
    %dma_start3A_396 = arith.constant 160 : i32
    %dma_start3A_397 = tpu.memref_slice %arg5[%dma_start3A_396] : memref<512xi32, #tpu.memory_space<vmem>> -> memref<16xi32, #tpu.memory_space<vmem>>
    %dma_start3A_398 = arith.constant 0 : i32
    %dma_start3A_399 = arith.constant 0 : i32
    %dma_start3A_400 = tpu.memref_slice %arg2[%dma_start3A_398, %dma_start3A_399] : memref<8192x1024xf32, #tpu.memory_space<hbm>> -> memref<8192x1024xf32, #tpu.memory_space<hbm>>
    tpu.enqueue_indirect_dma source(%dma_start3A_400 : memref<8192x1024xf32, #tpu.memory_space<hbm>>) target(%dma_start3A_395 : memref<16x1024xf32, #tpu.memory_space<vmem>>) offsets(%dma_start3A_397 : memref<16xi32, #tpu.memory_space<vmem>>) semaphore(%arg11 : memref<!tpu.dma_semaphore, #tpu.memory_space<semaphore_mem>>)
    %dma_wait3A_401 = arith.constant 3 : i32
    %dma_wait3A_402 = arith.constant 0 : i32
    %dma_wait3A_403 = arith.constant 0 : i32
    %dma_wait3A_404 = tpu.memref_slice %arg6[%dma_wait3A_401, %dma_wait3A_402, %dma_wait3A_403] : memref<6x16x1024xf32, #tpu.memory_space<vmem>> -> memref<1x16x1024xf32, #tpu.memory_space<vmem>>
    %dma_wait3A_405 = tpu.memref_squeeze %dma_wait3A_404 : memref<1x16x1024xf32, #tpu.memory_space<vmem>> -> memref<16x1024xf32, #tpu.memory_space<vmem>>
    %dma_wait3A_406 = arith.constant 144 : i32
    %dma_wait3A_407 = tpu.memref_slice %arg5[%dma_wait3A_406] : memref<512xi32, #tpu.memory_space<vmem>> -> memref<16xi32, #tpu.memory_space<vmem>>
    %dma_wait3A_408 = arith.constant 0 : i32
    %dma_wait3A_409 = arith.constant 0 : i32
    %dma_wait3A_410 = tpu.memref_slice %arg2[%dma_wait3A_408, %dma_wait3A_409] : memref<8192x1024xf32, #tpu.memory_space<hbm>> -> memref<8192x1024xf32, #tpu.memory_space<hbm>>
    tpu.wait_indirect_dma semaphore(%arg10 : memref<!tpu.dma_semaphore, #tpu.memory_space<semaphore_mem>>) src(%dma_wait3A_410 : memref<8192x1024xf32, #tpu.memory_space<hbm>>) dst(%dma_wait3A_405 : memref<16x1024xf32, #tpu.memory_space<vmem>>)
    %add3A_411 = arith.constant 144 : i32
    %add3A_412 = arith.addi %mul3A_2, %add3A_411 : i32
    %dma_start3A_413 = arith.constant 3 : i32
    %dma_start3A_414 = arith.constant 0 : i32
    %dma_start3A_415 = arith.constant 0 : i32
    %dma_start3A_416 = tpu.memref_slice %arg6[%dma_start3A_413, %dma_start3A_414, %dma_start3A_415] : memref<6x16x1024xf32, #tpu.memory_space<vmem>> -> memref<1x16x1024xf32, #tpu.memory_space<vmem>>
    %dma_start3A_417 = tpu.memref_squeeze %dma_start3A_416 : memref<1x16x1024xf32, #tpu.memory_space<vmem>> -> memref<16x1024xf32, #tpu.memory_space<vmem>>
    %dma_start3A_418 = arith.constant 0 : i32
    %dma_start3A_419 = tpu.memref_slice %arg4[%add3A_412, %dma_start3A_418] : memref<16384x1024xf32, #tpu.memory_space<hbm>> -> memref<16x1024xf32, #tpu.memory_space<hbm>>
    %dma_start3A_420 = arith.constant 0 : i32
    %dma_start3A_421 = tpu.memref_slice %arg4[%add3A_412, %dma_start3A_420] : memref<16384x1024xf32, #tpu.memory_space<hbm>> -> memref<16x1024xf32, #tpu.memory_space<hbm>>
    %dma_start3A_422 = arith.constant 0 : i32
    %dma_start3A_423 = arith.constant 0 : i32
    %dma_start3A_424 = tpu.memref_slice %arg6[%dma_start3A_413, %dma_start3A_422, %dma_start3A_423] : memref<6x16x1024xf32, #tpu.memory_space<vmem>> -> memref<1x16x1024xf32, #tpu.memory_space<vmem>>
    %dma_start3A_425 = tpu.memref_squeeze %dma_start3A_424 : memref<1x16x1024xf32, #tpu.memory_space<vmem>> -> memref<16x1024xf32, #tpu.memory_space<vmem>>
    tpu.enqueue_dma source(%dma_start3A_425 : memref<16x1024xf32, #tpu.memory_space<vmem>>) target(%dma_start3A_421 : memref<16x1024xf32, #tpu.memory_space<hbm>>) target_semaphore(%arg16 : memref<!tpu.dma_semaphore, #tpu.memory_space<semaphore_mem>>)
    %dma_wait3A_426 = arith.constant 5 : i32
    %dma_wait3A_427 = arith.constant 0 : i32
    %dma_wait3A_428 = arith.constant 0 : i32
    %dma_wait3A_429 = tpu.memref_slice %arg6[%dma_wait3A_426, %dma_wait3A_427, %dma_wait3A_428] : memref<6x16x1024xf32, #tpu.memory_space<vmem>> -> memref<1x16x1024xf32, #tpu.memory_space<vmem>>
    %dma_wait3A_430 = tpu.memref_squeeze %dma_wait3A_429 : memref<1x16x1024xf32, #tpu.memory_space<vmem>> -> memref<16x1024xf32, #tpu.memory_space<vmem>>
    %dma_wait3A_431 = arith.constant 0 : i32
    %dma_wait3A_432 = tpu.memref_slice %arg4[%add3A_220, %dma_wait3A_431] : memref<16384x1024xf32, #tpu.memory_space<hbm>> -> memref<16x1024xf32, #tpu.memory_space<hbm>>
    %dma_wait3A_433 = arith.constant 0 : i32
    %dma_wait3A_434 = tpu.memref_slice %arg4[%add3A_220, %dma_wait3A_433] : memref<16384x1024xf32, #tpu.memory_space<hbm>> -> memref<16x1024xf32, #tpu.memory_space<hbm>>
    %dma_wait3A_435 = arith.constant 0 : i32
    %dma_wait3A_436 = arith.constant 0 : i32
    %dma_wait3A_437 = tpu.memref_slice %arg6[%dma_wait3A_426, %dma_wait3A_435, %dma_wait3A_436] : memref<6x16x1024xf32, #tpu.memory_space<vmem>> -> memref<1x16x1024xf32, #tpu.memory_space<vmem>>
    %dma_wait3A_438 = tpu.memref_squeeze %dma_wait3A_437 : memref<1x16x1024xf32, #tpu.memory_space<vmem>> -> memref<16x1024xf32, #tpu.memory_space<vmem>>
    tpu.wait_dma2 semaphore(%arg18 : memref<!tpu.dma_semaphore, #tpu.memory_space<semaphore_mem>>) src(%dma_wait3A_438 : memref<16x1024xf32, #tpu.memory_space<vmem>>) dst(%dma_wait3A_434 : memref<16x1024xf32, #tpu.memory_space<hbm>>)
    %dma_start3A_439 = arith.constant 5 : i32
    %dma_start3A_440 = arith.constant 0 : i32
    %dma_start3A_441 = arith.constant 0 : i32
    %dma_start3A_442 = tpu.memref_slice %arg6[%dma_start3A_439, %dma_start3A_440, %dma_start3A_441] : memref<6x16x1024xf32, #tpu.memory_space<vmem>> -> memref<1x16x1024xf32, #tpu.memory_space<vmem>>
    %dma_start3A_443 = tpu.memref_squeeze %dma_start3A_442 : memref<1x16x1024xf32, #tpu.memory_space<vmem>> -> memref<16x1024xf32, #tpu.memory_space<vmem>>
    %dma_start3A_444 = arith.constant 176 : i32
    %dma_start3A_445 = tpu.memref_slice %arg5[%dma_start3A_444] : memref<512xi32, #tpu.memory_space<vmem>> -> memref<16xi32, #tpu.memory_space<vmem>>
    %dma_start3A_446 = arith.constant 0 : i32
    %dma_start3A_447 = arith.constant 0 : i32
    %dma_start3A_448 = tpu.memref_slice %arg2[%dma_start3A_446, %dma_start3A_447] : memref<8192x1024xf32, #tpu.memory_space<hbm>> -> memref<8192x1024xf32, #tpu.memory_space<hbm>>
    tpu.enqueue_indirect_dma source(%dma_start3A_448 : memref<8192x1024xf32, #tpu.memory_space<hbm>>) target(%dma_start3A_443 : memref<16x1024xf32, #tpu.memory_space<vmem>>) offsets(%dma_start3A_445 : memref<16xi32, #tpu.memory_space<vmem>>) semaphore(%arg12 : memref<!tpu.dma_semaphore, #tpu.memory_space<semaphore_mem>>)
    %dma_wait3A_449 = arith.constant 4 : i32
    %dma_wait3A_450 = arith.constant 0 : i32
    %dma_wait3A_451 = arith.constant 0 : i32
    %dma_wait3A_452 = tpu.memref_slice %arg6[%dma_wait3A_449, %dma_wait3A_450, %dma_wait3A_451] : memref<6x16x1024xf32, #tpu.memory_space<vmem>> -> memref<1x16x1024xf32, #tpu.memory_space<vmem>>
    %dma_wait3A_453 = tpu.memref_squeeze %dma_wait3A_452 : memref<1x16x1024xf32, #tpu.memory_space<vmem>> -> memref<16x1024xf32, #tpu.memory_space<vmem>>
    %dma_wait3A_454 = arith.constant 160 : i32
    %dma_wait3A_455 = tpu.memref_slice %arg5[%dma_wait3A_454] : memref<512xi32, #tpu.memory_space<vmem>> -> memref<16xi32, #tpu.memory_space<vmem>>
    %dma_wait3A_456 = arith.constant 0 : i32
    %dma_wait3A_457 = arith.constant 0 : i32
    %dma_wait3A_458 = tpu.memref_slice %arg2[%dma_wait3A_456, %dma_wait3A_457] : memref<8192x1024xf32, #tpu.memory_space<hbm>> -> memref<8192x1024xf32, #tpu.memory_space<hbm>>
    tpu.wait_indirect_dma semaphore(%arg11 : memref<!tpu.dma_semaphore, #tpu.memory_space<semaphore_mem>>) src(%dma_wait3A_458 : memref<8192x1024xf32, #tpu.memory_space<hbm>>) dst(%dma_wait3A_453 : memref<16x1024xf32, #tpu.memory_space<vmem>>)
    %add3A_459 = arith.constant 160 : i32
    %add3A_460 = arith.addi %mul3A_2, %add3A_459 : i32
    %dma_start3A_461 = arith.constant 4 : i32
    %dma_start3A_462 = arith.constant 0 : i32
    %dma_start3A_463 = arith.constant 0 : i32
    %dma_start3A_464 = tpu.memref_slice %arg6[%dma_start3A_461, %dma_start3A_462, %dma_start3A_463] : memref<6x16x1024xf32, #tpu.memory_space<vmem>> -> memref<1x16x1024xf32, #tpu.memory_space<vmem>>
    %dma_start3A_465 = tpu.memref_squeeze %dma_start3A_464 : memref<1x16x1024xf32, #tpu.memory_space<vmem>> -> memref<16x1024xf32, #tpu.memory_space<vmem>>
    %dma_start3A_466 = arith.constant 0 : i32
    %dma_start3A_467 = tpu.memref_slice %arg4[%add3A_460, %dma_start3A_466] : memref<16384x1024xf32, #tpu.memory_space<hbm>> -> memref<16x1024xf32, #tpu.memory_space<hbm>>
    %dma_start3A_468 = arith.constant 0 : i32
    %dma_start3A_469 = tpu.memref_slice %arg4[%add3A_460, %dma_start3A_468] : memref<16384x1024xf32, #tpu.memory_space<hbm>> -> memref<16x1024xf32, #tpu.memory_space<hbm>>
    %dma_start3A_470 = arith.constant 0 : i32
    %dma_start3A_471 = arith.constant 0 : i32
    %dma_start3A_472 = tpu.memref_slice %arg6[%dma_start3A_461, %dma_start3A_470, %dma_start3A_471] : memref<6x16x1024xf32, #tpu.memory_space<vmem>> -> memref<1x16x1024xf32, #tpu.memory_space<vmem>>
    %dma_start3A_473 = tpu.memref_squeeze %dma_start3A_472 : memref<1x16x1024xf32, #tpu.memory_space<vmem>> -> memref<16x1024xf32, #tpu.memory_space<vmem>>
    tpu.enqueue_dma source(%dma_start3A_473 : memref<16x1024xf32, #tpu.memory_space<vmem>>) target(%dma_start3A_469 : memref<16x1024xf32, #tpu.memory_space<hbm>>) target_semaphore(%arg17 : memref<!tpu.dma_semaphore, #tpu.memory_space<semaphore_mem>>)
    %dma_wait3A_474 = arith.constant 0 : i32
    %dma_wait3A_475 = arith.constant 0 : i32
    %dma_wait3A_476 = arith.constant 0 : i32
    %dma_wait3A_477 = tpu.memref_slice %arg6[%dma_wait3A_474, %dma_wait3A_475, %dma_wait3A_476] : memref<6x16x1024xf32, #tpu.memory_space<vmem>> -> memref<1x16x1024xf32, #tpu.memory_space<vmem>>
    %dma_wait3A_478 = tpu.memref_squeeze %dma_wait3A_477 : memref<1x16x1024xf32, #tpu.memory_space<vmem>> -> memref<16x1024xf32, #tpu.memory_space<vmem>>
    %dma_wait3A_479 = arith.constant 0 : i32
    %dma_wait3A_480 = tpu.memref_slice %arg4[%add3A_268, %dma_wait3A_479] : memref<16384x1024xf32, #tpu.memory_space<hbm>> -> memref<16x1024xf32, #tpu.memory_space<hbm>>
    %dma_wait3A_481 = arith.constant 0 : i32
    %dma_wait3A_482 = tpu.memref_slice %arg4[%add3A_268, %dma_wait3A_481] : memref<16384x1024xf32, #tpu.memory_space<hbm>> -> memref<16x1024xf32, #tpu.memory_space<hbm>>
    %dma_wait3A_483 = arith.constant 0 : i32
    %dma_wait3A_484 = arith.constant 0 : i32
    %dma_wait3A_485 = tpu.memref_slice %arg6[%dma_wait3A_474, %dma_wait3A_483, %dma_wait3A_484] : memref<6x16x1024xf32, #tpu.memory_space<vmem>> -> memref<1x16x1024xf32, #tpu.memory_space<vmem>>
    %dma_wait3A_486 = tpu.memref_squeeze %dma_wait3A_485 : memref<1x16x1024xf32, #tpu.memory_space<vmem>> -> memref<16x1024xf32, #tpu.memory_space<vmem>>
    tpu.wait_dma2 semaphore(%arg13 : memref<!tpu.dma_semaphore, #tpu.memory_space<semaphore_mem>>) src(%dma_wait3A_486 : memref<16x1024xf32, #tpu.memory_space<vmem>>) dst(%dma_wait3A_482 : memref<16x1024xf32, #tpu.memory_space<hbm>>)
    %dma_start3A_487 = arith.constant 0 : i32
    %dma_start3A_488 = arith.constant 0 : i32
    %dma_start3A_489 = arith.constant 0 : i32
    %dma_start3A_490 = tpu.memref_slice %arg6[%dma_start3A_487, %dma_start3A_488, %dma_start3A_489] : memref<6x16x1024xf32, #tpu.memory_space<vmem>> -> memref<1x16x1024xf32, #tpu.memory_space<vmem>>
    %dma_start3A_491 = tpu.memref_squeeze %dma_start3A_490 : memref<1x16x1024xf32, #tpu.memory_space<vmem>> -> memref<16x1024xf32, #tpu.memory_space<vmem>>
    %dma_start3A_492 = arith.constant 192 : i32
    %dma_start3A_493 = tpu.memref_slice %arg5[%dma_start3A_492] : memref<512xi32, #tpu.memory_space<vmem>> -> memref<16xi32, #tpu.memory_space<vmem>>
    %dma_start3A_494 = arith.constant 0 : i32
    %dma_start3A_495 = arith.constant 0 : i32
    %dma_start3A_496 = tpu.memref_slice %arg2[%dma_start3A_494, %dma_start3A_495] : memref<8192x1024xf32, #tpu.memory_space<hbm>> -> memref<8192x1024xf32, #tpu.memory_space<hbm>>
    tpu.enqueue_indirect_dma source(%dma_start3A_496 : memref<8192x1024xf32, #tpu.memory_space<hbm>>) target(%dma_start3A_491 : memref<16x1024xf32, #tpu.memory_space<vmem>>) offsets(%dma_start3A_493 : memref<16xi32, #tpu.memory_space<vmem>>) semaphore(%arg7 : memref<!tpu.dma_semaphore, #tpu.memory_space<semaphore_mem>>)
    %dma_wait3A_497 = arith.constant 5 : i32
    %dma_wait3A_498 = arith.constant 0 : i32
    %dma_wait3A_499 = arith.constant 0 : i32
    %dma_wait3A_500 = tpu.memref_slice %arg6[%dma_wait3A_497, %dma_wait3A_498, %dma_wait3A_499] : memref<6x16x1024xf32, #tpu.memory_space<vmem>> -> memref<1x16x1024xf32, #tpu.memory_space<vmem>>
    %dma_wait3A_501 = tpu.memref_squeeze %dma_wait3A_500 : memref<1x16x1024xf32, #tpu.memory_space<vmem>> -> memref<16x1024xf32, #tpu.memory_space<vmem>>
    %dma_wait3A_502 = arith.constant 176 : i32
    %dma_wait3A_503 = tpu.memref_slice %arg5[%dma_wait3A_502] : memref<512xi32, #tpu.memory_space<vmem>> -> memref<16xi32, #tpu.memory_space<vmem>>
    %dma_wait3A_504 = arith.constant 0 : i32
    %dma_wait3A_505 = arith.constant 0 : i32
    %dma_wait3A_506 = tpu.memref_slice %arg2[%dma_wait3A_504, %dma_wait3A_505] : memref<8192x1024xf32, #tpu.memory_space<hbm>> -> memref<8192x1024xf32, #tpu.memory_space<hbm>>
    tpu.wait_indirect_dma semaphore(%arg12 : memref<!tpu.dma_semaphore, #tpu.memory_space<semaphore_mem>>) src(%dma_wait3A_506 : memref<8192x1024xf32, #tpu.memory_space<hbm>>) dst(%dma_wait3A_501 : memref<16x1024xf32, #tpu.memory_space<vmem>>)
    %add3A_507 = arith.constant 176 : i32
    %add3A_508 = arith.addi %mul3A_2, %add3A_507 : i32
    %dma_start3A_509 = arith.constant 5 : i32
    %dma_start3A_510 = arith.constant 0 : i32
    %dma_start3A_511 = arith.constant 0 : i32
    %dma_start3A_512 = tpu.memref_slice %arg6[%dma_start3A_509, %dma_start3A_510, %dma_start3A_511] : memref<6x16x1024xf32, #tpu.memory_space<vmem>> -> memref<1x16x1024xf32, #tpu.memory_space<vmem>>
    %dma_start3A_513 = tpu.memref_squeeze %dma_start3A_512 : memref<1x16x1024xf32, #tpu.memory_space<vmem>> -> memref<16x1024xf32, #tpu.memory_space<vmem>>
    %dma_start3A_514 = arith.constant 0 : i32
    %dma_start3A_515 = tpu.memref_slice %arg4[%add3A_508, %dma_start3A_514] : memref<16384x1024xf32, #tpu.memory_space<hbm>> -> memref<16x1024xf32, #tpu.memory_space<hbm>>
    %dma_start3A_516 = arith.constant 0 : i32
    %dma_start3A_517 = tpu.memref_slice %arg4[%add3A_508, %dma_start3A_516] : memref<16384x1024xf32, #tpu.memory_space<hbm>> -> memref<16x1024xf32, #tpu.memory_space<hbm>>
    %dma_start3A_518 = arith.constant 0 : i32
    %dma_start3A_519 = arith.constant 0 : i32
    %dma_start3A_520 = tpu.memref_slice %arg6[%dma_start3A_509, %dma_start3A_518, %dma_start3A_519] : memref<6x16x1024xf32, #tpu.memory_space<vmem>> -> memref<1x16x1024xf32, #tpu.memory_space<vmem>>
    %dma_start3A_521 = tpu.memref_squeeze %dma_start3A_520 : memref<1x16x1024xf32, #tpu.memory_space<vmem>> -> memref<16x1024xf32, #tpu.memory_space<vmem>>
    tpu.enqueue_dma source(%dma_start3A_521 : memref<16x1024xf32, #tpu.memory_space<vmem>>) target(%dma_start3A_517 : memref<16x1024xf32, #tpu.memory_space<hbm>>) target_semaphore(%arg18 : memref<!tpu.dma_semaphore, #tpu.memory_space<semaphore_mem>>)
    %dma_wait3A_522 = arith.constant 1 : i32
    %dma_wait3A_523 = arith.constant 0 : i32
    %dma_wait3A_524 = arith.constant 0 : i32
    %dma_wait3A_525 = tpu.memref_slice %arg6[%dma_wait3A_522, %dma_wait3A_523, %dma_wait3A_524] : memref<6x16x1024xf32, #tpu.memory_space<vmem>> -> memref<1x16x1024xf32, #tpu.memory_space<vmem>>
    %dma_wait3A_526 = tpu.memref_squeeze %dma_wait3A_525 : memref<1x16x1024xf32, #tpu.memory_space<vmem>> -> memref<16x1024xf32, #tpu.memory_space<vmem>>
    %dma_wait3A_527 = arith.constant 0 : i32
    %dma_wait3A_528 = tpu.memref_slice %arg4[%add3A_316, %dma_wait3A_527] : memref<16384x1024xf32, #tpu.memory_space<hbm>> -> memref<16x1024xf32, #tpu.memory_space<hbm>>
    %dma_wait3A_529 = arith.constant 0 : i32
    %dma_wait3A_530 = tpu.memref_slice %arg4[%add3A_316, %dma_wait3A_529] : memref<16384x1024xf32, #tpu.memory_space<hbm>> -> memref<16x1024xf32, #tpu.memory_space<hbm>>
    %dma_wait3A_531 = arith.constant 0 : i32
    %dma_wait3A_532 = arith.constant 0 : i32
    %dma_wait3A_533 = tpu.memref_slice %arg6[%dma_wait3A_522, %dma_wait3A_531, %dma_wait3A_532] : memref<6x16x1024xf32, #tpu.memory_space<vmem>> -> memref<1x16x1024xf32, #tpu.memory_space<vmem>>
    %dma_wait3A_534 = tpu.memref_squeeze %dma_wait3A_533 : memref<1x16x1024xf32, #tpu.memory_space<vmem>> -> memref<16x1024xf32, #tpu.memory_space<vmem>>
    tpu.wait_dma2 semaphore(%arg14 : memref<!tpu.dma_semaphore, #tpu.memory_space<semaphore_mem>>) src(%dma_wait3A_534 : memref<16x1024xf32, #tpu.memory_space<vmem>>) dst(%dma_wait3A_530 : memref<16x1024xf32, #tpu.memory_space<hbm>>)
    %dma_start3A_535 = arith.constant 1 : i32
    %dma_start3A_536 = arith.constant 0 : i32
    %dma_start3A_537 = arith.constant 0 : i32
    %dma_start3A_538 = tpu.memref_slice %arg6[%dma_start3A_535, %dma_start3A_536, %dma_start3A_537] : memref<6x16x1024xf32, #tpu.memory_space<vmem>> -> memref<1x16x1024xf32, #tpu.memory_space<vmem>>
    %dma_start3A_539 = tpu.memref_squeeze %dma_start3A_538 : memref<1x16x1024xf32, #tpu.memory_space<vmem>> -> memref<16x1024xf32, #tpu.memory_space<vmem>>
    %dma_start3A_540 = arith.constant 208 : i32
    %dma_start3A_541 = tpu.memref_slice %arg5[%dma_start3A_540] : memref<512xi32, #tpu.memory_space<vmem>> -> memref<16xi32, #tpu.memory_space<vmem>>
    %dma_start3A_542 = arith.constant 0 : i32
    %dma_start3A_543 = arith.constant 0 : i32
    %dma_start3A_544 = tpu.memref_slice %arg2[%dma_start3A_542, %dma_start3A_543] : memref<8192x1024xf32, #tpu.memory_space<hbm>> -> memref<8192x1024xf32, #tpu.memory_space<hbm>>
    tpu.enqueue_indirect_dma source(%dma_start3A_544 : memref<8192x1024xf32, #tpu.memory_space<hbm>>) target(%dma_start3A_539 : memref<16x1024xf32, #tpu.memory_space<vmem>>) offsets(%dma_start3A_541 : memref<16xi32, #tpu.memory_space<vmem>>) semaphore(%arg8 : memref<!tpu.dma_semaphore, #tpu.memory_space<semaphore_mem>>)
    %dma_wait3A_545 = arith.constant 0 : i32
    %dma_wait3A_546 = arith.constant 0 : i32
    %dma_wait3A_547 = arith.constant 0 : i32
    %dma_wait3A_548 = tpu.memref_slice %arg6[%dma_wait3A_545, %dma_wait3A_546, %dma_wait3A_547] : memref<6x16x1024xf32, #tpu.memory_space<vmem>> -> memref<1x16x1024xf32, #tpu.memory_space<vmem>>
    %dma_wait3A_549 = tpu.memref_squeeze %dma_wait3A_548 : memref<1x16x1024xf32, #tpu.memory_space<vmem>> -> memref<16x1024xf32, #tpu.memory_space<vmem>>
    %dma_wait3A_550 = arith.constant 192 : i32
    %dma_wait3A_551 = tpu.memref_slice %arg5[%dma_wait3A_550] : memref<512xi32, #tpu.memory_space<vmem>> -> memref<16xi32, #tpu.memory_space<vmem>>
    %dma_wait3A_552 = arith.constant 0 : i32
    %dma_wait3A_553 = arith.constant 0 : i32
    %dma_wait3A_554 = tpu.memref_slice %arg2[%dma_wait3A_552, %dma_wait3A_553] : memref<8192x1024xf32, #tpu.memory_space<hbm>> -> memref<8192x1024xf32, #tpu.memory_space<hbm>>
    tpu.wait_indirect_dma semaphore(%arg7 : memref<!tpu.dma_semaphore, #tpu.memory_space<semaphore_mem>>) src(%dma_wait3A_554 : memref<8192x1024xf32, #tpu.memory_space<hbm>>) dst(%dma_wait3A_549 : memref<16x1024xf32, #tpu.memory_space<vmem>>)
    %add3A_555 = arith.constant 192 : i32
    %add3A_556 = arith.addi %mul3A_2, %add3A_555 : i32
    %dma_start3A_557 = arith.constant 0 : i32
    %dma_start3A_558 = arith.constant 0 : i32
    %dma_start3A_559 = arith.constant 0 : i32
    %dma_start3A_560 = tpu.memref_slice %arg6[%dma_start3A_557, %dma_start3A_558, %dma_start3A_559] : memref<6x16x1024xf32, #tpu.memory_space<vmem>> -> memref<1x16x1024xf32, #tpu.memory_space<vmem>>
    %dma_start3A_561 = tpu.memref_squeeze %dma_start3A_560 : memref<1x16x1024xf32, #tpu.memory_space<vmem>> -> memref<16x1024xf32, #tpu.memory_space<vmem>>
    %dma_start3A_562 = arith.constant 0 : i32
    %dma_start3A_563 = tpu.memref_slice %arg4[%add3A_556, %dma_start3A_562] : memref<16384x1024xf32, #tpu.memory_space<hbm>> -> memref<16x1024xf32, #tpu.memory_space<hbm>>
    %dma_start3A_564 = arith.constant 0 : i32
    %dma_start3A_565 = tpu.memref_slice %arg4[%add3A_556, %dma_start3A_564] : memref<16384x1024xf32, #tpu.memory_space<hbm>> -> memref<16x1024xf32, #tpu.memory_space<hbm>>
    %dma_start3A_566 = arith.constant 0 : i32
    %dma_start3A_567 = arith.constant 0 : i32
    %dma_start3A_568 = tpu.memref_slice %arg6[%dma_start3A_557, %dma_start3A_566, %dma_start3A_567] : memref<6x16x1024xf32, #tpu.memory_space<vmem>> -> memref<1x16x1024xf32, #tpu.memory_space<vmem>>
    %dma_start3A_569 = tpu.memref_squeeze %dma_start3A_568 : memref<1x16x1024xf32, #tpu.memory_space<vmem>> -> memref<16x1024xf32, #tpu.memory_space<vmem>>
    tpu.enqueue_dma source(%dma_start3A_569 : memref<16x1024xf32, #tpu.memory_space<vmem>>) target(%dma_start3A_565 : memref<16x1024xf32, #tpu.memory_space<hbm>>) target_semaphore(%arg13 : memref<!tpu.dma_semaphore, #tpu.memory_space<semaphore_mem>>)
    %dma_wait3A_570 = arith.constant 2 : i32
    %dma_wait3A_571 = arith.constant 0 : i32
    %dma_wait3A_572 = arith.constant 0 : i32
    %dma_wait3A_573 = tpu.memref_slice %arg6[%dma_wait3A_570, %dma_wait3A_571, %dma_wait3A_572] : memref<6x16x1024xf32, #tpu.memory_space<vmem>> -> memref<1x16x1024xf32, #tpu.memory_space<vmem>>
    %dma_wait3A_574 = tpu.memref_squeeze %dma_wait3A_573 : memref<1x16x1024xf32, #tpu.memory_space<vmem>> -> memref<16x1024xf32, #tpu.memory_space<vmem>>
    %dma_wait3A_575 = arith.constant 0 : i32
    %dma_wait3A_576 = tpu.memref_slice %arg4[%add3A_364, %dma_wait3A_575] : memref<16384x1024xf32, #tpu.memory_space<hbm>> -> memref<16x1024xf32, #tpu.memory_space<hbm>>
    %dma_wait3A_577 = arith.constant 0 : i32
    %dma_wait3A_578 = tpu.memref_slice %arg4[%add3A_364, %dma_wait3A_577] : memref<16384x1024xf32, #tpu.memory_space<hbm>> -> memref<16x1024xf32, #tpu.memory_space<hbm>>
    %dma_wait3A_579 = arith.constant 0 : i32
    %dma_wait3A_580 = arith.constant 0 : i32
    %dma_wait3A_581 = tpu.memref_slice %arg6[%dma_wait3A_570, %dma_wait3A_579, %dma_wait3A_580] : memref<6x16x1024xf32, #tpu.memory_space<vmem>> -> memref<1x16x1024xf32, #tpu.memory_space<vmem>>
    %dma_wait3A_582 = tpu.memref_squeeze %dma_wait3A_581 : memref<1x16x1024xf32, #tpu.memory_space<vmem>> -> memref<16x1024xf32, #tpu.memory_space<vmem>>
    tpu.wait_dma2 semaphore(%arg15 : memref<!tpu.dma_semaphore, #tpu.memory_space<semaphore_mem>>) src(%dma_wait3A_582 : memref<16x1024xf32, #tpu.memory_space<vmem>>) dst(%dma_wait3A_578 : memref<16x1024xf32, #tpu.memory_space<hbm>>)
    %dma_start3A_583 = arith.constant 2 : i32
    %dma_start3A_584 = arith.constant 0 : i32
    %dma_start3A_585 = arith.constant 0 : i32
    %dma_start3A_586 = tpu.memref_slice %arg6[%dma_start3A_583, %dma_start3A_584, %dma_start3A_585] : memref<6x16x1024xf32, #tpu.memory_space<vmem>> -> memref<1x16x1024xf32, #tpu.memory_space<vmem>>
    %dma_start3A_587 = tpu.memref_squeeze %dma_start3A_586 : memref<1x16x1024xf32, #tpu.memory_space<vmem>> -> memref<16x1024xf32, #tpu.memory_space<vmem>>
    %dma_start3A_588 = arith.constant 224 : i32
    %dma_start3A_589 = tpu.memref_slice %arg5[%dma_start3A_588] : memref<512xi32, #tpu.memory_space<vmem>> -> memref<16xi32, #tpu.memory_space<vmem>>
    %dma_start3A_590 = arith.constant 0 : i32
    %dma_start3A_591 = arith.constant 0 : i32
    %dma_start3A_592 = tpu.memref_slice %arg2[%dma_start3A_590, %dma_start3A_591] : memref<8192x1024xf32, #tpu.memory_space<hbm>> -> memref<8192x1024xf32, #tpu.memory_space<hbm>>
    tpu.enqueue_indirect_dma source(%dma_start3A_592 : memref<8192x1024xf32, #tpu.memory_space<hbm>>) target(%dma_start3A_587 : memref<16x1024xf32, #tpu.memory_space<vmem>>) offsets(%dma_start3A_589 : memref<16xi32, #tpu.memory_space<vmem>>) semaphore(%arg9 : memref<!tpu.dma_semaphore, #tpu.memory_space<semaphore_mem>>)
    %dma_wait3A_593 = arith.constant 1 : i32
    %dma_wait3A_594 = arith.constant 0 : i32
    %dma_wait3A_595 = arith.constant 0 : i32
    %dma_wait3A_596 = tpu.memref_slice %arg6[%dma_wait3A_593, %dma_wait3A_594, %dma_wait3A_595] : memref<6x16x1024xf32, #tpu.memory_space<vmem>> -> memref<1x16x1024xf32, #tpu.memory_space<vmem>>
    %dma_wait3A_597 = tpu.memref_squeeze %dma_wait3A_596 : memref<1x16x1024xf32, #tpu.memory_space<vmem>> -> memref<16x1024xf32, #tpu.memory_space<vmem>>
    %dma_wait3A_598 = arith.constant 208 : i32
    %dma_wait3A_599 = tpu.memref_slice %arg5[%dma_wait3A_598] : memref<512xi32, #tpu.memory_space<vmem>> -> memref<16xi32, #tpu.memory_space<vmem>>
    %dma_wait3A_600 = arith.constant 0 : i32
    %dma_wait3A_601 = arith.constant 0 : i32
    %dma_wait3A_602 = tpu.memref_slice %arg2[%dma_wait3A_600, %dma_wait3A_601] : memref<8192x1024xf32, #tpu.memory_space<hbm>> -> memref<8192x1024xf32, #tpu.memory_space<hbm>>
    tpu.wait_indirect_dma semaphore(%arg8 : memref<!tpu.dma_semaphore, #tpu.memory_space<semaphore_mem>>) src(%dma_wait3A_602 : memref<8192x1024xf32, #tpu.memory_space<hbm>>) dst(%dma_wait3A_597 : memref<16x1024xf32, #tpu.memory_space<vmem>>)
    %add3A_603 = arith.constant 208 : i32
    %add3A_604 = arith.addi %mul3A_2, %add3A_603 : i32
    %dma_start3A_605 = arith.constant 1 : i32
    %dma_start3A_606 = arith.constant 0 : i32
    %dma_start3A_607 = arith.constant 0 : i32
    %dma_start3A_608 = tpu.memref_slice %arg6[%dma_start3A_605, %dma_start3A_606, %dma_start3A_607] : memref<6x16x1024xf32, #tpu.memory_space<vmem>> -> memref<1x16x1024xf32, #tpu.memory_space<vmem>>
    %dma_start3A_609 = tpu.memref_squeeze %dma_start3A_608 : memref<1x16x1024xf32, #tpu.memory_space<vmem>> -> memref<16x1024xf32, #tpu.memory_space<vmem>>
    %dma_start3A_610 = arith.constant 0 : i32
    %dma_start3A_611 = tpu.memref_slice %arg4[%add3A_604, %dma_start3A_610] : memref<16384x1024xf32, #tpu.memory_space<hbm>> -> memref<16x1024xf32, #tpu.memory_space<hbm>>
    %dma_start3A_612 = arith.constant 0 : i32
    %dma_start3A_613 = tpu.memref_slice %arg4[%add3A_604, %dma_start3A_612] : memref<16384x1024xf32, #tpu.memory_space<hbm>> -> memref<16x1024xf32, #tpu.memory_space<hbm>>
    %dma_start3A_614 = arith.constant 0 : i32
    %dma_start3A_615 = arith.constant 0 : i32
    %dma_start3A_616 = tpu.memref_slice %arg6[%dma_start3A_605, %dma_start3A_614, %dma_start3A_615] : memref<6x16x1024xf32, #tpu.memory_space<vmem>> -> memref<1x16x1024xf32, #tpu.memory_space<vmem>>
    %dma_start3A_617 = tpu.memref_squeeze %dma_start3A_616 : memref<1x16x1024xf32, #tpu.memory_space<vmem>> -> memref<16x1024xf32, #tpu.memory_space<vmem>>
    tpu.enqueue_dma source(%dma_start3A_617 : memref<16x1024xf32, #tpu.memory_space<vmem>>) target(%dma_start3A_613 : memref<16x1024xf32, #tpu.memory_space<hbm>>) target_semaphore(%arg14 : memref<!tpu.dma_semaphore, #tpu.memory_space<semaphore_mem>>)
    %dma_wait3A_618 = arith.constant 3 : i32
    %dma_wait3A_619 = arith.constant 0 : i32
    %dma_wait3A_620 = arith.constant 0 : i32
    %dma_wait3A_621 = tpu.memref_slice %arg6[%dma_wait3A_618, %dma_wait3A_619, %dma_wait3A_620] : memref<6x16x1024xf32, #tpu.memory_space<vmem>> -> memref<1x16x1024xf32, #tpu.memory_space<vmem>>
    %dma_wait3A_622 = tpu.memref_squeeze %dma_wait3A_621 : memref<1x16x1024xf32, #tpu.memory_space<vmem>> -> memref<16x1024xf32, #tpu.memory_space<vmem>>
    %dma_wait3A_623 = arith.constant 0 : i32
    %dma_wait3A_624 = tpu.memref_slice %arg4[%add3A_412, %dma_wait3A_623] : memref<16384x1024xf32, #tpu.memory_space<hbm>> -> memref<16x1024xf32, #tpu.memory_space<hbm>>
    %dma_wait3A_625 = arith.constant 0 : i32
    %dma_wait3A_626 = tpu.memref_slice %arg4[%add3A_412, %dma_wait3A_625] : memref<16384x1024xf32, #tpu.memory_space<hbm>> -> memref<16x1024xf32, #tpu.memory_space<hbm>>
    %dma_wait3A_627 = arith.constant 0 : i32
    %dma_wait3A_628 = arith.constant 0 : i32
    %dma_wait3A_629 = tpu.memref_slice %arg6[%dma_wait3A_618, %dma_wait3A_627, %dma_wait3A_628] : memref<6x16x1024xf32, #tpu.memory_space<vmem>> -> memref<1x16x1024xf32, #tpu.memory_space<vmem>>
    %dma_wait3A_630 = tpu.memref_squeeze %dma_wait3A_629 : memref<1x16x1024xf32, #tpu.memory_space<vmem>> -> memref<16x1024xf32, #tpu.memory_space<vmem>>
    tpu.wait_dma2 semaphore(%arg16 : memref<!tpu.dma_semaphore, #tpu.memory_space<semaphore_mem>>) src(%dma_wait3A_630 : memref<16x1024xf32, #tpu.memory_space<vmem>>) dst(%dma_wait3A_626 : memref<16x1024xf32, #tpu.memory_space<hbm>>)
    %dma_start3A_631 = arith.constant 3 : i32
    %dma_start3A_632 = arith.constant 0 : i32
    %dma_start3A_633 = arith.constant 0 : i32
    %dma_start3A_634 = tpu.memref_slice %arg6[%dma_start3A_631, %dma_start3A_632, %dma_start3A_633] : memref<6x16x1024xf32, #tpu.memory_space<vmem>> -> memref<1x16x1024xf32, #tpu.memory_space<vmem>>
    %dma_start3A_635 = tpu.memref_squeeze %dma_start3A_634 : memref<1x16x1024xf32, #tpu.memory_space<vmem>> -> memref<16x1024xf32, #tpu.memory_space<vmem>>
    %dma_start3A_636 = arith.constant 240 : i32
    %dma_start3A_637 = tpu.memref_slice %arg5[%dma_start3A_636] : memref<512xi32, #tpu.memory_space<vmem>> -> memref<16xi32, #tpu.memory_space<vmem>>
    %dma_start3A_638 = arith.constant 0 : i32
    %dma_start3A_639 = arith.constant 0 : i32
    %dma_start3A_640 = tpu.memref_slice %arg2[%dma_start3A_638, %dma_start3A_639] : memref<8192x1024xf32, #tpu.memory_space<hbm>> -> memref<8192x1024xf32, #tpu.memory_space<hbm>>
    tpu.enqueue_indirect_dma source(%dma_start3A_640 : memref<8192x1024xf32, #tpu.memory_space<hbm>>) target(%dma_start3A_635 : memref<16x1024xf32, #tpu.memory_space<vmem>>) offsets(%dma_start3A_637 : memref<16xi32, #tpu.memory_space<vmem>>) semaphore(%arg10 : memref<!tpu.dma_semaphore, #tpu.memory_space<semaphore_mem>>)
    %dma_wait3A_641 = arith.constant 2 : i32
    %dma_wait3A_642 = arith.constant 0 : i32
    %dma_wait3A_643 = arith.constant 0 : i32
    %dma_wait3A_644 = tpu.memref_slice %arg6[%dma_wait3A_641, %dma_wait3A_642, %dma_wait3A_643] : memref<6x16x1024xf32, #tpu.memory_space<vmem>> -> memref<1x16x1024xf32, #tpu.memory_space<vmem>>
    %dma_wait3A_645 = tpu.memref_squeeze %dma_wait3A_644 : memref<1x16x1024xf32, #tpu.memory_space<vmem>> -> memref<16x1024xf32, #tpu.memory_space<vmem>>
    %dma_wait3A_646 = arith.constant 224 : i32
    %dma_wait3A_647 = tpu.memref_slice %arg5[%dma_wait3A_646] : memref<512xi32, #tpu.memory_space<vmem>> -> memref<16xi32, #tpu.memory_space<vmem>>
    %dma_wait3A_648 = arith.constant 0 : i32
    %dma_wait3A_649 = arith.constant 0 : i32
    %dma_wait3A_650 = tpu.memref_slice %arg2[%dma_wait3A_648, %dma_wait3A_649] : memref<8192x1024xf32, #tpu.memory_space<hbm>> -> memref<8192x1024xf32, #tpu.memory_space<hbm>>
    tpu.wait_indirect_dma semaphore(%arg9 : memref<!tpu.dma_semaphore, #tpu.memory_space<semaphore_mem>>) src(%dma_wait3A_650 : memref<8192x1024xf32, #tpu.memory_space<hbm>>) dst(%dma_wait3A_645 : memref<16x1024xf32, #tpu.memory_space<vmem>>)
    %add3A_651 = arith.constant 224 : i32
    %add3A_652 = arith.addi %mul3A_2, %add3A_651 : i32
    %dma_start3A_653 = arith.constant 2 : i32
    %dma_start3A_654 = arith.constant 0 : i32
    %dma_start3A_655 = arith.constant 0 : i32
    %dma_start3A_656 = tpu.memref_slice %arg6[%dma_start3A_653, %dma_start3A_654, %dma_start3A_655] : memref<6x16x1024xf32, #tpu.memory_space<vmem>> -> memref<1x16x1024xf32, #tpu.memory_space<vmem>>
    %dma_start3A_657 = tpu.memref_squeeze %dma_start3A_656 : memref<1x16x1024xf32, #tpu.memory_space<vmem>> -> memref<16x1024xf32, #tpu.memory_space<vmem>>
    %dma_start3A_658 = arith.constant 0 : i32
    %dma_start3A_659 = tpu.memref_slice %arg4[%add3A_652, %dma_start3A_658] : memref<16384x1024xf32, #tpu.memory_space<hbm>> -> memref<16x1024xf32, #tpu.memory_space<hbm>>
    %dma_start3A_660 = arith.constant 0 : i32
    %dma_start3A_661 = tpu.memref_slice %arg4[%add3A_652, %dma_start3A_660] : memref<16384x1024xf32, #tpu.memory_space<hbm>> -> memref<16x1024xf32, #tpu.memory_space<hbm>>
    %dma_start3A_662 = arith.constant 0 : i32
    %dma_start3A_663 = arith.constant 0 : i32
    %dma_start3A_664 = tpu.memref_slice %arg6[%dma_start3A_653, %dma_start3A_662, %dma_start3A_663] : memref<6x16x1024xf32, #tpu.memory_space<vmem>> -> memref<1x16x1024xf32, #tpu.memory_space<vmem>>
    %dma_start3A_665 = tpu.memref_squeeze %dma_start3A_664 : memref<1x16x1024xf32, #tpu.memory_space<vmem>> -> memref<16x1024xf32, #tpu.memory_space<vmem>>
    tpu.enqueue_dma source(%dma_start3A_665 : memref<16x1024xf32, #tpu.memory_space<vmem>>) target(%dma_start3A_661 : memref<16x1024xf32, #tpu.memory_space<hbm>>) target_semaphore(%arg15 : memref<!tpu.dma_semaphore, #tpu.memory_space<semaphore_mem>>)
    %dma_wait3A_666 = arith.constant 4 : i32
    %dma_wait3A_667 = arith.constant 0 : i32
    %dma_wait3A_668 = arith.constant 0 : i32
    %dma_wait3A_669 = tpu.memref_slice %arg6[%dma_wait3A_666, %dma_wait3A_667, %dma_wait3A_668] : memref<6x16x1024xf32, #tpu.memory_space<vmem>> -> memref<1x16x1024xf32, #tpu.memory_space<vmem>>
    %dma_wait3A_670 = tpu.memref_squeeze %dma_wait3A_669 : memref<1x16x1024xf32, #tpu.memory_space<vmem>> -> memref<16x1024xf32, #tpu.memory_space<vmem>>
    %dma_wait3A_671 = arith.constant 0 : i32
    %dma_wait3A_672 = tpu.memref_slice %arg4[%add3A_460, %dma_wait3A_671] : memref<16384x1024xf32, #tpu.memory_space<hbm>> -> memref<16x1024xf32, #tpu.memory_space<hbm>>
    %dma_wait3A_673 = arith.constant 0 : i32
    %dma_wait3A_674 = tpu.memref_slice %arg4[%add3A_460, %dma_wait3A_673] : memref<16384x1024xf32, #tpu.memory_space<hbm>> -> memref<16x1024xf32, #tpu.memory_space<hbm>>
    %dma_wait3A_675 = arith.constant 0 : i32
    %dma_wait3A_676 = arith.constant 0 : i32
    %dma_wait3A_677 = tpu.memref_slice %arg6[%dma_wait3A_666, %dma_wait3A_675, %dma_wait3A_676] : memref<6x16x1024xf32, #tpu.memory_space<vmem>> -> memref<1x16x1024xf32, #tpu.memory_space<vmem>>
    %dma_wait3A_678 = tpu.memref_squeeze %dma_wait3A_677 : memref<1x16x1024xf32, #tpu.memory_space<vmem>> -> memref<16x1024xf32, #tpu.memory_space<vmem>>
    tpu.wait_dma2 semaphore(%arg17 : memref<!tpu.dma_semaphore, #tpu.memory_space<semaphore_mem>>) src(%dma_wait3A_678 : memref<16x1024xf32, #tpu.memory_space<vmem>>) dst(%dma_wait3A_674 : memref<16x1024xf32, #tpu.memory_space<hbm>>)
    %dma_start3A_679 = arith.constant 4 : i32
    %dma_start3A_680 = arith.constant 0 : i32
    %dma_start3A_681 = arith.constant 0 : i32
    %dma_start3A_682 = tpu.memref_slice %arg6[%dma_start3A_679, %dma_start3A_680, %dma_start3A_681] : memref<6x16x1024xf32, #tpu.memory_space<vmem>> -> memref<1x16x1024xf32, #tpu.memory_space<vmem>>
    %dma_start3A_683 = tpu.memref_squeeze %dma_start3A_682 : memref<1x16x1024xf32, #tpu.memory_space<vmem>> -> memref<16x1024xf32, #tpu.memory_space<vmem>>
    %dma_start3A_684 = arith.constant 256 : i32
    %dma_start3A_685 = tpu.memref_slice %arg5[%dma_start3A_684] : memref<512xi32, #tpu.memory_space<vmem>> -> memref<16xi32, #tpu.memory_space<vmem>>
    %dma_start3A_686 = arith.constant 0 : i32
    %dma_start3A_687 = arith.constant 0 : i32
    %dma_start3A_688 = tpu.memref_slice %arg2[%dma_start3A_686, %dma_start3A_687] : memref<8192x1024xf32, #tpu.memory_space<hbm>> -> memref<8192x1024xf32, #tpu.memory_space<hbm>>
    tpu.enqueue_indirect_dma source(%dma_start3A_688 : memref<8192x1024xf32, #tpu.memory_space<hbm>>) target(%dma_start3A_683 : memref<16x1024xf32, #tpu.memory_space<vmem>>) offsets(%dma_start3A_685 : memref<16xi32, #tpu.memory_space<vmem>>) semaphore(%arg11 : memref<!tpu.dma_semaphore, #tpu.memory_space<semaphore_mem>>)
    %dma_wait3A_689 = arith.constant 3 : i32
    %dma_wait3A_690 = arith.constant 0 : i32
    %dma_wait3A_691 = arith.constant 0 : i32
    %dma_wait3A_692 = tpu.memref_slice %arg6[%dma_wait3A_689, %dma_wait3A_690, %dma_wait3A_691] : memref<6x16x1024xf32, #tpu.memory_space<vmem>> -> memref<1x16x1024xf32, #tpu.memory_space<vmem>>
    %dma_wait3A_693 = tpu.memref_squeeze %dma_wait3A_692 : memref<1x16x1024xf32, #tpu.memory_space<vmem>> -> memref<16x1024xf32, #tpu.memory_space<vmem>>
    %dma_wait3A_694 = arith.constant 240 : i32
    %dma_wait3A_695 = tpu.memref_slice %arg5[%dma_wait3A_694] : memref<512xi32, #tpu.memory_space<vmem>> -> memref<16xi32, #tpu.memory_space<vmem>>
    %dma_wait3A_696 = arith.constant 0 : i32
    %dma_wait3A_697 = arith.constant 0 : i32
    %dma_wait3A_698 = tpu.memref_slice %arg2[%dma_wait3A_696, %dma_wait3A_697] : memref<8192x1024xf32, #tpu.memory_space<hbm>> -> memref<8192x1024xf32, #tpu.memory_space<hbm>>
    tpu.wait_indirect_dma semaphore(%arg10 : memref<!tpu.dma_semaphore, #tpu.memory_space<semaphore_mem>>) src(%dma_wait3A_698 : memref<8192x1024xf32, #tpu.memory_space<hbm>>) dst(%dma_wait3A_693 : memref<16x1024xf32, #tpu.memory_space<vmem>>)
    %add3A_699 = arith.constant 240 : i32
    %add3A_700 = arith.addi %mul3A_2, %add3A_699 : i32
    %dma_start3A_701 = arith.constant 3 : i32
    %dma_start3A_702 = arith.constant 0 : i32
    %dma_start3A_703 = arith.constant 0 : i32
    %dma_start3A_704 = tpu.memref_slice %arg6[%dma_start3A_701, %dma_start3A_702, %dma_start3A_703] : memref<6x16x1024xf32, #tpu.memory_space<vmem>> -> memref<1x16x1024xf32, #tpu.memory_space<vmem>>
    %dma_start3A_705 = tpu.memref_squeeze %dma_start3A_704 : memref<1x16x1024xf32, #tpu.memory_space<vmem>> -> memref<16x1024xf32, #tpu.memory_space<vmem>>
    %dma_start3A_706 = arith.constant 0 : i32
    %dma_start3A_707 = tpu.memref_slice %arg4[%add3A_700, %dma_start3A_706] : memref<16384x1024xf32, #tpu.memory_space<hbm>> -> memref<16x1024xf32, #tpu.memory_space<hbm>>
    %dma_start3A_708 = arith.constant 0 : i32
    %dma_start3A_709 = tpu.memref_slice %arg4[%add3A_700, %dma_start3A_708] : memref<16384x1024xf32, #tpu.memory_space<hbm>> -> memref<16x1024xf32, #tpu.memory_space<hbm>>
    %dma_start3A_710 = arith.constant 0 : i32
    %dma_start3A_711 = arith.constant 0 : i32
    %dma_start3A_712 = tpu.memref_slice %arg6[%dma_start3A_701, %dma_start3A_710, %dma_start3A_711] : memref<6x16x1024xf32, #tpu.memory_space<vmem>> -> memref<1x16x1024xf32, #tpu.memory_space<vmem>>
    %dma_start3A_713 = tpu.memref_squeeze %dma_start3A_712 : memref<1x16x1024xf32, #tpu.memory_space<vmem>> -> memref<16x1024xf32, #tpu.memory_space<vmem>>
    tpu.enqueue_dma source(%dma_start3A_713 : memref<16x1024xf32, #tpu.memory_space<vmem>>) target(%dma_start3A_709 : memref<16x1024xf32, #tpu.memory_space<hbm>>) target_semaphore(%arg16 : memref<!tpu.dma_semaphore, #tpu.memory_space<semaphore_mem>>)
    %dma_wait3A_714 = arith.constant 5 : i32
    %dma_wait3A_715 = arith.constant 0 : i32
    %dma_wait3A_716 = arith.constant 0 : i32
    %dma_wait3A_717 = tpu.memref_slice %arg6[%dma_wait3A_714, %dma_wait3A_715, %dma_wait3A_716] : memref<6x16x1024xf32, #tpu.memory_space<vmem>> -> memref<1x16x1024xf32, #tpu.memory_space<vmem>>
    %dma_wait3A_718 = tpu.memref_squeeze %dma_wait3A_717 : memref<1x16x1024xf32, #tpu.memory_space<vmem>> -> memref<16x1024xf32, #tpu.memory_space<vmem>>
    %dma_wait3A_719 = arith.constant 0 : i32
    %dma_wait3A_720 = tpu.memref_slice %arg4[%add3A_508, %dma_wait3A_719] : memref<16384x1024xf32, #tpu.memory_space<hbm>> -> memref<16x1024xf32, #tpu.memory_space<hbm>>
    %dma_wait3A_721 = arith.constant 0 : i32
    %dma_wait3A_722 = tpu.memref_slice %arg4[%add3A_508, %dma_wait3A_721] : memref<16384x1024xf32, #tpu.memory_space<hbm>> -> memref<16x1024xf32, #tpu.memory_space<hbm>>
    %dma_wait3A_723 = arith.constant 0 : i32
    %dma_wait3A_724 = arith.constant 0 : i32
    %dma_wait3A_725 = tpu.memref_slice %arg6[%dma_wait3A_714, %dma_wait3A_723, %dma_wait3A_724] : memref<6x16x1024xf32, #tpu.memory_space<vmem>> -> memref<1x16x1024xf32, #tpu.memory_space<vmem>>
    %dma_wait3A_726 = tpu.memref_squeeze %dma_wait3A_725 : memref<1x16x1024xf32, #tpu.memory_space<vmem>> -> memref<16x1024xf32, #tpu.memory_space<vmem>>
    tpu.wait_dma2 semaphore(%arg18 : memref<!tpu.dma_semaphore, #tpu.memory_space<semaphore_mem>>) src(%dma_wait3A_726 : memref<16x1024xf32, #tpu.memory_space<vmem>>) dst(%dma_wait3A_722 : memref<16x1024xf32, #tpu.memory_space<hbm>>)
    %dma_start3A_727 = arith.constant 5 : i32
    %dma_start3A_728 = arith.constant 0 : i32
    %dma_start3A_729 = arith.constant 0 : i32
    %dma_start3A_730 = tpu.memref_slice %arg6[%dma_start3A_727, %dma_start3A_728, %dma_start3A_729] : memref<6x16x1024xf32, #tpu.memory_space<vmem>> -> memref<1x16x1024xf32, #tpu.memory_space<vmem>>
    %dma_start3A_731 = tpu.memref_squeeze %dma_start3A_730 : memref<1x16x1024xf32, #tpu.memory_space<vmem>> -> memref<16x1024xf32, #tpu.memory_space<vmem>>
    %dma_start3A_732 = arith.constant 272 : i32
    %dma_start3A_733 = tpu.memref_slice %arg5[%dma_start3A_732] : memref<512xi32, #tpu.memory_space<vmem>> -> memref<16xi32, #tpu.memory_space<vmem>>
    %dma_start3A_734 = arith.constant 0 : i32
    %dma_start3A_735 = arith.constant 0 : i32
    %dma_start3A_736 = tpu.memref_slice %arg2[%dma_start3A_734, %dma_start3A_735] : memref<8192x1024xf32, #tpu.memory_space<hbm>> -> memref<8192x1024xf32, #tpu.memory_space<hbm>>
    tpu.enqueue_indirect_dma source(%dma_start3A_736 : memref<8192x1024xf32, #tpu.memory_space<hbm>>) target(%dma_start3A_731 : memref<16x1024xf32, #tpu.memory_space<vmem>>) offsets(%dma_start3A_733 : memref<16xi32, #tpu.memory_space<vmem>>) semaphore(%arg12 : memref<!tpu.dma_semaphore, #tpu.memory_space<semaphore_mem>>)
    %dma_wait3A_737 = arith.constant 4 : i32
    %dma_wait3A_738 = arith.constant 0 : i32
    %dma_wait3A_739 = arith.constant 0 : i32
    %dma_wait3A_740 = tpu.memref_slice %arg6[%dma_wait3A_737, %dma_wait3A_738, %dma_wait3A_739] : memref<6x16x1024xf32, #tpu.memory_space<vmem>> -> memref<1x16x1024xf32, #tpu.memory_space<vmem>>
    %dma_wait3A_741 = tpu.memref_squeeze %dma_wait3A_740 : memref<1x16x1024xf32, #tpu.memory_space<vmem>> -> memref<16x1024xf32, #tpu.memory_space<vmem>>
    %dma_wait3A_742 = arith.constant 256 : i32
    %dma_wait3A_743 = tpu.memref_slice %arg5[%dma_wait3A_742] : memref<512xi32, #tpu.memory_space<vmem>> -> memref<16xi32, #tpu.memory_space<vmem>>
    %dma_wait3A_744 = arith.constant 0 : i32
    %dma_wait3A_745 = arith.constant 0 : i32
    %dma_wait3A_746 = tpu.memref_slice %arg2[%dma_wait3A_744, %dma_wait3A_745] : memref<8192x1024xf32, #tpu.memory_space<hbm>> -> memref<8192x1024xf32, #tpu.memory_space<hbm>>
    tpu.wait_indirect_dma semaphore(%arg11 : memref<!tpu.dma_semaphore, #tpu.memory_space<semaphore_mem>>) src(%dma_wait3A_746 : memref<8192x1024xf32, #tpu.memory_space<hbm>>) dst(%dma_wait3A_741 : memref<16x1024xf32, #tpu.memory_space<vmem>>)
    %add3A_747 = arith.constant 256 : i32
    %add3A_748 = arith.addi %mul3A_2, %add3A_747 : i32
    %dma_start3A_749 = arith.constant 4 : i32
    %dma_start3A_750 = arith.constant 0 : i32
    %dma_start3A_751 = arith.constant 0 : i32
    %dma_start3A_752 = tpu.memref_slice %arg6[%dma_start3A_749, %dma_start3A_750, %dma_start3A_751] : memref<6x16x1024xf32, #tpu.memory_space<vmem>> -> memref<1x16x1024xf32, #tpu.memory_space<vmem>>
    %dma_start3A_753 = tpu.memref_squeeze %dma_start3A_752 : memref<1x16x1024xf32, #tpu.memory_space<vmem>> -> memref<16x1024xf32, #tpu.memory_space<vmem>>
    %dma_start3A_754 = arith.constant 0 : i32
    %dma_start3A_755 = tpu.memref_slice %arg4[%add3A_748, %dma_start3A_754] : memref<16384x1024xf32, #tpu.memory_space<hbm>> -> memref<16x1024xf32, #tpu.memory_space<hbm>>
    %dma_start3A_756 = arith.constant 0 : i32
    %dma_start3A_757 = tpu.memref_slice %arg4[%add3A_748, %dma_start3A_756] : memref<16384x1024xf32, #tpu.memory_space<hbm>> -> memref<16x1024xf32, #tpu.memory_space<hbm>>
    %dma_start3A_758 = arith.constant 0 : i32
    %dma_start3A_759 = arith.constant 0 : i32
    %dma_start3A_760 = tpu.memref_slice %arg6[%dma_start3A_749, %dma_start3A_758, %dma_start3A_759] : memref<6x16x1024xf32, #tpu.memory_space<vmem>> -> memref<1x16x1024xf32, #tpu.memory_space<vmem>>
    %dma_start3A_761 = tpu.memref_squeeze %dma_start3A_760 : memref<1x16x1024xf32, #tpu.memory_space<vmem>> -> memref<16x1024xf32, #tpu.memory_space<vmem>>
    tpu.enqueue_dma source(%dma_start3A_761 : memref<16x1024xf32, #tpu.memory_space<vmem>>) target(%dma_start3A_757 : memref<16x1024xf32, #tpu.memory_space<hbm>>) target_semaphore(%arg17 : memref<!tpu.dma_semaphore, #tpu.memory_space<semaphore_mem>>)
    %dma_wait3A_762 = arith.constant 0 : i32
    %dma_wait3A_763 = arith.constant 0 : i32
    %dma_wait3A_764 = arith.constant 0 : i32
    %dma_wait3A_765 = tpu.memref_slice %arg6[%dma_wait3A_762, %dma_wait3A_763, %dma_wait3A_764] : memref<6x16x1024xf32, #tpu.memory_space<vmem>> -> memref<1x16x1024xf32, #tpu.memory_space<vmem>>
    %dma_wait3A_766 = tpu.memref_squeeze %dma_wait3A_765 : memref<1x16x1024xf32, #tpu.memory_space<vmem>> -> memref<16x1024xf32, #tpu.memory_space<vmem>>
    %dma_wait3A_767 = arith.constant 0 : i32
    %dma_wait3A_768 = tpu.memref_slice %arg4[%add3A_556, %dma_wait3A_767] : memref<16384x1024xf32, #tpu.memory_space<hbm>> -> memref<16x1024xf32, #tpu.memory_space<hbm>>
    %dma_wait3A_769 = arith.constant 0 : i32
    %dma_wait3A_770 = tpu.memref_slice %arg4[%add3A_556, %dma_wait3A_769] : memref<16384x1024xf32, #tpu.memory_space<hbm>> -> memref<16x1024xf32, #tpu.memory_space<hbm>>
    %dma_wait3A_771 = arith.constant 0 : i32
    %dma_wait3A_772 = arith.constant 0 : i32
    %dma_wait3A_773 = tpu.memref_slice %arg6[%dma_wait3A_762, %dma_wait3A_771, %dma_wait3A_772] : memref<6x16x1024xf32, #tpu.memory_space<vmem>> -> memref<1x16x1024xf32, #tpu.memory_space<vmem>>
    %dma_wait3A_774 = tpu.memref_squeeze %dma_wait3A_773 : memref<1x16x1024xf32, #tpu.memory_space<vmem>> -> memref<16x1024xf32, #tpu.memory_space<vmem>>
    tpu.wait_dma2 semaphore(%arg13 : memref<!tpu.dma_semaphore, #tpu.memory_space<semaphore_mem>>) src(%dma_wait3A_774 : memref<16x1024xf32, #tpu.memory_space<vmem>>) dst(%dma_wait3A_770 : memref<16x1024xf32, #tpu.memory_space<hbm>>)
    %dma_start3A_775 = arith.constant 0 : i32
    %dma_start3A_776 = arith.constant 0 : i32
    %dma_start3A_777 = arith.constant 0 : i32
    %dma_start3A_778 = tpu.memref_slice %arg6[%dma_start3A_775, %dma_start3A_776, %dma_start3A_777] : memref<6x16x1024xf32, #tpu.memory_space<vmem>> -> memref<1x16x1024xf32, #tpu.memory_space<vmem>>
    %dma_start3A_779 = tpu.memref_squeeze %dma_start3A_778 : memref<1x16x1024xf32, #tpu.memory_space<vmem>> -> memref<16x1024xf32, #tpu.memory_space<vmem>>
    %dma_start3A_780 = arith.constant 288 : i32
    %dma_start3A_781 = tpu.memref_slice %arg5[%dma_start3A_780] : memref<512xi32, #tpu.memory_space<vmem>> -> memref<16xi32, #tpu.memory_space<vmem>>
    %dma_start3A_782 = arith.constant 0 : i32
    %dma_start3A_783 = arith.constant 0 : i32
    %dma_start3A_784 = tpu.memref_slice %arg2[%dma_start3A_782, %dma_start3A_783] : memref<8192x1024xf32, #tpu.memory_space<hbm>> -> memref<8192x1024xf32, #tpu.memory_space<hbm>>
    tpu.enqueue_indirect_dma source(%dma_start3A_784 : memref<8192x1024xf32, #tpu.memory_space<hbm>>) target(%dma_start3A_779 : memref<16x1024xf32, #tpu.memory_space<vmem>>) offsets(%dma_start3A_781 : memref<16xi32, #tpu.memory_space<vmem>>) semaphore(%arg7 : memref<!tpu.dma_semaphore, #tpu.memory_space<semaphore_mem>>)
    %dma_wait3A_785 = arith.constant 5 : i32
    %dma_wait3A_786 = arith.constant 0 : i32
    %dma_wait3A_787 = arith.constant 0 : i32
    %dma_wait3A_788 = tpu.memref_slice %arg6[%dma_wait3A_785, %dma_wait3A_786, %dma_wait3A_787] : memref<6x16x1024xf32, #tpu.memory_space<vmem>> -> memref<1x16x1024xf32, #tpu.memory_space<vmem>>
    %dma_wait3A_789 = tpu.memref_squeeze %dma_wait3A_788 : memref<1x16x1024xf32, #tpu.memory_space<vmem>> -> memref<16x1024xf32, #tpu.memory_space<vmem>>
    %dma_wait3A_790 = arith.constant 272 : i32
    %dma_wait3A_791 = tpu.memref_slice %arg5[%dma_wait3A_790] : memref<512xi32, #tpu.memory_space<vmem>> -> memref<16xi32, #tpu.memory_space<vmem>>
    %dma_wait3A_792 = arith.constant 0 : i32
    %dma_wait3A_793 = arith.constant 0 : i32
    %dma_wait3A_794 = tpu.memref_slice %arg2[%dma_wait3A_792, %dma_wait3A_793] : memref<8192x1024xf32, #tpu.memory_space<hbm>> -> memref<8192x1024xf32, #tpu.memory_space<hbm>>
    tpu.wait_indirect_dma semaphore(%arg12 : memref<!tpu.dma_semaphore, #tpu.memory_space<semaphore_mem>>) src(%dma_wait3A_794 : memref<8192x1024xf32, #tpu.memory_space<hbm>>) dst(%dma_wait3A_789 : memref<16x1024xf32, #tpu.memory_space<vmem>>)
    %add3A_795 = arith.constant 272 : i32
    %add3A_796 = arith.addi %mul3A_2, %add3A_795 : i32
    %dma_start3A_797 = arith.constant 5 : i32
    %dma_start3A_798 = arith.constant 0 : i32
    %dma_start3A_799 = arith.constant 0 : i32
    %dma_start3A_800 = tpu.memref_slice %arg6[%dma_start3A_797, %dma_start3A_798, %dma_start3A_799] : memref<6x16x1024xf32, #tpu.memory_space<vmem>> -> memref<1x16x1024xf32, #tpu.memory_space<vmem>>
    %dma_start3A_801 = tpu.memref_squeeze %dma_start3A_800 : memref<1x16x1024xf32, #tpu.memory_space<vmem>> -> memref<16x1024xf32, #tpu.memory_space<vmem>>
    %dma_start3A_802 = arith.constant 0 : i32
    %dma_start3A_803 = tpu.memref_slice %arg4[%add3A_796, %dma_start3A_802] : memref<16384x1024xf32, #tpu.memory_space<hbm>> -> memref<16x1024xf32, #tpu.memory_space<hbm>>
    %dma_start3A_804 = arith.constant 0 : i32
    %dma_start3A_805 = tpu.memref_slice %arg4[%add3A_796, %dma_start3A_804] : memref<16384x1024xf32, #tpu.memory_space<hbm>> -> memref<16x1024xf32, #tpu.memory_space<hbm>>
    %dma_start3A_806 = arith.constant 0 : i32
    %dma_start3A_807 = arith.constant 0 : i32
    %dma_start3A_808 = tpu.memref_slice %arg6[%dma_start3A_797, %dma_start3A_806, %dma_start3A_807] : memref<6x16x1024xf32, #tpu.memory_space<vmem>> -> memref<1x16x1024xf32, #tpu.memory_space<vmem>>
    %dma_start3A_809 = tpu.memref_squeeze %dma_start3A_808 : memref<1x16x1024xf32, #tpu.memory_space<vmem>> -> memref<16x1024xf32, #tpu.memory_space<vmem>>
    tpu.enqueue_dma source(%dma_start3A_809 : memref<16x1024xf32, #tpu.memory_space<vmem>>) target(%dma_start3A_805 : memref<16x1024xf32, #tpu.memory_space<hbm>>) target_semaphore(%arg18 : memref<!tpu.dma_semaphore, #tpu.memory_space<semaphore_mem>>)
    %dma_wait3A_810 = arith.constant 1 : i32
    %dma_wait3A_811 = arith.constant 0 : i32
    %dma_wait3A_812 = arith.constant 0 : i32
    %dma_wait3A_813 = tpu.memref_slice %arg6[%dma_wait3A_810, %dma_wait3A_811, %dma_wait3A_812] : memref<6x16x1024xf32, #tpu.memory_space<vmem>> -> memref<1x16x1024xf32, #tpu.memory_space<vmem>>
    %dma_wait3A_814 = tpu.memref_squeeze %dma_wait3A_813 : memref<1x16x1024xf32, #tpu.memory_space<vmem>> -> memref<16x1024xf32, #tpu.memory_space<vmem>>
    %dma_wait3A_815 = arith.constant 0 : i32
    %dma_wait3A_816 = tpu.memref_slice %arg4[%add3A_604, %dma_wait3A_815] : memref<16384x1024xf32, #tpu.memory_space<hbm>> -> memref<16x1024xf32, #tpu.memory_space<hbm>>
    %dma_wait3A_817 = arith.constant 0 : i32
    %dma_wait3A_818 = tpu.memref_slice %arg4[%add3A_604, %dma_wait3A_817] : memref<16384x1024xf32, #tpu.memory_space<hbm>> -> memref<16x1024xf32, #tpu.memory_space<hbm>>
    %dma_wait3A_819 = arith.constant 0 : i32
    %dma_wait3A_820 = arith.constant 0 : i32
    %dma_wait3A_821 = tpu.memref_slice %arg6[%dma_wait3A_810, %dma_wait3A_819, %dma_wait3A_820] : memref<6x16x1024xf32, #tpu.memory_space<vmem>> -> memref<1x16x1024xf32, #tpu.memory_space<vmem>>
    %dma_wait3A_822 = tpu.memref_squeeze %dma_wait3A_821 : memref<1x16x1024xf32, #tpu.memory_space<vmem>> -> memref<16x1024xf32, #tpu.memory_space<vmem>>
    tpu.wait_dma2 semaphore(%arg14 : memref<!tpu.dma_semaphore, #tpu.memory_space<semaphore_mem>>) src(%dma_wait3A_822 : memref<16x1024xf32, #tpu.memory_space<vmem>>) dst(%dma_wait3A_818 : memref<16x1024xf32, #tpu.memory_space<hbm>>)
    %dma_start3A_823 = arith.constant 1 : i32
    %dma_start3A_824 = arith.constant 0 : i32
    %dma_start3A_825 = arith.constant 0 : i32
    %dma_start3A_826 = tpu.memref_slice %arg6[%dma_start3A_823, %dma_start3A_824, %dma_start3A_825] : memref<6x16x1024xf32, #tpu.memory_space<vmem>> -> memref<1x16x1024xf32, #tpu.memory_space<vmem>>
    %dma_start3A_827 = tpu.memref_squeeze %dma_start3A_826 : memref<1x16x1024xf32, #tpu.memory_space<vmem>> -> memref<16x1024xf32, #tpu.memory_space<vmem>>
    %dma_start3A_828 = arith.constant 304 : i32
    %dma_start3A_829 = tpu.memref_slice %arg5[%dma_start3A_828] : memref<512xi32, #tpu.memory_space<vmem>> -> memref<16xi32, #tpu.memory_space<vmem>>
    %dma_start3A_830 = arith.constant 0 : i32
    %dma_start3A_831 = arith.constant 0 : i32
    %dma_start3A_832 = tpu.memref_slice %arg2[%dma_start3A_830, %dma_start3A_831] : memref<8192x1024xf32, #tpu.memory_space<hbm>> -> memref<8192x1024xf32, #tpu.memory_space<hbm>>
    tpu.enqueue_indirect_dma source(%dma_start3A_832 : memref<8192x1024xf32, #tpu.memory_space<hbm>>) target(%dma_start3A_827 : memref<16x1024xf32, #tpu.memory_space<vmem>>) offsets(%dma_start3A_829 : memref<16xi32, #tpu.memory_space<vmem>>) semaphore(%arg8 : memref<!tpu.dma_semaphore, #tpu.memory_space<semaphore_mem>>)
    %dma_wait3A_833 = arith.constant 0 : i32
    %dma_wait3A_834 = arith.constant 0 : i32
    %dma_wait3A_835 = arith.constant 0 : i32
    %dma_wait3A_836 = tpu.memref_slice %arg6[%dma_wait3A_833, %dma_wait3A_834, %dma_wait3A_835] : memref<6x16x1024xf32, #tpu.memory_space<vmem>> -> memref<1x16x1024xf32, #tpu.memory_space<vmem>>
    %dma_wait3A_837 = tpu.memref_squeeze %dma_wait3A_836 : memref<1x16x1024xf32, #tpu.memory_space<vmem>> -> memref<16x1024xf32, #tpu.memory_space<vmem>>
    %dma_wait3A_838 = arith.constant 288 : i32
    %dma_wait3A_839 = tpu.memref_slice %arg5[%dma_wait3A_838] : memref<512xi32, #tpu.memory_space<vmem>> -> memref<16xi32, #tpu.memory_space<vmem>>
    %dma_wait3A_840 = arith.constant 0 : i32
    %dma_wait3A_841 = arith.constant 0 : i32
    %dma_wait3A_842 = tpu.memref_slice %arg2[%dma_wait3A_840, %dma_wait3A_841] : memref<8192x1024xf32, #tpu.memory_space<hbm>> -> memref<8192x1024xf32, #tpu.memory_space<hbm>>
    tpu.wait_indirect_dma semaphore(%arg7 : memref<!tpu.dma_semaphore, #tpu.memory_space<semaphore_mem>>) src(%dma_wait3A_842 : memref<8192x1024xf32, #tpu.memory_space<hbm>>) dst(%dma_wait3A_837 : memref<16x1024xf32, #tpu.memory_space<vmem>>)
    %add3A_843 = arith.constant 288 : i32
    %add3A_844 = arith.addi %mul3A_2, %add3A_843 : i32
    %dma_start3A_845 = arith.constant 0 : i32
    %dma_start3A_846 = arith.constant 0 : i32
    %dma_start3A_847 = arith.constant 0 : i32
    %dma_start3A_848 = tpu.memref_slice %arg6[%dma_start3A_845, %dma_start3A_846, %dma_start3A_847] : memref<6x16x1024xf32, #tpu.memory_space<vmem>> -> memref<1x16x1024xf32, #tpu.memory_space<vmem>>
    %dma_start3A_849 = tpu.memref_squeeze %dma_start3A_848 : memref<1x16x1024xf32, #tpu.memory_space<vmem>> -> memref<16x1024xf32, #tpu.memory_space<vmem>>
    %dma_start3A_850 = arith.constant 0 : i32
    %dma_start3A_851 = tpu.memref_slice %arg4[%add3A_844, %dma_start3A_850] : memref<16384x1024xf32, #tpu.memory_space<hbm>> -> memref<16x1024xf32, #tpu.memory_space<hbm>>
    %dma_start3A_852 = arith.constant 0 : i32
    %dma_start3A_853 = tpu.memref_slice %arg4[%add3A_844, %dma_start3A_852] : memref<16384x1024xf32, #tpu.memory_space<hbm>> -> memref<16x1024xf32, #tpu.memory_space<hbm>>
    %dma_start3A_854 = arith.constant 0 : i32
    %dma_start3A_855 = arith.constant 0 : i32
    %dma_start3A_856 = tpu.memref_slice %arg6[%dma_start3A_845, %dma_start3A_854, %dma_start3A_855] : memref<6x16x1024xf32, #tpu.memory_space<vmem>> -> memref<1x16x1024xf32, #tpu.memory_space<vmem>>
    %dma_start3A_857 = tpu.memref_squeeze %dma_start3A_856 : memref<1x16x1024xf32, #tpu.memory_space<vmem>> -> memref<16x1024xf32, #tpu.memory_space<vmem>>
    tpu.enqueue_dma source(%dma_start3A_857 : memref<16x1024xf32, #tpu.memory_space<vmem>>) target(%dma_start3A_853 : memref<16x1024xf32, #tpu.memory_space<hbm>>) target_semaphore(%arg13 : memref<!tpu.dma_semaphore, #tpu.memory_space<semaphore_mem>>)
    %dma_wait3A_858 = arith.constant 2 : i32
    %dma_wait3A_859 = arith.constant 0 : i32
    %dma_wait3A_860 = arith.constant 0 : i32
    %dma_wait3A_861 = tpu.memref_slice %arg6[%dma_wait3A_858, %dma_wait3A_859, %dma_wait3A_860] : memref<6x16x1024xf32, #tpu.memory_space<vmem>> -> memref<1x16x1024xf32, #tpu.memory_space<vmem>>
    %dma_wait3A_862 = tpu.memref_squeeze %dma_wait3A_861 : memref<1x16x1024xf32, #tpu.memory_space<vmem>> -> memref<16x1024xf32, #tpu.memory_space<vmem>>
    %dma_wait3A_863 = arith.constant 0 : i32
    %dma_wait3A_864 = tpu.memref_slice %arg4[%add3A_652, %dma_wait3A_863] : memref<16384x1024xf32, #tpu.memory_space<hbm>> -> memref<16x1024xf32, #tpu.memory_space<hbm>>
    %dma_wait3A_865 = arith.constant 0 : i32
    %dma_wait3A_866 = tpu.memref_slice %arg4[%add3A_652, %dma_wait3A_865] : memref<16384x1024xf32, #tpu.memory_space<hbm>> -> memref<16x1024xf32, #tpu.memory_space<hbm>>
    %dma_wait3A_867 = arith.constant 0 : i32
    %dma_wait3A_868 = arith.constant 0 : i32
    %dma_wait3A_869 = tpu.memref_slice %arg6[%dma_wait3A_858, %dma_wait3A_867, %dma_wait3A_868] : memref<6x16x1024xf32, #tpu.memory_space<vmem>> -> memref<1x16x1024xf32, #tpu.memory_space<vmem>>
    %dma_wait3A_870 = tpu.memref_squeeze %dma_wait3A_869 : memref<1x16x1024xf32, #tpu.memory_space<vmem>> -> memref<16x1024xf32, #tpu.memory_space<vmem>>
    tpu.wait_dma2 semaphore(%arg15 : memref<!tpu.dma_semaphore, #tpu.memory_space<semaphore_mem>>) src(%dma_wait3A_870 : memref<16x1024xf32, #tpu.memory_space<vmem>>) dst(%dma_wait3A_866 : memref<16x1024xf32, #tpu.memory_space<hbm>>)
    %dma_start3A_871 = arith.constant 2 : i32
    %dma_start3A_872 = arith.constant 0 : i32
    %dma_start3A_873 = arith.constant 0 : i32
    %dma_start3A_874 = tpu.memref_slice %arg6[%dma_start3A_871, %dma_start3A_872, %dma_start3A_873] : memref<6x16x1024xf32, #tpu.memory_space<vmem>> -> memref<1x16x1024xf32, #tpu.memory_space<vmem>>
    %dma_start3A_875 = tpu.memref_squeeze %dma_start3A_874 : memref<1x16x1024xf32, #tpu.memory_space<vmem>> -> memref<16x1024xf32, #tpu.memory_space<vmem>>
    %dma_start3A_876 = arith.constant 320 : i32
    %dma_start3A_877 = tpu.memref_slice %arg5[%dma_start3A_876] : memref<512xi32, #tpu.memory_space<vmem>> -> memref<16xi32, #tpu.memory_space<vmem>>
    %dma_start3A_878 = arith.constant 0 : i32
    %dma_start3A_879 = arith.constant 0 : i32
    %dma_start3A_880 = tpu.memref_slice %arg2[%dma_start3A_878, %dma_start3A_879] : memref<8192x1024xf32, #tpu.memory_space<hbm>> -> memref<8192x1024xf32, #tpu.memory_space<hbm>>
    tpu.enqueue_indirect_dma source(%dma_start3A_880 : memref<8192x1024xf32, #tpu.memory_space<hbm>>) target(%dma_start3A_875 : memref<16x1024xf32, #tpu.memory_space<vmem>>) offsets(%dma_start3A_877 : memref<16xi32, #tpu.memory_space<vmem>>) semaphore(%arg9 : memref<!tpu.dma_semaphore, #tpu.memory_space<semaphore_mem>>)
    %dma_wait3A_881 = arith.constant 1 : i32
    %dma_wait3A_882 = arith.constant 0 : i32
    %dma_wait3A_883 = arith.constant 0 : i32
    %dma_wait3A_884 = tpu.memref_slice %arg6[%dma_wait3A_881, %dma_wait3A_882, %dma_wait3A_883] : memref<6x16x1024xf32, #tpu.memory_space<vmem>> -> memref<1x16x1024xf32, #tpu.memory_space<vmem>>
    %dma_wait3A_885 = tpu.memref_squeeze %dma_wait3A_884 : memref<1x16x1024xf32, #tpu.memory_space<vmem>> -> memref<16x1024xf32, #tpu.memory_space<vmem>>
    %dma_wait3A_886 = arith.constant 304 : i32
    %dma_wait3A_887 = tpu.memref_slice %arg5[%dma_wait3A_886] : memref<512xi32, #tpu.memory_space<vmem>> -> memref<16xi32, #tpu.memory_space<vmem>>
    %dma_wait3A_888 = arith.constant 0 : i32
    %dma_wait3A_889 = arith.constant 0 : i32
    %dma_wait3A_890 = tpu.memref_slice %arg2[%dma_wait3A_888, %dma_wait3A_889] : memref<8192x1024xf32, #tpu.memory_space<hbm>> -> memref<8192x1024xf32, #tpu.memory_space<hbm>>
    tpu.wait_indirect_dma semaphore(%arg8 : memref<!tpu.dma_semaphore, #tpu.memory_space<semaphore_mem>>) src(%dma_wait3A_890 : memref<8192x1024xf32, #tpu.memory_space<hbm>>) dst(%dma_wait3A_885 : memref<16x1024xf32, #tpu.memory_space<vmem>>)
    %add3A_891 = arith.constant 304 : i32
    %add3A_892 = arith.addi %mul3A_2, %add3A_891 : i32
    %dma_start3A_893 = arith.constant 1 : i32
    %dma_start3A_894 = arith.constant 0 : i32
    %dma_start3A_895 = arith.constant 0 : i32
    %dma_start3A_896 = tpu.memref_slice %arg6[%dma_start3A_893, %dma_start3A_894, %dma_start3A_895] : memref<6x16x1024xf32, #tpu.memory_space<vmem>> -> memref<1x16x1024xf32, #tpu.memory_space<vmem>>
    %dma_start3A_897 = tpu.memref_squeeze %dma_start3A_896 : memref<1x16x1024xf32, #tpu.memory_space<vmem>> -> memref<16x1024xf32, #tpu.memory_space<vmem>>
    %dma_start3A_898 = arith.constant 0 : i32
    %dma_start3A_899 = tpu.memref_slice %arg4[%add3A_892, %dma_start3A_898] : memref<16384x1024xf32, #tpu.memory_space<hbm>> -> memref<16x1024xf32, #tpu.memory_space<hbm>>
    %dma_start3A_900 = arith.constant 0 : i32
    %dma_start3A_901 = tpu.memref_slice %arg4[%add3A_892, %dma_start3A_900] : memref<16384x1024xf32, #tpu.memory_space<hbm>> -> memref<16x1024xf32, #tpu.memory_space<hbm>>
    %dma_start3A_902 = arith.constant 0 : i32
    %dma_start3A_903 = arith.constant 0 : i32
    %dma_start3A_904 = tpu.memref_slice %arg6[%dma_start3A_893, %dma_start3A_902, %dma_start3A_903] : memref<6x16x1024xf32, #tpu.memory_space<vmem>> -> memref<1x16x1024xf32, #tpu.memory_space<vmem>>
    %dma_start3A_905 = tpu.memref_squeeze %dma_start3A_904 : memref<1x16x1024xf32, #tpu.memory_space<vmem>> -> memref<16x1024xf32, #tpu.memory_space<vmem>>
    tpu.enqueue_dma source(%dma_start3A_905 : memref<16x1024xf32, #tpu.memory_space<vmem>>) target(%dma_start3A_901 : memref<16x1024xf32, #tpu.memory_space<hbm>>) target_semaphore(%arg14 : memref<!tpu.dma_semaphore, #tpu.memory_space<semaphore_mem>>)
    %dma_wait3A_906 = arith.constant 3 : i32
    %dma_wait3A_907 = arith.constant 0 : i32
    %dma_wait3A_908 = arith.constant 0 : i32
    %dma_wait3A_909 = tpu.memref_slice %arg6[%dma_wait3A_906, %dma_wait3A_907, %dma_wait3A_908] : memref<6x16x1024xf32, #tpu.memory_space<vmem>> -> memref<1x16x1024xf32, #tpu.memory_space<vmem>>
    %dma_wait3A_910 = tpu.memref_squeeze %dma_wait3A_909 : memref<1x16x1024xf32, #tpu.memory_space<vmem>> -> memref<16x1024xf32, #tpu.memory_space<vmem>>
    %dma_wait3A_911 = arith.constant 0 : i32
    %dma_wait3A_912 = tpu.memref_slice %arg4[%add3A_700, %dma_wait3A_911] : memref<16384x1024xf32, #tpu.memory_space<hbm>> -> memref<16x1024xf32, #tpu.memory_space<hbm>>
    %dma_wait3A_913 = arith.constant 0 : i32
    %dma_wait3A_914 = tpu.memref_slice %arg4[%add3A_700, %dma_wait3A_913] : memref<16384x1024xf32, #tpu.memory_space<hbm>> -> memref<16x1024xf32, #tpu.memory_space<hbm>>
    %dma_wait3A_915 = arith.constant 0 : i32
    %dma_wait3A_916 = arith.constant 0 : i32
    %dma_wait3A_917 = tpu.memref_slice %arg6[%dma_wait3A_906, %dma_wait3A_915, %dma_wait3A_916] : memref<6x16x1024xf32, #tpu.memory_space<vmem>> -> memref<1x16x1024xf32, #tpu.memory_space<vmem>>
    %dma_wait3A_918 = tpu.memref_squeeze %dma_wait3A_917 : memref<1x16x1024xf32, #tpu.memory_space<vmem>> -> memref<16x1024xf32, #tpu.memory_space<vmem>>
    tpu.wait_dma2 semaphore(%arg16 : memref<!tpu.dma_semaphore, #tpu.memory_space<semaphore_mem>>) src(%dma_wait3A_918 : memref<16x1024xf32, #tpu.memory_space<vmem>>) dst(%dma_wait3A_914 : memref<16x1024xf32, #tpu.memory_space<hbm>>)
    %dma_start3A_919 = arith.constant 3 : i32
    %dma_start3A_920 = arith.constant 0 : i32
    %dma_start3A_921 = arith.constant 0 : i32
    %dma_start3A_922 = tpu.memref_slice %arg6[%dma_start3A_919, %dma_start3A_920, %dma_start3A_921] : memref<6x16x1024xf32, #tpu.memory_space<vmem>> -> memref<1x16x1024xf32, #tpu.memory_space<vmem>>
    %dma_start3A_923 = tpu.memref_squeeze %dma_start3A_922 : memref<1x16x1024xf32, #tpu.memory_space<vmem>> -> memref<16x1024xf32, #tpu.memory_space<vmem>>
    %dma_start3A_924 = arith.constant 336 : i32
    %dma_start3A_925 = tpu.memref_slice %arg5[%dma_start3A_924] : memref<512xi32, #tpu.memory_space<vmem>> -> memref<16xi32, #tpu.memory_space<vmem>>
    %dma_start3A_926 = arith.constant 0 : i32
    %dma_start3A_927 = arith.constant 0 : i32
    %dma_start3A_928 = tpu.memref_slice %arg2[%dma_start3A_926, %dma_start3A_927] : memref<8192x1024xf32, #tpu.memory_space<hbm>> -> memref<8192x1024xf32, #tpu.memory_space<hbm>>
    tpu.enqueue_indirect_dma source(%dma_start3A_928 : memref<8192x1024xf32, #tpu.memory_space<hbm>>) target(%dma_start3A_923 : memref<16x1024xf32, #tpu.memory_space<vmem>>) offsets(%dma_start3A_925 : memref<16xi32, #tpu.memory_space<vmem>>) semaphore(%arg10 : memref<!tpu.dma_semaphore, #tpu.memory_space<semaphore_mem>>)
    %dma_wait3A_929 = arith.constant 2 : i32
    %dma_wait3A_930 = arith.constant 0 : i32
    %dma_wait3A_931 = arith.constant 0 : i32
    %dma_wait3A_932 = tpu.memref_slice %arg6[%dma_wait3A_929, %dma_wait3A_930, %dma_wait3A_931] : memref<6x16x1024xf32, #tpu.memory_space<vmem>> -> memref<1x16x1024xf32, #tpu.memory_space<vmem>>
    %dma_wait3A_933 = tpu.memref_squeeze %dma_wait3A_932 : memref<1x16x1024xf32, #tpu.memory_space<vmem>> -> memref<16x1024xf32, #tpu.memory_space<vmem>>
    %dma_wait3A_934 = arith.constant 320 : i32
    %dma_wait3A_935 = tpu.memref_slice %arg5[%dma_wait3A_934] : memref<512xi32, #tpu.memory_space<vmem>> -> memref<16xi32, #tpu.memory_space<vmem>>
    %dma_wait3A_936 = arith.constant 0 : i32
    %dma_wait3A_937 = arith.constant 0 : i32
    %dma_wait3A_938 = tpu.memref_slice %arg2[%dma_wait3A_936, %dma_wait3A_937] : memref<8192x1024xf32, #tpu.memory_space<hbm>> -> memref<8192x1024xf32, #tpu.memory_space<hbm>>
    tpu.wait_indirect_dma semaphore(%arg9 : memref<!tpu.dma_semaphore, #tpu.memory_space<semaphore_mem>>) src(%dma_wait3A_938 : memref<8192x1024xf32, #tpu.memory_space<hbm>>) dst(%dma_wait3A_933 : memref<16x1024xf32, #tpu.memory_space<vmem>>)
    %add3A_939 = arith.constant 320 : i32
    %add3A_940 = arith.addi %mul3A_2, %add3A_939 : i32
    %dma_start3A_941 = arith.constant 2 : i32
    %dma_start3A_942 = arith.constant 0 : i32
    %dma_start3A_943 = arith.constant 0 : i32
    %dma_start3A_944 = tpu.memref_slice %arg6[%dma_start3A_941, %dma_start3A_942, %dma_start3A_943] : memref<6x16x1024xf32, #tpu.memory_space<vmem>> -> memref<1x16x1024xf32, #tpu.memory_space<vmem>>
    %dma_start3A_945 = tpu.memref_squeeze %dma_start3A_944 : memref<1x16x1024xf32, #tpu.memory_space<vmem>> -> memref<16x1024xf32, #tpu.memory_space<vmem>>
    %dma_start3A_946 = arith.constant 0 : i32
    %dma_start3A_947 = tpu.memref_slice %arg4[%add3A_940, %dma_start3A_946] : memref<16384x1024xf32, #tpu.memory_space<hbm>> -> memref<16x1024xf32, #tpu.memory_space<hbm>>
    %dma_start3A_948 = arith.constant 0 : i32
    %dma_start3A_949 = tpu.memref_slice %arg4[%add3A_940, %dma_start3A_948] : memref<16384x1024xf32, #tpu.memory_space<hbm>> -> memref<16x1024xf32, #tpu.memory_space<hbm>>
    %dma_start3A_950 = arith.constant 0 : i32
    %dma_start3A_951 = arith.constant 0 : i32
    %dma_start3A_952 = tpu.memref_slice %arg6[%dma_start3A_941, %dma_start3A_950, %dma_start3A_951] : memref<6x16x1024xf32, #tpu.memory_space<vmem>> -> memref<1x16x1024xf32, #tpu.memory_space<vmem>>
    %dma_start3A_953 = tpu.memref_squeeze %dma_start3A_952 : memref<1x16x1024xf32, #tpu.memory_space<vmem>> -> memref<16x1024xf32, #tpu.memory_space<vmem>>
    tpu.enqueue_dma source(%dma_start3A_953 : memref<16x1024xf32, #tpu.memory_space<vmem>>) target(%dma_start3A_949 : memref<16x1024xf32, #tpu.memory_space<hbm>>) target_semaphore(%arg15 : memref<!tpu.dma_semaphore, #tpu.memory_space<semaphore_mem>>)
    %dma_wait3A_954 = arith.constant 4 : i32
    %dma_wait3A_955 = arith.constant 0 : i32
    %dma_wait3A_956 = arith.constant 0 : i32
    %dma_wait3A_957 = tpu.memref_slice %arg6[%dma_wait3A_954, %dma_wait3A_955, %dma_wait3A_956] : memref<6x16x1024xf32, #tpu.memory_space<vmem>> -> memref<1x16x1024xf32, #tpu.memory_space<vmem>>
    %dma_wait3A_958 = tpu.memref_squeeze %dma_wait3A_957 : memref<1x16x1024xf32, #tpu.memory_space<vmem>> -> memref<16x1024xf32, #tpu.memory_space<vmem>>
    %dma_wait3A_959 = arith.constant 0 : i32
    %dma_wait3A_960 = tpu.memref_slice %arg4[%add3A_748, %dma_wait3A_959] : memref<16384x1024xf32, #tpu.memory_space<hbm>> -> memref<16x1024xf32, #tpu.memory_space<hbm>>
    %dma_wait3A_961 = arith.constant 0 : i32
    %dma_wait3A_962 = tpu.memref_slice %arg4[%add3A_748, %dma_wait3A_961] : memref<16384x1024xf32, #tpu.memory_space<hbm>> -> memref<16x1024xf32, #tpu.memory_space<hbm>>
    %dma_wait3A_963 = arith.constant 0 : i32
    %dma_wait3A_964 = arith.constant 0 : i32
    %dma_wait3A_965 = tpu.memref_slice %arg6[%dma_wait3A_954, %dma_wait3A_963, %dma_wait3A_964] : memref<6x16x1024xf32, #tpu.memory_space<vmem>> -> memref<1x16x1024xf32, #tpu.memory_space<vmem>>
    %dma_wait3A_966 = tpu.memref_squeeze %dma_wait3A_965 : memref<1x16x1024xf32, #tpu.memory_space<vmem>> -> memref<16x1024xf32, #tpu.memory_space<vmem>>
    tpu.wait_dma2 semaphore(%arg17 : memref<!tpu.dma_semaphore, #tpu.memory_space<semaphore_mem>>) src(%dma_wait3A_966 : memref<16x1024xf32, #tpu.memory_space<vmem>>) dst(%dma_wait3A_962 : memref<16x1024xf32, #tpu.memory_space<hbm>>)
    %dma_start3A_967 = arith.constant 4 : i32
    %dma_start3A_968 = arith.constant 0 : i32
    %dma_start3A_969 = arith.constant 0 : i32
    %dma_start3A_970 = tpu.memref_slice %arg6[%dma_start3A_967, %dma_start3A_968, %dma_start3A_969] : memref<6x16x1024xf32, #tpu.memory_space<vmem>> -> memref<1x16x1024xf32, #tpu.memory_space<vmem>>
    %dma_start3A_971 = tpu.memref_squeeze %dma_start3A_970 : memref<1x16x1024xf32, #tpu.memory_space<vmem>> -> memref<16x1024xf32, #tpu.memory_space<vmem>>
    %dma_start3A_972 = arith.constant 352 : i32
    %dma_start3A_973 = tpu.memref_slice %arg5[%dma_start3A_972] : memref<512xi32, #tpu.memory_space<vmem>> -> memref<16xi32, #tpu.memory_space<vmem>>
    %dma_start3A_974 = arith.constant 0 : i32
    %dma_start3A_975 = arith.constant 0 : i32
    %dma_start3A_976 = tpu.memref_slice %arg2[%dma_start3A_974, %dma_start3A_975] : memref<8192x1024xf32, #tpu.memory_space<hbm>> -> memref<8192x1024xf32, #tpu.memory_space<hbm>>
    tpu.enqueue_indirect_dma source(%dma_start3A_976 : memref<8192x1024xf32, #tpu.memory_space<hbm>>) target(%dma_start3A_971 : memref<16x1024xf32, #tpu.memory_space<vmem>>) offsets(%dma_start3A_973 : memref<16xi32, #tpu.memory_space<vmem>>) semaphore(%arg11 : memref<!tpu.dma_semaphore, #tpu.memory_space<semaphore_mem>>)
    %dma_wait3A_977 = arith.constant 3 : i32
    %dma_wait3A_978 = arith.constant 0 : i32
    %dma_wait3A_979 = arith.constant 0 : i32
    %dma_wait3A_980 = tpu.memref_slice %arg6[%dma_wait3A_977, %dma_wait3A_978, %dma_wait3A_979] : memref<6x16x1024xf32, #tpu.memory_space<vmem>> -> memref<1x16x1024xf32, #tpu.memory_space<vmem>>
    %dma_wait3A_981 = tpu.memref_squeeze %dma_wait3A_980 : memref<1x16x1024xf32, #tpu.memory_space<vmem>> -> memref<16x1024xf32, #tpu.memory_space<vmem>>
    %dma_wait3A_982 = arith.constant 336 : i32
    %dma_wait3A_983 = tpu.memref_slice %arg5[%dma_wait3A_982] : memref<512xi32, #tpu.memory_space<vmem>> -> memref<16xi32, #tpu.memory_space<vmem>>
    %dma_wait3A_984 = arith.constant 0 : i32
    %dma_wait3A_985 = arith.constant 0 : i32
    %dma_wait3A_986 = tpu.memref_slice %arg2[%dma_wait3A_984, %dma_wait3A_985] : memref<8192x1024xf32, #tpu.memory_space<hbm>> -> memref<8192x1024xf32, #tpu.memory_space<hbm>>
    tpu.wait_indirect_dma semaphore(%arg10 : memref<!tpu.dma_semaphore, #tpu.memory_space<semaphore_mem>>) src(%dma_wait3A_986 : memref<8192x1024xf32, #tpu.memory_space<hbm>>) dst(%dma_wait3A_981 : memref<16x1024xf32, #tpu.memory_space<vmem>>)
    %add3A_987 = arith.constant 336 : i32
    %add3A_988 = arith.addi %mul3A_2, %add3A_987 : i32
    %dma_start3A_989 = arith.constant 3 : i32
    %dma_start3A_990 = arith.constant 0 : i32
    %dma_start3A_991 = arith.constant 0 : i32
    %dma_start3A_992 = tpu.memref_slice %arg6[%dma_start3A_989, %dma_start3A_990, %dma_start3A_991] : memref<6x16x1024xf32, #tpu.memory_space<vmem>> -> memref<1x16x1024xf32, #tpu.memory_space<vmem>>
    %dma_start3A_993 = tpu.memref_squeeze %dma_start3A_992 : memref<1x16x1024xf32, #tpu.memory_space<vmem>> -> memref<16x1024xf32, #tpu.memory_space<vmem>>
    %dma_start3A_994 = arith.constant 0 : i32
    %dma_start3A_995 = tpu.memref_slice %arg4[%add3A_988, %dma_start3A_994] : memref<16384x1024xf32, #tpu.memory_space<hbm>> -> memref<16x1024xf32, #tpu.memory_space<hbm>>
    %dma_start3A_996 = arith.constant 0 : i32
    %dma_start3A_997 = tpu.memref_slice %arg4[%add3A_988, %dma_start3A_996] : memref<16384x1024xf32, #tpu.memory_space<hbm>> -> memref<16x1024xf32, #tpu.memory_space<hbm>>
    %dma_start3A_998 = arith.constant 0 : i32
    %dma_start3A_999 = arith.constant 0 : i32
    %dma_start3A_1000 = tpu.memref_slice %arg6[%dma_start3A_989, %dma_start3A_998, %dma_start3A_999] : memref<6x16x1024xf32, #tpu.memory_space<vmem>> -> memref<1x16x1024xf32, #tpu.memory_space<vmem>>
    %dma_start3A_1001 = tpu.memref_squeeze %dma_start3A_1000 : memref<1x16x1024xf32, #tpu.memory_space<vmem>> -> memref<16x1024xf32, #tpu.memory_space<vmem>>
    tpu.enqueue_dma source(%dma_start3A_1001 : memref<16x1024xf32, #tpu.memory_space<vmem>>) target(%dma_start3A_997 : memref<16x1024xf32, #tpu.memory_space<hbm>>) target_semaphore(%arg16 : memref<!tpu.dma_semaphore, #tpu.memory_space<semaphore_mem>>)
    %dma_wait3A_1002 = arith.constant 5 : i32
    %dma_wait3A_1003 = arith.constant 0 : i32
    %dma_wait3A_1004 = arith.constant 0 : i32
    %dma_wait3A_1005 = tpu.memref_slice %arg6[%dma_wait3A_1002, %dma_wait3A_1003, %dma_wait3A_1004] : memref<6x16x1024xf32, #tpu.memory_space<vmem>> -> memref<1x16x1024xf32, #tpu.memory_space<vmem>>
    %dma_wait3A_1006 = tpu.memref_squeeze %dma_wait3A_1005 : memref<1x16x1024xf32, #tpu.memory_space<vmem>> -> memref<16x1024xf32, #tpu.memory_space<vmem>>
    %dma_wait3A_1007 = arith.constant 0 : i32
    %dma_wait3A_1008 = tpu.memref_slice %arg4[%add3A_796, %dma_wait3A_1007] : memref<16384x1024xf32, #tpu.memory_space<hbm>> -> memref<16x1024xf32, #tpu.memory_space<hbm>>
    %dma_wait3A_1009 = arith.constant 0 : i32
    %dma_wait3A_1010 = tpu.memref_slice %arg4[%add3A_796, %dma_wait3A_1009] : memref<16384x1024xf32, #tpu.memory_space<hbm>> -> memref<16x1024xf32, #tpu.memory_space<hbm>>
    %dma_wait3A_1011 = arith.constant 0 : i32
    %dma_wait3A_1012 = arith.constant 0 : i32
    %dma_wait3A_1013 = tpu.memref_slice %arg6[%dma_wait3A_1002, %dma_wait3A_1011, %dma_wait3A_1012] : memref<6x16x1024xf32, #tpu.memory_space<vmem>> -> memref<1x16x1024xf32, #tpu.memory_space<vmem>>
    %dma_wait3A_1014 = tpu.memref_squeeze %dma_wait3A_1013 : memref<1x16x1024xf32, #tpu.memory_space<vmem>> -> memref<16x1024xf32, #tpu.memory_space<vmem>>
    tpu.wait_dma2 semaphore(%arg18 : memref<!tpu.dma_semaphore, #tpu.memory_space<semaphore_mem>>) src(%dma_wait3A_1014 : memref<16x1024xf32, #tpu.memory_space<vmem>>) dst(%dma_wait3A_1010 : memref<16x1024xf32, #tpu.memory_space<hbm>>)
    %dma_start3A_1015 = arith.constant 5 : i32
    %dma_start3A_1016 = arith.constant 0 : i32
    %dma_start3A_1017 = arith.constant 0 : i32
    %dma_start3A_1018 = tpu.memref_slice %arg6[%dma_start3A_1015, %dma_start3A_1016, %dma_start3A_1017] : memref<6x16x1024xf32, #tpu.memory_space<vmem>> -> memref<1x16x1024xf32, #tpu.memory_space<vmem>>
    %dma_start3A_1019 = tpu.memref_squeeze %dma_start3A_1018 : memref<1x16x1024xf32, #tpu.memory_space<vmem>> -> memref<16x1024xf32, #tpu.memory_space<vmem>>
    %dma_start3A_1020 = arith.constant 368 : i32
    %dma_start3A_1021 = tpu.memref_slice %arg5[%dma_start3A_1020] : memref<512xi32, #tpu.memory_space<vmem>> -> memref<16xi32, #tpu.memory_space<vmem>>
    %dma_start3A_1022 = arith.constant 0 : i32
    %dma_start3A_1023 = arith.constant 0 : i32
    %dma_start3A_1024 = tpu.memref_slice %arg2[%dma_start3A_1022, %dma_start3A_1023] : memref<8192x1024xf32, #tpu.memory_space<hbm>> -> memref<8192x1024xf32, #tpu.memory_space<hbm>>
    tpu.enqueue_indirect_dma source(%dma_start3A_1024 : memref<8192x1024xf32, #tpu.memory_space<hbm>>) target(%dma_start3A_1019 : memref<16x1024xf32, #tpu.memory_space<vmem>>) offsets(%dma_start3A_1021 : memref<16xi32, #tpu.memory_space<vmem>>) semaphore(%arg12 : memref<!tpu.dma_semaphore, #tpu.memory_space<semaphore_mem>>)
    %dma_wait3A_1025 = arith.constant 4 : i32
    %dma_wait3A_1026 = arith.constant 0 : i32
    %dma_wait3A_1027 = arith.constant 0 : i32
    %dma_wait3A_1028 = tpu.memref_slice %arg6[%dma_wait3A_1025, %dma_wait3A_1026, %dma_wait3A_1027] : memref<6x16x1024xf32, #tpu.memory_space<vmem>> -> memref<1x16x1024xf32, #tpu.memory_space<vmem>>
    %dma_wait3A_1029 = tpu.memref_squeeze %dma_wait3A_1028 : memref<1x16x1024xf32, #tpu.memory_space<vmem>> -> memref<16x1024xf32, #tpu.memory_space<vmem>>
    %dma_wait3A_1030 = arith.constant 352 : i32
    %dma_wait3A_1031 = tpu.memref_slice %arg5[%dma_wait3A_1030] : memref<512xi32, #tpu.memory_space<vmem>> -> memref<16xi32, #tpu.memory_space<vmem>>
    %dma_wait3A_1032 = arith.constant 0 : i32
    %dma_wait3A_1033 = arith.constant 0 : i32
    %dma_wait3A_1034 = tpu.memref_slice %arg2[%dma_wait3A_1032, %dma_wait3A_1033] : memref<8192x1024xf32, #tpu.memory_space<hbm>> -> memref<8192x1024xf32, #tpu.memory_space<hbm>>
    tpu.wait_indirect_dma semaphore(%arg11 : memref<!tpu.dma_semaphore, #tpu.memory_space<semaphore_mem>>) src(%dma_wait3A_1034 : memref<8192x1024xf32, #tpu.memory_space<hbm>>) dst(%dma_wait3A_1029 : memref<16x1024xf32, #tpu.memory_space<vmem>>)
    %add3A_1035 = arith.constant 352 : i32
    %add3A_1036 = arith.addi %mul3A_2, %add3A_1035 : i32
    %dma_start3A_1037 = arith.constant 4 : i32
    %dma_start3A_1038 = arith.constant 0 : i32
    %dma_start3A_1039 = arith.constant 0 : i32
    %dma_start3A_1040 = tpu.memref_slice %arg6[%dma_start3A_1037, %dma_start3A_1038, %dma_start3A_1039] : memref<6x16x1024xf32, #tpu.memory_space<vmem>> -> memref<1x16x1024xf32, #tpu.memory_space<vmem>>
    %dma_start3A_1041 = tpu.memref_squeeze %dma_start3A_1040 : memref<1x16x1024xf32, #tpu.memory_space<vmem>> -> memref<16x1024xf32, #tpu.memory_space<vmem>>
    %dma_start3A_1042 = arith.constant 0 : i32
    %dma_start3A_1043 = tpu.memref_slice %arg4[%add3A_1036, %dma_start3A_1042] : memref<16384x1024xf32, #tpu.memory_space<hbm>> -> memref<16x1024xf32, #tpu.memory_space<hbm>>
    %dma_start3A_1044 = arith.constant 0 : i32
    %dma_start3A_1045 = tpu.memref_slice %arg4[%add3A_1036, %dma_start3A_1044] : memref<16384x1024xf32, #tpu.memory_space<hbm>> -> memref<16x1024xf32, #tpu.memory_space<hbm>>
    %dma_start3A_1046 = arith.constant 0 : i32
    %dma_start3A_1047 = arith.constant 0 : i32
    %dma_start3A_1048 = tpu.memref_slice %arg6[%dma_start3A_1037, %dma_start3A_1046, %dma_start3A_1047] : memref<6x16x1024xf32, #tpu.memory_space<vmem>> -> memref<1x16x1024xf32, #tpu.memory_space<vmem>>
    %dma_start3A_1049 = tpu.memref_squeeze %dma_start3A_1048 : memref<1x16x1024xf32, #tpu.memory_space<vmem>> -> memref<16x1024xf32, #tpu.memory_space<vmem>>
    tpu.enqueue_dma source(%dma_start3A_1049 : memref<16x1024xf32, #tpu.memory_space<vmem>>) target(%dma_start3A_1045 : memref<16x1024xf32, #tpu.memory_space<hbm>>) target_semaphore(%arg17 : memref<!tpu.dma_semaphore, #tpu.memory_space<semaphore_mem>>)
    %dma_wait3A_1050 = arith.constant 0 : i32
    %dma_wait3A_1051 = arith.constant 0 : i32
    %dma_wait3A_1052 = arith.constant 0 : i32
    %dma_wait3A_1053 = tpu.memref_slice %arg6[%dma_wait3A_1050, %dma_wait3A_1051, %dma_wait3A_1052] : memref<6x16x1024xf32, #tpu.memory_space<vmem>> -> memref<1x16x1024xf32, #tpu.memory_space<vmem>>
    %dma_wait3A_1054 = tpu.memref_squeeze %dma_wait3A_1053 : memref<1x16x1024xf32, #tpu.memory_space<vmem>> -> memref<16x1024xf32, #tpu.memory_space<vmem>>
    %dma_wait3A_1055 = arith.constant 0 : i32
    %dma_wait3A_1056 = tpu.memref_slice %arg4[%add3A_844, %dma_wait3A_1055] : memref<16384x1024xf32, #tpu.memory_space<hbm>> -> memref<16x1024xf32, #tpu.memory_space<hbm>>
    %dma_wait3A_1057 = arith.constant 0 : i32
    %dma_wait3A_1058 = tpu.memref_slice %arg4[%add3A_844, %dma_wait3A_1057] : memref<16384x1024xf32, #tpu.memory_space<hbm>> -> memref<16x1024xf32, #tpu.memory_space<hbm>>
    %dma_wait3A_1059 = arith.constant 0 : i32
    %dma_wait3A_1060 = arith.constant 0 : i32
    %dma_wait3A_1061 = tpu.memref_slice %arg6[%dma_wait3A_1050, %dma_wait3A_1059, %dma_wait3A_1060] : memref<6x16x1024xf32, #tpu.memory_space<vmem>> -> memref<1x16x1024xf32, #tpu.memory_space<vmem>>
    %dma_wait3A_1062 = tpu.memref_squeeze %dma_wait3A_1061 : memref<1x16x1024xf32, #tpu.memory_space<vmem>> -> memref<16x1024xf32, #tpu.memory_space<vmem>>
    tpu.wait_dma2 semaphore(%arg13 : memref<!tpu.dma_semaphore, #tpu.memory_space<semaphore_mem>>) src(%dma_wait3A_1062 : memref<16x1024xf32, #tpu.memory_space<vmem>>) dst(%dma_wait3A_1058 : memref<16x1024xf32, #tpu.memory_space<hbm>>)
    %dma_start3A_1063 = arith.constant 0 : i32
    %dma_start3A_1064 = arith.constant 0 : i32
    %dma_start3A_1065 = arith.constant 0 : i32
    %dma_start3A_1066 = tpu.memref_slice %arg6[%dma_start3A_1063, %dma_start3A_1064, %dma_start3A_1065] : memref<6x16x1024xf32, #tpu.memory_space<vmem>> -> memref<1x16x1024xf32, #tpu.memory_space<vmem>>
    %dma_start3A_1067 = tpu.memref_squeeze %dma_start3A_1066 : memref<1x16x1024xf32, #tpu.memory_space<vmem>> -> memref<16x1024xf32, #tpu.memory_space<vmem>>
    %dma_start3A_1068 = arith.constant 384 : i32
    %dma_start3A_1069 = tpu.memref_slice %arg5[%dma_start3A_1068] : memref<512xi32, #tpu.memory_space<vmem>> -> memref<16xi32, #tpu.memory_space<vmem>>
    %dma_start3A_1070 = arith.constant 0 : i32
    %dma_start3A_1071 = arith.constant 0 : i32
    %dma_start3A_1072 = tpu.memref_slice %arg2[%dma_start3A_1070, %dma_start3A_1071] : memref<8192x1024xf32, #tpu.memory_space<hbm>> -> memref<8192x1024xf32, #tpu.memory_space<hbm>>
    tpu.enqueue_indirect_dma source(%dma_start3A_1072 : memref<8192x1024xf32, #tpu.memory_space<hbm>>) target(%dma_start3A_1067 : memref<16x1024xf32, #tpu.memory_space<vmem>>) offsets(%dma_start3A_1069 : memref<16xi32, #tpu.memory_space<vmem>>) semaphore(%arg7 : memref<!tpu.dma_semaphore, #tpu.memory_space<semaphore_mem>>)
    %dma_wait3A_1073 = arith.constant 5 : i32
    %dma_wait3A_1074 = arith.constant 0 : i32
    %dma_wait3A_1075 = arith.constant 0 : i32
    %dma_wait3A_1076 = tpu.memref_slice %arg6[%dma_wait3A_1073, %dma_wait3A_1074, %dma_wait3A_1075] : memref<6x16x1024xf32, #tpu.memory_space<vmem>> -> memref<1x16x1024xf32, #tpu.memory_space<vmem>>
    %dma_wait3A_1077 = tpu.memref_squeeze %dma_wait3A_1076 : memref<1x16x1024xf32, #tpu.memory_space<vmem>> -> memref<16x1024xf32, #tpu.memory_space<vmem>>
    %dma_wait3A_1078 = arith.constant 368 : i32
    %dma_wait3A_1079 = tpu.memref_slice %arg5[%dma_wait3A_1078] : memref<512xi32, #tpu.memory_space<vmem>> -> memref<16xi32, #tpu.memory_space<vmem>>
    %dma_wait3A_1080 = arith.constant 0 : i32
    %dma_wait3A_1081 = arith.constant 0 : i32
    %dma_wait3A_1082 = tpu.memref_slice %arg2[%dma_wait3A_1080, %dma_wait3A_1081] : memref<8192x1024xf32, #tpu.memory_space<hbm>> -> memref<8192x1024xf32, #tpu.memory_space<hbm>>
    tpu.wait_indirect_dma semaphore(%arg12 : memref<!tpu.dma_semaphore, #tpu.memory_space<semaphore_mem>>) src(%dma_wait3A_1082 : memref<8192x1024xf32, #tpu.memory_space<hbm>>) dst(%dma_wait3A_1077 : memref<16x1024xf32, #tpu.memory_space<vmem>>)
    %add3A_1083 = arith.constant 368 : i32
    %add3A_1084 = arith.addi %mul3A_2, %add3A_1083 : i32
    %dma_start3A_1085 = arith.constant 5 : i32
    %dma_start3A_1086 = arith.constant 0 : i32
    %dma_start3A_1087 = arith.constant 0 : i32
    %dma_start3A_1088 = tpu.memref_slice %arg6[%dma_start3A_1085, %dma_start3A_1086, %dma_start3A_1087] : memref<6x16x1024xf32, #tpu.memory_space<vmem>> -> memref<1x16x1024xf32, #tpu.memory_space<vmem>>
    %dma_start3A_1089 = tpu.memref_squeeze %dma_start3A_1088 : memref<1x16x1024xf32, #tpu.memory_space<vmem>> -> memref<16x1024xf32, #tpu.memory_space<vmem>>
    %dma_start3A_1090 = arith.constant 0 : i32
    %dma_start3A_1091 = tpu.memref_slice %arg4[%add3A_1084, %dma_start3A_1090] : memref<16384x1024xf32, #tpu.memory_space<hbm>> -> memref<16x1024xf32, #tpu.memory_space<hbm>>
    %dma_start3A_1092 = arith.constant 0 : i32
    %dma_start3A_1093 = tpu.memref_slice %arg4[%add3A_1084, %dma_start3A_1092] : memref<16384x1024xf32, #tpu.memory_space<hbm>> -> memref<16x1024xf32, #tpu.memory_space<hbm>>
    %dma_start3A_1094 = arith.constant 0 : i32
    %dma_start3A_1095 = arith.constant 0 : i32
    %dma_start3A_1096 = tpu.memref_slice %arg6[%dma_start3A_1085, %dma_start3A_1094, %dma_start3A_1095] : memref<6x16x1024xf32, #tpu.memory_space<vmem>> -> memref<1x16x1024xf32, #tpu.memory_space<vmem>>
    %dma_start3A_1097 = tpu.memref_squeeze %dma_start3A_1096 : memref<1x16x1024xf32, #tpu.memory_space<vmem>> -> memref<16x1024xf32, #tpu.memory_space<vmem>>
    tpu.enqueue_dma source(%dma_start3A_1097 : memref<16x1024xf32, #tpu.memory_space<vmem>>) target(%dma_start3A_1093 : memref<16x1024xf32, #tpu.memory_space<hbm>>) target_semaphore(%arg18 : memref<!tpu.dma_semaphore, #tpu.memory_space<semaphore_mem>>)
    %dma_wait3A_1098 = arith.constant 1 : i32
    %dma_wait3A_1099 = arith.constant 0 : i32
    %dma_wait3A_1100 = arith.constant 0 : i32
    %dma_wait3A_1101 = tpu.memref_slice %arg6[%dma_wait3A_1098, %dma_wait3A_1099, %dma_wait3A_1100] : memref<6x16x1024xf32, #tpu.memory_space<vmem>> -> memref<1x16x1024xf32, #tpu.memory_space<vmem>>
    %dma_wait3A_1102 = tpu.memref_squeeze %dma_wait3A_1101 : memref<1x16x1024xf32, #tpu.memory_space<vmem>> -> memref<16x1024xf32, #tpu.memory_space<vmem>>
    %dma_wait3A_1103 = arith.constant 0 : i32
    %dma_wait3A_1104 = tpu.memref_slice %arg4[%add3A_892, %dma_wait3A_1103] : memref<16384x1024xf32, #tpu.memory_space<hbm>> -> memref<16x1024xf32, #tpu.memory_space<hbm>>
    %dma_wait3A_1105 = arith.constant 0 : i32
    %dma_wait3A_1106 = tpu.memref_slice %arg4[%add3A_892, %dma_wait3A_1105] : memref<16384x1024xf32, #tpu.memory_space<hbm>> -> memref<16x1024xf32, #tpu.memory_space<hbm>>
    %dma_wait3A_1107 = arith.constant 0 : i32
    %dma_wait3A_1108 = arith.constant 0 : i32
    %dma_wait3A_1109 = tpu.memref_slice %arg6[%dma_wait3A_1098, %dma_wait3A_1107, %dma_wait3A_1108] : memref<6x16x1024xf32, #tpu.memory_space<vmem>> -> memref<1x16x1024xf32, #tpu.memory_space<vmem>>
    %dma_wait3A_1110 = tpu.memref_squeeze %dma_wait3A_1109 : memref<1x16x1024xf32, #tpu.memory_space<vmem>> -> memref<16x1024xf32, #tpu.memory_space<vmem>>
    tpu.wait_dma2 semaphore(%arg14 : memref<!tpu.dma_semaphore, #tpu.memory_space<semaphore_mem>>) src(%dma_wait3A_1110 : memref<16x1024xf32, #tpu.memory_space<vmem>>) dst(%dma_wait3A_1106 : memref<16x1024xf32, #tpu.memory_space<hbm>>)
    %dma_start3A_1111 = arith.constant 1 : i32
    %dma_start3A_1112 = arith.constant 0 : i32
    %dma_start3A_1113 = arith.constant 0 : i32
    %dma_start3A_1114 = tpu.memref_slice %arg6[%dma_start3A_1111, %dma_start3A_1112, %dma_start3A_1113] : memref<6x16x1024xf32, #tpu.memory_space<vmem>> -> memref<1x16x1024xf32, #tpu.memory_space<vmem>>
    %dma_start3A_1115 = tpu.memref_squeeze %dma_start3A_1114 : memref<1x16x1024xf32, #tpu.memory_space<vmem>> -> memref<16x1024xf32, #tpu.memory_space<vmem>>
    %dma_start3A_1116 = arith.constant 400 : i32
    %dma_start3A_1117 = tpu.memref_slice %arg5[%dma_start3A_1116] : memref<512xi32, #tpu.memory_space<vmem>> -> memref<16xi32, #tpu.memory_space<vmem>>
    %dma_start3A_1118 = arith.constant 0 : i32
    %dma_start3A_1119 = arith.constant 0 : i32
    %dma_start3A_1120 = tpu.memref_slice %arg2[%dma_start3A_1118, %dma_start3A_1119] : memref<8192x1024xf32, #tpu.memory_space<hbm>> -> memref<8192x1024xf32, #tpu.memory_space<hbm>>
    tpu.enqueue_indirect_dma source(%dma_start3A_1120 : memref<8192x1024xf32, #tpu.memory_space<hbm>>) target(%dma_start3A_1115 : memref<16x1024xf32, #tpu.memory_space<vmem>>) offsets(%dma_start3A_1117 : memref<16xi32, #tpu.memory_space<vmem>>) semaphore(%arg8 : memref<!tpu.dma_semaphore, #tpu.memory_space<semaphore_mem>>)
    %dma_wait3A_1121 = arith.constant 0 : i32
    %dma_wait3A_1122 = arith.constant 0 : i32
    %dma_wait3A_1123 = arith.constant 0 : i32
    %dma_wait3A_1124 = tpu.memref_slice %arg6[%dma_wait3A_1121, %dma_wait3A_1122, %dma_wait3A_1123] : memref<6x16x1024xf32, #tpu.memory_space<vmem>> -> memref<1x16x1024xf32, #tpu.memory_space<vmem>>
    %dma_wait3A_1125 = tpu.memref_squeeze %dma_wait3A_1124 : memref<1x16x1024xf32, #tpu.memory_space<vmem>> -> memref<16x1024xf32, #tpu.memory_space<vmem>>
    %dma_wait3A_1126 = arith.constant 384 : i32
    %dma_wait3A_1127 = tpu.memref_slice %arg5[%dma_wait3A_1126] : memref<512xi32, #tpu.memory_space<vmem>> -> memref<16xi32, #tpu.memory_space<vmem>>
    %dma_wait3A_1128 = arith.constant 0 : i32
    %dma_wait3A_1129 = arith.constant 0 : i32
    %dma_wait3A_1130 = tpu.memref_slice %arg2[%dma_wait3A_1128, %dma_wait3A_1129] : memref<8192x1024xf32, #tpu.memory_space<hbm>> -> memref<8192x1024xf32, #tpu.memory_space<hbm>>
    tpu.wait_indirect_dma semaphore(%arg7 : memref<!tpu.dma_semaphore, #tpu.memory_space<semaphore_mem>>) src(%dma_wait3A_1130 : memref<8192x1024xf32, #tpu.memory_space<hbm>>) dst(%dma_wait3A_1125 : memref<16x1024xf32, #tpu.memory_space<vmem>>)
    %add3A_1131 = arith.constant 384 : i32
    %add3A_1132 = arith.addi %mul3A_2, %add3A_1131 : i32
    %dma_start3A_1133 = arith.constant 0 : i32
    %dma_start3A_1134 = arith.constant 0 : i32
    %dma_start3A_1135 = arith.constant 0 : i32
    %dma_start3A_1136 = tpu.memref_slice %arg6[%dma_start3A_1133, %dma_start3A_1134, %dma_start3A_1135] : memref<6x16x1024xf32, #tpu.memory_space<vmem>> -> memref<1x16x1024xf32, #tpu.memory_space<vmem>>
    %dma_start3A_1137 = tpu.memref_squeeze %dma_start3A_1136 : memref<1x16x1024xf32, #tpu.memory_space<vmem>> -> memref<16x1024xf32, #tpu.memory_space<vmem>>
    %dma_start3A_1138 = arith.constant 0 : i32
    %dma_start3A_1139 = tpu.memref_slice %arg4[%add3A_1132, %dma_start3A_1138] : memref<16384x1024xf32, #tpu.memory_space<hbm>> -> memref<16x1024xf32, #tpu.memory_space<hbm>>
    %dma_start3A_1140 = arith.constant 0 : i32
    %dma_start3A_1141 = tpu.memref_slice %arg4[%add3A_1132, %dma_start3A_1140] : memref<16384x1024xf32, #tpu.memory_space<hbm>> -> memref<16x1024xf32, #tpu.memory_space<hbm>>
    %dma_start3A_1142 = arith.constant 0 : i32
    %dma_start3A_1143 = arith.constant 0 : i32
    %dma_start3A_1144 = tpu.memref_slice %arg6[%dma_start3A_1133, %dma_start3A_1142, %dma_start3A_1143] : memref<6x16x1024xf32, #tpu.memory_space<vmem>> -> memref<1x16x1024xf32, #tpu.memory_space<vmem>>
    %dma_start3A_1145 = tpu.memref_squeeze %dma_start3A_1144 : memref<1x16x1024xf32, #tpu.memory_space<vmem>> -> memref<16x1024xf32, #tpu.memory_space<vmem>>
    tpu.enqueue_dma source(%dma_start3A_1145 : memref<16x1024xf32, #tpu.memory_space<vmem>>) target(%dma_start3A_1141 : memref<16x1024xf32, #tpu.memory_space<hbm>>) target_semaphore(%arg13 : memref<!tpu.dma_semaphore, #tpu.memory_space<semaphore_mem>>)
    %dma_wait3A_1146 = arith.constant 2 : i32
    %dma_wait3A_1147 = arith.constant 0 : i32
    %dma_wait3A_1148 = arith.constant 0 : i32
    %dma_wait3A_1149 = tpu.memref_slice %arg6[%dma_wait3A_1146, %dma_wait3A_1147, %dma_wait3A_1148] : memref<6x16x1024xf32, #tpu.memory_space<vmem>> -> memref<1x16x1024xf32, #tpu.memory_space<vmem>>
    %dma_wait3A_1150 = tpu.memref_squeeze %dma_wait3A_1149 : memref<1x16x1024xf32, #tpu.memory_space<vmem>> -> memref<16x1024xf32, #tpu.memory_space<vmem>>
    %dma_wait3A_1151 = arith.constant 0 : i32
    %dma_wait3A_1152 = tpu.memref_slice %arg4[%add3A_940, %dma_wait3A_1151] : memref<16384x1024xf32, #tpu.memory_space<hbm>> -> memref<16x1024xf32, #tpu.memory_space<hbm>>
    %dma_wait3A_1153 = arith.constant 0 : i32
    %dma_wait3A_1154 = tpu.memref_slice %arg4[%add3A_940, %dma_wait3A_1153] : memref<16384x1024xf32, #tpu.memory_space<hbm>> -> memref<16x1024xf32, #tpu.memory_space<hbm>>
    %dma_wait3A_1155 = arith.constant 0 : i32
    %dma_wait3A_1156 = arith.constant 0 : i32
    %dma_wait3A_1157 = tpu.memref_slice %arg6[%dma_wait3A_1146, %dma_wait3A_1155, %dma_wait3A_1156] : memref<6x16x1024xf32, #tpu.memory_space<vmem>> -> memref<1x16x1024xf32, #tpu.memory_space<vmem>>
    %dma_wait3A_1158 = tpu.memref_squeeze %dma_wait3A_1157 : memref<1x16x1024xf32, #tpu.memory_space<vmem>> -> memref<16x1024xf32, #tpu.memory_space<vmem>>
    tpu.wait_dma2 semaphore(%arg15 : memref<!tpu.dma_semaphore, #tpu.memory_space<semaphore_mem>>) src(%dma_wait3A_1158 : memref<16x1024xf32, #tpu.memory_space<vmem>>) dst(%dma_wait3A_1154 : memref<16x1024xf32, #tpu.memory_space<hbm>>)
    %dma_start3A_1159 = arith.constant 2 : i32
    %dma_start3A_1160 = arith.constant 0 : i32
    %dma_start3A_1161 = arith.constant 0 : i32
    %dma_start3A_1162 = tpu.memref_slice %arg6[%dma_start3A_1159, %dma_start3A_1160, %dma_start3A_1161] : memref<6x16x1024xf32, #tpu.memory_space<vmem>> -> memref<1x16x1024xf32, #tpu.memory_space<vmem>>
    %dma_start3A_1163 = tpu.memref_squeeze %dma_start3A_1162 : memref<1x16x1024xf32, #tpu.memory_space<vmem>> -> memref<16x1024xf32, #tpu.memory_space<vmem>>
    %dma_start3A_1164 = arith.constant 416 : i32
    %dma_start3A_1165 = tpu.memref_slice %arg5[%dma_start3A_1164] : memref<512xi32, #tpu.memory_space<vmem>> -> memref<16xi32, #tpu.memory_space<vmem>>
    %dma_start3A_1166 = arith.constant 0 : i32
    %dma_start3A_1167 = arith.constant 0 : i32
    %dma_start3A_1168 = tpu.memref_slice %arg2[%dma_start3A_1166, %dma_start3A_1167] : memref<8192x1024xf32, #tpu.memory_space<hbm>> -> memref<8192x1024xf32, #tpu.memory_space<hbm>>
    tpu.enqueue_indirect_dma source(%dma_start3A_1168 : memref<8192x1024xf32, #tpu.memory_space<hbm>>) target(%dma_start3A_1163 : memref<16x1024xf32, #tpu.memory_space<vmem>>) offsets(%dma_start3A_1165 : memref<16xi32, #tpu.memory_space<vmem>>) semaphore(%arg9 : memref<!tpu.dma_semaphore, #tpu.memory_space<semaphore_mem>>)
    %dma_wait3A_1169 = arith.constant 1 : i32
    %dma_wait3A_1170 = arith.constant 0 : i32
    %dma_wait3A_1171 = arith.constant 0 : i32
    %dma_wait3A_1172 = tpu.memref_slice %arg6[%dma_wait3A_1169, %dma_wait3A_1170, %dma_wait3A_1171] : memref<6x16x1024xf32, #tpu.memory_space<vmem>> -> memref<1x16x1024xf32, #tpu.memory_space<vmem>>
    %dma_wait3A_1173 = tpu.memref_squeeze %dma_wait3A_1172 : memref<1x16x1024xf32, #tpu.memory_space<vmem>> -> memref<16x1024xf32, #tpu.memory_space<vmem>>
    %dma_wait3A_1174 = arith.constant 400 : i32
    %dma_wait3A_1175 = tpu.memref_slice %arg5[%dma_wait3A_1174] : memref<512xi32, #tpu.memory_space<vmem>> -> memref<16xi32, #tpu.memory_space<vmem>>
    %dma_wait3A_1176 = arith.constant 0 : i32
    %dma_wait3A_1177 = arith.constant 0 : i32
    %dma_wait3A_1178 = tpu.memref_slice %arg2[%dma_wait3A_1176, %dma_wait3A_1177] : memref<8192x1024xf32, #tpu.memory_space<hbm>> -> memref<8192x1024xf32, #tpu.memory_space<hbm>>
    tpu.wait_indirect_dma semaphore(%arg8 : memref<!tpu.dma_semaphore, #tpu.memory_space<semaphore_mem>>) src(%dma_wait3A_1178 : memref<8192x1024xf32, #tpu.memory_space<hbm>>) dst(%dma_wait3A_1173 : memref<16x1024xf32, #tpu.memory_space<vmem>>)
    %add3A_1179 = arith.constant 400 : i32
    %add3A_1180 = arith.addi %mul3A_2, %add3A_1179 : i32
    %dma_start3A_1181 = arith.constant 1 : i32
    %dma_start3A_1182 = arith.constant 0 : i32
    %dma_start3A_1183 = arith.constant 0 : i32
    %dma_start3A_1184 = tpu.memref_slice %arg6[%dma_start3A_1181, %dma_start3A_1182, %dma_start3A_1183] : memref<6x16x1024xf32, #tpu.memory_space<vmem>> -> memref<1x16x1024xf32, #tpu.memory_space<vmem>>
    %dma_start3A_1185 = tpu.memref_squeeze %dma_start3A_1184 : memref<1x16x1024xf32, #tpu.memory_space<vmem>> -> memref<16x1024xf32, #tpu.memory_space<vmem>>
    %dma_start3A_1186 = arith.constant 0 : i32
    %dma_start3A_1187 = tpu.memref_slice %arg4[%add3A_1180, %dma_start3A_1186] : memref<16384x1024xf32, #tpu.memory_space<hbm>> -> memref<16x1024xf32, #tpu.memory_space<hbm>>
    %dma_start3A_1188 = arith.constant 0 : i32
    %dma_start3A_1189 = tpu.memref_slice %arg4[%add3A_1180, %dma_start3A_1188] : memref<16384x1024xf32, #tpu.memory_space<hbm>> -> memref<16x1024xf32, #tpu.memory_space<hbm>>
    %dma_start3A_1190 = arith.constant 0 : i32
    %dma_start3A_1191 = arith.constant 0 : i32
    %dma_start3A_1192 = tpu.memref_slice %arg6[%dma_start3A_1181, %dma_start3A_1190, %dma_start3A_1191] : memref<6x16x1024xf32, #tpu.memory_space<vmem>> -> memref<1x16x1024xf32, #tpu.memory_space<vmem>>
    %dma_start3A_1193 = tpu.memref_squeeze %dma_start3A_1192 : memref<1x16x1024xf32, #tpu.memory_space<vmem>> -> memref<16x1024xf32, #tpu.memory_space<vmem>>
    tpu.enqueue_dma source(%dma_start3A_1193 : memref<16x1024xf32, #tpu.memory_space<vmem>>) target(%dma_start3A_1189 : memref<16x1024xf32, #tpu.memory_space<hbm>>) target_semaphore(%arg14 : memref<!tpu.dma_semaphore, #tpu.memory_space<semaphore_mem>>)
    %dma_wait3A_1194 = arith.constant 3 : i32
    %dma_wait3A_1195 = arith.constant 0 : i32
    %dma_wait3A_1196 = arith.constant 0 : i32
    %dma_wait3A_1197 = tpu.memref_slice %arg6[%dma_wait3A_1194, %dma_wait3A_1195, %dma_wait3A_1196] : memref<6x16x1024xf32, #tpu.memory_space<vmem>> -> memref<1x16x1024xf32, #tpu.memory_space<vmem>>
    %dma_wait3A_1198 = tpu.memref_squeeze %dma_wait3A_1197 : memref<1x16x1024xf32, #tpu.memory_space<vmem>> -> memref<16x1024xf32, #tpu.memory_space<vmem>>
    %dma_wait3A_1199 = arith.constant 0 : i32
    %dma_wait3A_1200 = tpu.memref_slice %arg4[%add3A_988, %dma_wait3A_1199] : memref<16384x1024xf32, #tpu.memory_space<hbm>> -> memref<16x1024xf32, #tpu.memory_space<hbm>>
    %dma_wait3A_1201 = arith.constant 0 : i32
    %dma_wait3A_1202 = tpu.memref_slice %arg4[%add3A_988, %dma_wait3A_1201] : memref<16384x1024xf32, #tpu.memory_space<hbm>> -> memref<16x1024xf32, #tpu.memory_space<hbm>>
    %dma_wait3A_1203 = arith.constant 0 : i32
    %dma_wait3A_1204 = arith.constant 0 : i32
    %dma_wait3A_1205 = tpu.memref_slice %arg6[%dma_wait3A_1194, %dma_wait3A_1203, %dma_wait3A_1204] : memref<6x16x1024xf32, #tpu.memory_space<vmem>> -> memref<1x16x1024xf32, #tpu.memory_space<vmem>>
    %dma_wait3A_1206 = tpu.memref_squeeze %dma_wait3A_1205 : memref<1x16x1024xf32, #tpu.memory_space<vmem>> -> memref<16x1024xf32, #tpu.memory_space<vmem>>
    tpu.wait_dma2 semaphore(%arg16 : memref<!tpu.dma_semaphore, #tpu.memory_space<semaphore_mem>>) src(%dma_wait3A_1206 : memref<16x1024xf32, #tpu.memory_space<vmem>>) dst(%dma_wait3A_1202 : memref<16x1024xf32, #tpu.memory_space<hbm>>)
    %dma_start3A_1207 = arith.constant 3 : i32
    %dma_start3A_1208 = arith.constant 0 : i32
    %dma_start3A_1209 = arith.constant 0 : i32
    %dma_start3A_1210 = tpu.memref_slice %arg6[%dma_start3A_1207, %dma_start3A_1208, %dma_start3A_1209] : memref<6x16x1024xf32, #tpu.memory_space<vmem>> -> memref<1x16x1024xf32, #tpu.memory_space<vmem>>
    %dma_start3A_1211 = tpu.memref_squeeze %dma_start3A_1210 : memref<1x16x1024xf32, #tpu.memory_space<vmem>> -> memref<16x1024xf32, #tpu.memory_space<vmem>>
    %dma_start3A_1212 = arith.constant 432 : i32
    %dma_start3A_1213 = tpu.memref_slice %arg5[%dma_start3A_1212] : memref<512xi32, #tpu.memory_space<vmem>> -> memref<16xi32, #tpu.memory_space<vmem>>
    %dma_start3A_1214 = arith.constant 0 : i32
    %dma_start3A_1215 = arith.constant 0 : i32
    %dma_start3A_1216 = tpu.memref_slice %arg2[%dma_start3A_1214, %dma_start3A_1215] : memref<8192x1024xf32, #tpu.memory_space<hbm>> -> memref<8192x1024xf32, #tpu.memory_space<hbm>>
    tpu.enqueue_indirect_dma source(%dma_start3A_1216 : memref<8192x1024xf32, #tpu.memory_space<hbm>>) target(%dma_start3A_1211 : memref<16x1024xf32, #tpu.memory_space<vmem>>) offsets(%dma_start3A_1213 : memref<16xi32, #tpu.memory_space<vmem>>) semaphore(%arg10 : memref<!tpu.dma_semaphore, #tpu.memory_space<semaphore_mem>>)
    %dma_wait3A_1217 = arith.constant 2 : i32
    %dma_wait3A_1218 = arith.constant 0 : i32
    %dma_wait3A_1219 = arith.constant 0 : i32
    %dma_wait3A_1220 = tpu.memref_slice %arg6[%dma_wait3A_1217, %dma_wait3A_1218, %dma_wait3A_1219] : memref<6x16x1024xf32, #tpu.memory_space<vmem>> -> memref<1x16x1024xf32, #tpu.memory_space<vmem>>
    %dma_wait3A_1221 = tpu.memref_squeeze %dma_wait3A_1220 : memref<1x16x1024xf32, #tpu.memory_space<vmem>> -> memref<16x1024xf32, #tpu.memory_space<vmem>>
    %dma_wait3A_1222 = arith.constant 416 : i32
    %dma_wait3A_1223 = tpu.memref_slice %arg5[%dma_wait3A_1222] : memref<512xi32, #tpu.memory_space<vmem>> -> memref<16xi32, #tpu.memory_space<vmem>>
    %dma_wait3A_1224 = arith.constant 0 : i32
    %dma_wait3A_1225 = arith.constant 0 : i32
    %dma_wait3A_1226 = tpu.memref_slice %arg2[%dma_wait3A_1224, %dma_wait3A_1225] : memref<8192x1024xf32, #tpu.memory_space<hbm>> -> memref<8192x1024xf32, #tpu.memory_space<hbm>>
    tpu.wait_indirect_dma semaphore(%arg9 : memref<!tpu.dma_semaphore, #tpu.memory_space<semaphore_mem>>) src(%dma_wait3A_1226 : memref<8192x1024xf32, #tpu.memory_space<hbm>>) dst(%dma_wait3A_1221 : memref<16x1024xf32, #tpu.memory_space<vmem>>)
    %add3A_1227 = arith.constant 416 : i32
    %add3A_1228 = arith.addi %mul3A_2, %add3A_1227 : i32
    %dma_start3A_1229 = arith.constant 2 : i32
    %dma_start3A_1230 = arith.constant 0 : i32
    %dma_start3A_1231 = arith.constant 0 : i32
    %dma_start3A_1232 = tpu.memref_slice %arg6[%dma_start3A_1229, %dma_start3A_1230, %dma_start3A_1231] : memref<6x16x1024xf32, #tpu.memory_space<vmem>> -> memref<1x16x1024xf32, #tpu.memory_space<vmem>>
    %dma_start3A_1233 = tpu.memref_squeeze %dma_start3A_1232 : memref<1x16x1024xf32, #tpu.memory_space<vmem>> -> memref<16x1024xf32, #tpu.memory_space<vmem>>
    %dma_start3A_1234 = arith.constant 0 : i32
    %dma_start3A_1235 = tpu.memref_slice %arg4[%add3A_1228, %dma_start3A_1234] : memref<16384x1024xf32, #tpu.memory_space<hbm>> -> memref<16x1024xf32, #tpu.memory_space<hbm>>
    %dma_start3A_1236 = arith.constant 0 : i32
    %dma_start3A_1237 = tpu.memref_slice %arg4[%add3A_1228, %dma_start3A_1236] : memref<16384x1024xf32, #tpu.memory_space<hbm>> -> memref<16x1024xf32, #tpu.memory_space<hbm>>
    %dma_start3A_1238 = arith.constant 0 : i32
    %dma_start3A_1239 = arith.constant 0 : i32
    %dma_start3A_1240 = tpu.memref_slice %arg6[%dma_start3A_1229, %dma_start3A_1238, %dma_start3A_1239] : memref<6x16x1024xf32, #tpu.memory_space<vmem>> -> memref<1x16x1024xf32, #tpu.memory_space<vmem>>
    %dma_start3A_1241 = tpu.memref_squeeze %dma_start3A_1240 : memref<1x16x1024xf32, #tpu.memory_space<vmem>> -> memref<16x1024xf32, #tpu.memory_space<vmem>>
    tpu.enqueue_dma source(%dma_start3A_1241 : memref<16x1024xf32, #tpu.memory_space<vmem>>) target(%dma_start3A_1237 : memref<16x1024xf32, #tpu.memory_space<hbm>>) target_semaphore(%arg15 : memref<!tpu.dma_semaphore, #tpu.memory_space<semaphore_mem>>)
    %dma_wait3A_1242 = arith.constant 4 : i32
    %dma_wait3A_1243 = arith.constant 0 : i32
    %dma_wait3A_1244 = arith.constant 0 : i32
    %dma_wait3A_1245 = tpu.memref_slice %arg6[%dma_wait3A_1242, %dma_wait3A_1243, %dma_wait3A_1244] : memref<6x16x1024xf32, #tpu.memory_space<vmem>> -> memref<1x16x1024xf32, #tpu.memory_space<vmem>>
    %dma_wait3A_1246 = tpu.memref_squeeze %dma_wait3A_1245 : memref<1x16x1024xf32, #tpu.memory_space<vmem>> -> memref<16x1024xf32, #tpu.memory_space<vmem>>
    %dma_wait3A_1247 = arith.constant 0 : i32
    %dma_wait3A_1248 = tpu.memref_slice %arg4[%add3A_1036, %dma_wait3A_1247] : memref<16384x1024xf32, #tpu.memory_space<hbm>> -> memref<16x1024xf32, #tpu.memory_space<hbm>>
    %dma_wait3A_1249 = arith.constant 0 : i32
    %dma_wait3A_1250 = tpu.memref_slice %arg4[%add3A_1036, %dma_wait3A_1249] : memref<16384x1024xf32, #tpu.memory_space<hbm>> -> memref<16x1024xf32, #tpu.memory_space<hbm>>
    %dma_wait3A_1251 = arith.constant 0 : i32
    %dma_wait3A_1252 = arith.constant 0 : i32
    %dma_wait3A_1253 = tpu.memref_slice %arg6[%dma_wait3A_1242, %dma_wait3A_1251, %dma_wait3A_1252] : memref<6x16x1024xf32, #tpu.memory_space<vmem>> -> memref<1x16x1024xf32, #tpu.memory_space<vmem>>
    %dma_wait3A_1254 = tpu.memref_squeeze %dma_wait3A_1253 : memref<1x16x1024xf32, #tpu.memory_space<vmem>> -> memref<16x1024xf32, #tpu.memory_space<vmem>>
    tpu.wait_dma2 semaphore(%arg17 : memref<!tpu.dma_semaphore, #tpu.memory_space<semaphore_mem>>) src(%dma_wait3A_1254 : memref<16x1024xf32, #tpu.memory_space<vmem>>) dst(%dma_wait3A_1250 : memref<16x1024xf32, #tpu.memory_space<hbm>>)
    %dma_start3A_1255 = arith.constant 4 : i32
    %dma_start3A_1256 = arith.constant 0 : i32
    %dma_start3A_1257 = arith.constant 0 : i32
    %dma_start3A_1258 = tpu.memref_slice %arg6[%dma_start3A_1255, %dma_start3A_1256, %dma_start3A_1257] : memref<6x16x1024xf32, #tpu.memory_space<vmem>> -> memref<1x16x1024xf32, #tpu.memory_space<vmem>>
    %dma_start3A_1259 = tpu.memref_squeeze %dma_start3A_1258 : memref<1x16x1024xf32, #tpu.memory_space<vmem>> -> memref<16x1024xf32, #tpu.memory_space<vmem>>
    %dma_start3A_1260 = arith.constant 448 : i32
    %dma_start3A_1261 = tpu.memref_slice %arg5[%dma_start3A_1260] : memref<512xi32, #tpu.memory_space<vmem>> -> memref<16xi32, #tpu.memory_space<vmem>>
    %dma_start3A_1262 = arith.constant 0 : i32
    %dma_start3A_1263 = arith.constant 0 : i32
    %dma_start3A_1264 = tpu.memref_slice %arg2[%dma_start3A_1262, %dma_start3A_1263] : memref<8192x1024xf32, #tpu.memory_space<hbm>> -> memref<8192x1024xf32, #tpu.memory_space<hbm>>
    tpu.enqueue_indirect_dma source(%dma_start3A_1264 : memref<8192x1024xf32, #tpu.memory_space<hbm>>) target(%dma_start3A_1259 : memref<16x1024xf32, #tpu.memory_space<vmem>>) offsets(%dma_start3A_1261 : memref<16xi32, #tpu.memory_space<vmem>>) semaphore(%arg11 : memref<!tpu.dma_semaphore, #tpu.memory_space<semaphore_mem>>)
    %dma_wait3A_1265 = arith.constant 3 : i32
    %dma_wait3A_1266 = arith.constant 0 : i32
    %dma_wait3A_1267 = arith.constant 0 : i32
    %dma_wait3A_1268 = tpu.memref_slice %arg6[%dma_wait3A_1265, %dma_wait3A_1266, %dma_wait3A_1267] : memref<6x16x1024xf32, #tpu.memory_space<vmem>> -> memref<1x16x1024xf32, #tpu.memory_space<vmem>>
    %dma_wait3A_1269 = tpu.memref_squeeze %dma_wait3A_1268 : memref<1x16x1024xf32, #tpu.memory_space<vmem>> -> memref<16x1024xf32, #tpu.memory_space<vmem>>
    %dma_wait3A_1270 = arith.constant 432 : i32
    %dma_wait3A_1271 = tpu.memref_slice %arg5[%dma_wait3A_1270] : memref<512xi32, #tpu.memory_space<vmem>> -> memref<16xi32, #tpu.memory_space<vmem>>
    %dma_wait3A_1272 = arith.constant 0 : i32
    %dma_wait3A_1273 = arith.constant 0 : i32
    %dma_wait3A_1274 = tpu.memref_slice %arg2[%dma_wait3A_1272, %dma_wait3A_1273] : memref<8192x1024xf32, #tpu.memory_space<hbm>> -> memref<8192x1024xf32, #tpu.memory_space<hbm>>
    tpu.wait_indirect_dma semaphore(%arg10 : memref<!tpu.dma_semaphore, #tpu.memory_space<semaphore_mem>>) src(%dma_wait3A_1274 : memref<8192x1024xf32, #tpu.memory_space<hbm>>) dst(%dma_wait3A_1269 : memref<16x1024xf32, #tpu.memory_space<vmem>>)
    %add3A_1275 = arith.constant 432 : i32
    %add3A_1276 = arith.addi %mul3A_2, %add3A_1275 : i32
    %dma_start3A_1277 = arith.constant 3 : i32
    %dma_start3A_1278 = arith.constant 0 : i32
    %dma_start3A_1279 = arith.constant 0 : i32
    %dma_start3A_1280 = tpu.memref_slice %arg6[%dma_start3A_1277, %dma_start3A_1278, %dma_start3A_1279] : memref<6x16x1024xf32, #tpu.memory_space<vmem>> -> memref<1x16x1024xf32, #tpu.memory_space<vmem>>
    %dma_start3A_1281 = tpu.memref_squeeze %dma_start3A_1280 : memref<1x16x1024xf32, #tpu.memory_space<vmem>> -> memref<16x1024xf32, #tpu.memory_space<vmem>>
    %dma_start3A_1282 = arith.constant 0 : i32
    %dma_start3A_1283 = tpu.memref_slice %arg4[%add3A_1276, %dma_start3A_1282] : memref<16384x1024xf32, #tpu.memory_space<hbm>> -> memref<16x1024xf32, #tpu.memory_space<hbm>>
    %dma_start3A_1284 = arith.constant 0 : i32
    %dma_start3A_1285 = tpu.memref_slice %arg4[%add3A_1276, %dma_start3A_1284] : memref<16384x1024xf32, #tpu.memory_space<hbm>> -> memref<16x1024xf32, #tpu.memory_space<hbm>>
    %dma_start3A_1286 = arith.constant 0 : i32
    %dma_start3A_1287 = arith.constant 0 : i32
    %dma_start3A_1288 = tpu.memref_slice %arg6[%dma_start3A_1277, %dma_start3A_1286, %dma_start3A_1287] : memref<6x16x1024xf32, #tpu.memory_space<vmem>> -> memref<1x16x1024xf32, #tpu.memory_space<vmem>>
    %dma_start3A_1289 = tpu.memref_squeeze %dma_start3A_1288 : memref<1x16x1024xf32, #tpu.memory_space<vmem>> -> memref<16x1024xf32, #tpu.memory_space<vmem>>
    tpu.enqueue_dma source(%dma_start3A_1289 : memref<16x1024xf32, #tpu.memory_space<vmem>>) target(%dma_start3A_1285 : memref<16x1024xf32, #tpu.memory_space<hbm>>) target_semaphore(%arg16 : memref<!tpu.dma_semaphore, #tpu.memory_space<semaphore_mem>>)
    %dma_wait3A_1290 = arith.constant 5 : i32
    %dma_wait3A_1291 = arith.constant 0 : i32
    %dma_wait3A_1292 = arith.constant 0 : i32
    %dma_wait3A_1293 = tpu.memref_slice %arg6[%dma_wait3A_1290, %dma_wait3A_1291, %dma_wait3A_1292] : memref<6x16x1024xf32, #tpu.memory_space<vmem>> -> memref<1x16x1024xf32, #tpu.memory_space<vmem>>
    %dma_wait3A_1294 = tpu.memref_squeeze %dma_wait3A_1293 : memref<1x16x1024xf32, #tpu.memory_space<vmem>> -> memref<16x1024xf32, #tpu.memory_space<vmem>>
    %dma_wait3A_1295 = arith.constant 0 : i32
    %dma_wait3A_1296 = tpu.memref_slice %arg4[%add3A_1084, %dma_wait3A_1295] : memref<16384x1024xf32, #tpu.memory_space<hbm>> -> memref<16x1024xf32, #tpu.memory_space<hbm>>
    %dma_wait3A_1297 = arith.constant 0 : i32
    %dma_wait3A_1298 = tpu.memref_slice %arg4[%add3A_1084, %dma_wait3A_1297] : memref<16384x1024xf32, #tpu.memory_space<hbm>> -> memref<16x1024xf32, #tpu.memory_space<hbm>>
    %dma_wait3A_1299 = arith.constant 0 : i32
    %dma_wait3A_1300 = arith.constant 0 : i32
    %dma_wait3A_1301 = tpu.memref_slice %arg6[%dma_wait3A_1290, %dma_wait3A_1299, %dma_wait3A_1300] : memref<6x16x1024xf32, #tpu.memory_space<vmem>> -> memref<1x16x1024xf32, #tpu.memory_space<vmem>>
    %dma_wait3A_1302 = tpu.memref_squeeze %dma_wait3A_1301 : memref<1x16x1024xf32, #tpu.memory_space<vmem>> -> memref<16x1024xf32, #tpu.memory_space<vmem>>
    tpu.wait_dma2 semaphore(%arg18 : memref<!tpu.dma_semaphore, #tpu.memory_space<semaphore_mem>>) src(%dma_wait3A_1302 : memref<16x1024xf32, #tpu.memory_space<vmem>>) dst(%dma_wait3A_1298 : memref<16x1024xf32, #tpu.memory_space<hbm>>)
    %dma_start3A_1303 = arith.constant 5 : i32
    %dma_start3A_1304 = arith.constant 0 : i32
    %dma_start3A_1305 = arith.constant 0 : i32
    %dma_start3A_1306 = tpu.memref_slice %arg6[%dma_start3A_1303, %dma_start3A_1304, %dma_start3A_1305] : memref<6x16x1024xf32, #tpu.memory_space<vmem>> -> memref<1x16x1024xf32, #tpu.memory_space<vmem>>
    %dma_start3A_1307 = tpu.memref_squeeze %dma_start3A_1306 : memref<1x16x1024xf32, #tpu.memory_space<vmem>> -> memref<16x1024xf32, #tpu.memory_space<vmem>>
    %dma_start3A_1308 = arith.constant 464 : i32
    %dma_start3A_1309 = tpu.memref_slice %arg5[%dma_start3A_1308] : memref<512xi32, #tpu.memory_space<vmem>> -> memref<16xi32, #tpu.memory_space<vmem>>
    %dma_start3A_1310 = arith.constant 0 : i32
    %dma_start3A_1311 = arith.constant 0 : i32
    %dma_start3A_1312 = tpu.memref_slice %arg2[%dma_start3A_1310, %dma_start3A_1311] : memref<8192x1024xf32, #tpu.memory_space<hbm>> -> memref<8192x1024xf32, #tpu.memory_space<hbm>>
    tpu.enqueue_indirect_dma source(%dma_start3A_1312 : memref<8192x1024xf32, #tpu.memory_space<hbm>>) target(%dma_start3A_1307 : memref<16x1024xf32, #tpu.memory_space<vmem>>) offsets(%dma_start3A_1309 : memref<16xi32, #tpu.memory_space<vmem>>) semaphore(%arg12 : memref<!tpu.dma_semaphore, #tpu.memory_space<semaphore_mem>>)
    %dma_wait3A_1313 = arith.constant 4 : i32
    %dma_wait3A_1314 = arith.constant 0 : i32
    %dma_wait3A_1315 = arith.constant 0 : i32
    %dma_wait3A_1316 = tpu.memref_slice %arg6[%dma_wait3A_1313, %dma_wait3A_1314, %dma_wait3A_1315] : memref<6x16x1024xf32, #tpu.memory_space<vmem>> -> memref<1x16x1024xf32, #tpu.memory_space<vmem>>
    %dma_wait3A_1317 = tpu.memref_squeeze %dma_wait3A_1316 : memref<1x16x1024xf32, #tpu.memory_space<vmem>> -> memref<16x1024xf32, #tpu.memory_space<vmem>>
    %dma_wait3A_1318 = arith.constant 448 : i32
    %dma_wait3A_1319 = tpu.memref_slice %arg5[%dma_wait3A_1318] : memref<512xi32, #tpu.memory_space<vmem>> -> memref<16xi32, #tpu.memory_space<vmem>>
    %dma_wait3A_1320 = arith.constant 0 : i32
    %dma_wait3A_1321 = arith.constant 0 : i32
    %dma_wait3A_1322 = tpu.memref_slice %arg2[%dma_wait3A_1320, %dma_wait3A_1321] : memref<8192x1024xf32, #tpu.memory_space<hbm>> -> memref<8192x1024xf32, #tpu.memory_space<hbm>>
    tpu.wait_indirect_dma semaphore(%arg11 : memref<!tpu.dma_semaphore, #tpu.memory_space<semaphore_mem>>) src(%dma_wait3A_1322 : memref<8192x1024xf32, #tpu.memory_space<hbm>>) dst(%dma_wait3A_1317 : memref<16x1024xf32, #tpu.memory_space<vmem>>)
    %add3A_1323 = arith.constant 448 : i32
    %add3A_1324 = arith.addi %mul3A_2, %add3A_1323 : i32
    %dma_start3A_1325 = arith.constant 4 : i32
    %dma_start3A_1326 = arith.constant 0 : i32
    %dma_start3A_1327 = arith.constant 0 : i32
    %dma_start3A_1328 = tpu.memref_slice %arg6[%dma_start3A_1325, %dma_start3A_1326, %dma_start3A_1327] : memref<6x16x1024xf32, #tpu.memory_space<vmem>> -> memref<1x16x1024xf32, #tpu.memory_space<vmem>>
    %dma_start3A_1329 = tpu.memref_squeeze %dma_start3A_1328 : memref<1x16x1024xf32, #tpu.memory_space<vmem>> -> memref<16x1024xf32, #tpu.memory_space<vmem>>
    %dma_start3A_1330 = arith.constant 0 : i32
    %dma_start3A_1331 = tpu.memref_slice %arg4[%add3A_1324, %dma_start3A_1330] : memref<16384x1024xf32, #tpu.memory_space<hbm>> -> memref<16x1024xf32, #tpu.memory_space<hbm>>
    %dma_start3A_1332 = arith.constant 0 : i32
    %dma_start3A_1333 = tpu.memref_slice %arg4[%add3A_1324, %dma_start3A_1332] : memref<16384x1024xf32, #tpu.memory_space<hbm>> -> memref<16x1024xf32, #tpu.memory_space<hbm>>
    %dma_start3A_1334 = arith.constant 0 : i32
    %dma_start3A_1335 = arith.constant 0 : i32
    %dma_start3A_1336 = tpu.memref_slice %arg6[%dma_start3A_1325, %dma_start3A_1334, %dma_start3A_1335] : memref<6x16x1024xf32, #tpu.memory_space<vmem>> -> memref<1x16x1024xf32, #tpu.memory_space<vmem>>
    %dma_start3A_1337 = tpu.memref_squeeze %dma_start3A_1336 : memref<1x16x1024xf32, #tpu.memory_space<vmem>> -> memref<16x1024xf32, #tpu.memory_space<vmem>>
    tpu.enqueue_dma source(%dma_start3A_1337 : memref<16x1024xf32, #tpu.memory_space<vmem>>) target(%dma_start3A_1333 : memref<16x1024xf32, #tpu.memory_space<hbm>>) target_semaphore(%arg17 : memref<!tpu.dma_semaphore, #tpu.memory_space<semaphore_mem>>)
    %dma_wait3A_1338 = arith.constant 0 : i32
    %dma_wait3A_1339 = arith.constant 0 : i32
    %dma_wait3A_1340 = arith.constant 0 : i32
    %dma_wait3A_1341 = tpu.memref_slice %arg6[%dma_wait3A_1338, %dma_wait3A_1339, %dma_wait3A_1340] : memref<6x16x1024xf32, #tpu.memory_space<vmem>> -> memref<1x16x1024xf32, #tpu.memory_space<vmem>>
    %dma_wait3A_1342 = tpu.memref_squeeze %dma_wait3A_1341 : memref<1x16x1024xf32, #tpu.memory_space<vmem>> -> memref<16x1024xf32, #tpu.memory_space<vmem>>
    %dma_wait3A_1343 = arith.constant 0 : i32
    %dma_wait3A_1344 = tpu.memref_slice %arg4[%add3A_1132, %dma_wait3A_1343] : memref<16384x1024xf32, #tpu.memory_space<hbm>> -> memref<16x1024xf32, #tpu.memory_space<hbm>>
    %dma_wait3A_1345 = arith.constant 0 : i32
    %dma_wait3A_1346 = tpu.memref_slice %arg4[%add3A_1132, %dma_wait3A_1345] : memref<16384x1024xf32, #tpu.memory_space<hbm>> -> memref<16x1024xf32, #tpu.memory_space<hbm>>
    %dma_wait3A_1347 = arith.constant 0 : i32
    %dma_wait3A_1348 = arith.constant 0 : i32
    %dma_wait3A_1349 = tpu.memref_slice %arg6[%dma_wait3A_1338, %dma_wait3A_1347, %dma_wait3A_1348] : memref<6x16x1024xf32, #tpu.memory_space<vmem>> -> memref<1x16x1024xf32, #tpu.memory_space<vmem>>
    %dma_wait3A_1350 = tpu.memref_squeeze %dma_wait3A_1349 : memref<1x16x1024xf32, #tpu.memory_space<vmem>> -> memref<16x1024xf32, #tpu.memory_space<vmem>>
    tpu.wait_dma2 semaphore(%arg13 : memref<!tpu.dma_semaphore, #tpu.memory_space<semaphore_mem>>) src(%dma_wait3A_1350 : memref<16x1024xf32, #tpu.memory_space<vmem>>) dst(%dma_wait3A_1346 : memref<16x1024xf32, #tpu.memory_space<hbm>>)
    %dma_start3A_1351 = arith.constant 0 : i32
    %dma_start3A_1352 = arith.constant 0 : i32
    %dma_start3A_1353 = arith.constant 0 : i32
    %dma_start3A_1354 = tpu.memref_slice %arg6[%dma_start3A_1351, %dma_start3A_1352, %dma_start3A_1353] : memref<6x16x1024xf32, #tpu.memory_space<vmem>> -> memref<1x16x1024xf32, #tpu.memory_space<vmem>>
    %dma_start3A_1355 = tpu.memref_squeeze %dma_start3A_1354 : memref<1x16x1024xf32, #tpu.memory_space<vmem>> -> memref<16x1024xf32, #tpu.memory_space<vmem>>
    %dma_start3A_1356 = arith.constant 480 : i32
    %dma_start3A_1357 = tpu.memref_slice %arg5[%dma_start3A_1356] : memref<512xi32, #tpu.memory_space<vmem>> -> memref<16xi32, #tpu.memory_space<vmem>>
    %dma_start3A_1358 = arith.constant 0 : i32
    %dma_start3A_1359 = arith.constant 0 : i32
    %dma_start3A_1360 = tpu.memref_slice %arg2[%dma_start3A_1358, %dma_start3A_1359] : memref<8192x1024xf32, #tpu.memory_space<hbm>> -> memref<8192x1024xf32, #tpu.memory_space<hbm>>
    tpu.enqueue_indirect_dma source(%dma_start3A_1360 : memref<8192x1024xf32, #tpu.memory_space<hbm>>) target(%dma_start3A_1355 : memref<16x1024xf32, #tpu.memory_space<vmem>>) offsets(%dma_start3A_1357 : memref<16xi32, #tpu.memory_space<vmem>>) semaphore(%arg7 : memref<!tpu.dma_semaphore, #tpu.memory_space<semaphore_mem>>)
    %dma_wait3A_1361 = arith.constant 5 : i32
    %dma_wait3A_1362 = arith.constant 0 : i32
    %dma_wait3A_1363 = arith.constant 0 : i32
    %dma_wait3A_1364 = tpu.memref_slice %arg6[%dma_wait3A_1361, %dma_wait3A_1362, %dma_wait3A_1363] : memref<6x16x1024xf32, #tpu.memory_space<vmem>> -> memref<1x16x1024xf32, #tpu.memory_space<vmem>>
    %dma_wait3A_1365 = tpu.memref_squeeze %dma_wait3A_1364 : memref<1x16x1024xf32, #tpu.memory_space<vmem>> -> memref<16x1024xf32, #tpu.memory_space<vmem>>
    %dma_wait3A_1366 = arith.constant 464 : i32
    %dma_wait3A_1367 = tpu.memref_slice %arg5[%dma_wait3A_1366] : memref<512xi32, #tpu.memory_space<vmem>> -> memref<16xi32, #tpu.memory_space<vmem>>
    %dma_wait3A_1368 = arith.constant 0 : i32
    %dma_wait3A_1369 = arith.constant 0 : i32
    %dma_wait3A_1370 = tpu.memref_slice %arg2[%dma_wait3A_1368, %dma_wait3A_1369] : memref<8192x1024xf32, #tpu.memory_space<hbm>> -> memref<8192x1024xf32, #tpu.memory_space<hbm>>
    tpu.wait_indirect_dma semaphore(%arg12 : memref<!tpu.dma_semaphore, #tpu.memory_space<semaphore_mem>>) src(%dma_wait3A_1370 : memref<8192x1024xf32, #tpu.memory_space<hbm>>) dst(%dma_wait3A_1365 : memref<16x1024xf32, #tpu.memory_space<vmem>>)
    %add3A_1371 = arith.constant 464 : i32
    %add3A_1372 = arith.addi %mul3A_2, %add3A_1371 : i32
    %dma_start3A_1373 = arith.constant 5 : i32
    %dma_start3A_1374 = arith.constant 0 : i32
    %dma_start3A_1375 = arith.constant 0 : i32
    %dma_start3A_1376 = tpu.memref_slice %arg6[%dma_start3A_1373, %dma_start3A_1374, %dma_start3A_1375] : memref<6x16x1024xf32, #tpu.memory_space<vmem>> -> memref<1x16x1024xf32, #tpu.memory_space<vmem>>
    %dma_start3A_1377 = tpu.memref_squeeze %dma_start3A_1376 : memref<1x16x1024xf32, #tpu.memory_space<vmem>> -> memref<16x1024xf32, #tpu.memory_space<vmem>>
    %dma_start3A_1378 = arith.constant 0 : i32
    %dma_start3A_1379 = tpu.memref_slice %arg4[%add3A_1372, %dma_start3A_1378] : memref<16384x1024xf32, #tpu.memory_space<hbm>> -> memref<16x1024xf32, #tpu.memory_space<hbm>>
    %dma_start3A_1380 = arith.constant 0 : i32
    %dma_start3A_1381 = tpu.memref_slice %arg4[%add3A_1372, %dma_start3A_1380] : memref<16384x1024xf32, #tpu.memory_space<hbm>> -> memref<16x1024xf32, #tpu.memory_space<hbm>>
    %dma_start3A_1382 = arith.constant 0 : i32
    %dma_start3A_1383 = arith.constant 0 : i32
    %dma_start3A_1384 = tpu.memref_slice %arg6[%dma_start3A_1373, %dma_start3A_1382, %dma_start3A_1383] : memref<6x16x1024xf32, #tpu.memory_space<vmem>> -> memref<1x16x1024xf32, #tpu.memory_space<vmem>>
    %dma_start3A_1385 = tpu.memref_squeeze %dma_start3A_1384 : memref<1x16x1024xf32, #tpu.memory_space<vmem>> -> memref<16x1024xf32, #tpu.memory_space<vmem>>
    tpu.enqueue_dma source(%dma_start3A_1385 : memref<16x1024xf32, #tpu.memory_space<vmem>>) target(%dma_start3A_1381 : memref<16x1024xf32, #tpu.memory_space<hbm>>) target_semaphore(%arg18 : memref<!tpu.dma_semaphore, #tpu.memory_space<semaphore_mem>>)
    %dma_wait3A_1386 = arith.constant 1 : i32
    %dma_wait3A_1387 = arith.constant 0 : i32
    %dma_wait3A_1388 = arith.constant 0 : i32
    %dma_wait3A_1389 = tpu.memref_slice %arg6[%dma_wait3A_1386, %dma_wait3A_1387, %dma_wait3A_1388] : memref<6x16x1024xf32, #tpu.memory_space<vmem>> -> memref<1x16x1024xf32, #tpu.memory_space<vmem>>
    %dma_wait3A_1390 = tpu.memref_squeeze %dma_wait3A_1389 : memref<1x16x1024xf32, #tpu.memory_space<vmem>> -> memref<16x1024xf32, #tpu.memory_space<vmem>>
    %dma_wait3A_1391 = arith.constant 0 : i32
    %dma_wait3A_1392 = tpu.memref_slice %arg4[%add3A_1180, %dma_wait3A_1391] : memref<16384x1024xf32, #tpu.memory_space<hbm>> -> memref<16x1024xf32, #tpu.memory_space<hbm>>
    %dma_wait3A_1393 = arith.constant 0 : i32
    %dma_wait3A_1394 = tpu.memref_slice %arg4[%add3A_1180, %dma_wait3A_1393] : memref<16384x1024xf32, #tpu.memory_space<hbm>> -> memref<16x1024xf32, #tpu.memory_space<hbm>>
    %dma_wait3A_1395 = arith.constant 0 : i32
    %dma_wait3A_1396 = arith.constant 0 : i32
    %dma_wait3A_1397 = tpu.memref_slice %arg6[%dma_wait3A_1386, %dma_wait3A_1395, %dma_wait3A_1396] : memref<6x16x1024xf32, #tpu.memory_space<vmem>> -> memref<1x16x1024xf32, #tpu.memory_space<vmem>>
    %dma_wait3A_1398 = tpu.memref_squeeze %dma_wait3A_1397 : memref<1x16x1024xf32, #tpu.memory_space<vmem>> -> memref<16x1024xf32, #tpu.memory_space<vmem>>
    tpu.wait_dma2 semaphore(%arg14 : memref<!tpu.dma_semaphore, #tpu.memory_space<semaphore_mem>>) src(%dma_wait3A_1398 : memref<16x1024xf32, #tpu.memory_space<vmem>>) dst(%dma_wait3A_1394 : memref<16x1024xf32, #tpu.memory_space<hbm>>)
    %dma_start3A_1399 = arith.constant 1 : i32
    %dma_start3A_1400 = arith.constant 0 : i32
    %dma_start3A_1401 = arith.constant 0 : i32
    %dma_start3A_1402 = tpu.memref_slice %arg6[%dma_start3A_1399, %dma_start3A_1400, %dma_start3A_1401] : memref<6x16x1024xf32, #tpu.memory_space<vmem>> -> memref<1x16x1024xf32, #tpu.memory_space<vmem>>
    %dma_start3A_1403 = tpu.memref_squeeze %dma_start3A_1402 : memref<1x16x1024xf32, #tpu.memory_space<vmem>> -> memref<16x1024xf32, #tpu.memory_space<vmem>>
    %dma_start3A_1404 = arith.constant 496 : i32
    %dma_start3A_1405 = tpu.memref_slice %arg5[%dma_start3A_1404] : memref<512xi32, #tpu.memory_space<vmem>> -> memref<16xi32, #tpu.memory_space<vmem>>
    %dma_start3A_1406 = arith.constant 0 : i32
    %dma_start3A_1407 = arith.constant 0 : i32
    %dma_start3A_1408 = tpu.memref_slice %arg2[%dma_start3A_1406, %dma_start3A_1407] : memref<8192x1024xf32, #tpu.memory_space<hbm>> -> memref<8192x1024xf32, #tpu.memory_space<hbm>>
    tpu.enqueue_indirect_dma source(%dma_start3A_1408 : memref<8192x1024xf32, #tpu.memory_space<hbm>>) target(%dma_start3A_1403 : memref<16x1024xf32, #tpu.memory_space<vmem>>) offsets(%dma_start3A_1405 : memref<16xi32, #tpu.memory_space<vmem>>) semaphore(%arg8 : memref<!tpu.dma_semaphore, #tpu.memory_space<semaphore_mem>>)
    %dma_wait3A_1409 = arith.constant 0 : i32
    %dma_wait3A_1410 = arith.constant 0 : i32
    %dma_wait3A_1411 = arith.constant 0 : i32
    %dma_wait3A_1412 = tpu.memref_slice %arg6[%dma_wait3A_1409, %dma_wait3A_1410, %dma_wait3A_1411] : memref<6x16x1024xf32, #tpu.memory_space<vmem>> -> memref<1x16x1024xf32, #tpu.memory_space<vmem>>
    %dma_wait3A_1413 = tpu.memref_squeeze %dma_wait3A_1412 : memref<1x16x1024xf32, #tpu.memory_space<vmem>> -> memref<16x1024xf32, #tpu.memory_space<vmem>>
    %dma_wait3A_1414 = arith.constant 480 : i32
    %dma_wait3A_1415 = tpu.memref_slice %arg5[%dma_wait3A_1414] : memref<512xi32, #tpu.memory_space<vmem>> -> memref<16xi32, #tpu.memory_space<vmem>>
    %dma_wait3A_1416 = arith.constant 0 : i32
    %dma_wait3A_1417 = arith.constant 0 : i32
    %dma_wait3A_1418 = tpu.memref_slice %arg2[%dma_wait3A_1416, %dma_wait3A_1417] : memref<8192x1024xf32, #tpu.memory_space<hbm>> -> memref<8192x1024xf32, #tpu.memory_space<hbm>>
    tpu.wait_indirect_dma semaphore(%arg7 : memref<!tpu.dma_semaphore, #tpu.memory_space<semaphore_mem>>) src(%dma_wait3A_1418 : memref<8192x1024xf32, #tpu.memory_space<hbm>>) dst(%dma_wait3A_1413 : memref<16x1024xf32, #tpu.memory_space<vmem>>)
    %add3A_1419 = arith.constant 480 : i32
    %add3A_1420 = arith.addi %mul3A_2, %add3A_1419 : i32
    %dma_start3A_1421 = arith.constant 0 : i32
    %dma_start3A_1422 = arith.constant 0 : i32
    %dma_start3A_1423 = arith.constant 0 : i32
    %dma_start3A_1424 = tpu.memref_slice %arg6[%dma_start3A_1421, %dma_start3A_1422, %dma_start3A_1423] : memref<6x16x1024xf32, #tpu.memory_space<vmem>> -> memref<1x16x1024xf32, #tpu.memory_space<vmem>>
    %dma_start3A_1425 = tpu.memref_squeeze %dma_start3A_1424 : memref<1x16x1024xf32, #tpu.memory_space<vmem>> -> memref<16x1024xf32, #tpu.memory_space<vmem>>
    %dma_start3A_1426 = arith.constant 0 : i32
    %dma_start3A_1427 = tpu.memref_slice %arg4[%add3A_1420, %dma_start3A_1426] : memref<16384x1024xf32, #tpu.memory_space<hbm>> -> memref<16x1024xf32, #tpu.memory_space<hbm>>
    %dma_start3A_1428 = arith.constant 0 : i32
    %dma_start3A_1429 = tpu.memref_slice %arg4[%add3A_1420, %dma_start3A_1428] : memref<16384x1024xf32, #tpu.memory_space<hbm>> -> memref<16x1024xf32, #tpu.memory_space<hbm>>
    %dma_start3A_1430 = arith.constant 0 : i32
    %dma_start3A_1431 = arith.constant 0 : i32
    %dma_start3A_1432 = tpu.memref_slice %arg6[%dma_start3A_1421, %dma_start3A_1430, %dma_start3A_1431] : memref<6x16x1024xf32, #tpu.memory_space<vmem>> -> memref<1x16x1024xf32, #tpu.memory_space<vmem>>
    %dma_start3A_1433 = tpu.memref_squeeze %dma_start3A_1432 : memref<1x16x1024xf32, #tpu.memory_space<vmem>> -> memref<16x1024xf32, #tpu.memory_space<vmem>>
    tpu.enqueue_dma source(%dma_start3A_1433 : memref<16x1024xf32, #tpu.memory_space<vmem>>) target(%dma_start3A_1429 : memref<16x1024xf32, #tpu.memory_space<hbm>>) target_semaphore(%arg13 : memref<!tpu.dma_semaphore, #tpu.memory_space<semaphore_mem>>)
    %dma_wait3A_1434 = arith.constant 1 : i32
    %dma_wait3A_1435 = arith.constant 0 : i32
    %dma_wait3A_1436 = arith.constant 0 : i32
    %dma_wait3A_1437 = tpu.memref_slice %arg6[%dma_wait3A_1434, %dma_wait3A_1435, %dma_wait3A_1436] : memref<6x16x1024xf32, #tpu.memory_space<vmem>> -> memref<1x16x1024xf32, #tpu.memory_space<vmem>>
    %dma_wait3A_1438 = tpu.memref_squeeze %dma_wait3A_1437 : memref<1x16x1024xf32, #tpu.memory_space<vmem>> -> memref<16x1024xf32, #tpu.memory_space<vmem>>
    %dma_wait3A_1439 = arith.constant 496 : i32
    %dma_wait3A_1440 = tpu.memref_slice %arg5[%dma_wait3A_1439] : memref<512xi32, #tpu.memory_space<vmem>> -> memref<16xi32, #tpu.memory_space<vmem>>
    %dma_wait3A_1441 = arith.constant 0 : i32
    %dma_wait3A_1442 = arith.constant 0 : i32
    %dma_wait3A_1443 = tpu.memref_slice %arg2[%dma_wait3A_1441, %dma_wait3A_1442] : memref<8192x1024xf32, #tpu.memory_space<hbm>> -> memref<8192x1024xf32, #tpu.memory_space<hbm>>
    tpu.wait_indirect_dma semaphore(%arg8 : memref<!tpu.dma_semaphore, #tpu.memory_space<semaphore_mem>>) src(%dma_wait3A_1443 : memref<8192x1024xf32, #tpu.memory_space<hbm>>) dst(%dma_wait3A_1438 : memref<16x1024xf32, #tpu.memory_space<vmem>>)
    %add3A_1444 = arith.constant 496 : i32
    %add3A_1445 = arith.addi %mul3A_2, %add3A_1444 : i32
    %dma_start3A_1446 = arith.constant 1 : i32
    %dma_start3A_1447 = arith.constant 0 : i32
    %dma_start3A_1448 = arith.constant 0 : i32
    %dma_start3A_1449 = tpu.memref_slice %arg6[%dma_start3A_1446, %dma_start3A_1447, %dma_start3A_1448] : memref<6x16x1024xf32, #tpu.memory_space<vmem>> -> memref<1x16x1024xf32, #tpu.memory_space<vmem>>
    %dma_start3A_1450 = tpu.memref_squeeze %dma_start3A_1449 : memref<1x16x1024xf32, #tpu.memory_space<vmem>> -> memref<16x1024xf32, #tpu.memory_space<vmem>>
    %dma_start3A_1451 = arith.constant 0 : i32
    %dma_start3A_1452 = tpu.memref_slice %arg4[%add3A_1445, %dma_start3A_1451] : memref<16384x1024xf32, #tpu.memory_space<hbm>> -> memref<16x1024xf32, #tpu.memory_space<hbm>>
    %dma_start3A_1453 = arith.constant 0 : i32
    %dma_start3A_1454 = tpu.memref_slice %arg4[%add3A_1445, %dma_start3A_1453] : memref<16384x1024xf32, #tpu.memory_space<hbm>> -> memref<16x1024xf32, #tpu.memory_space<hbm>>
    %dma_start3A_1455 = arith.constant 0 : i32
    %dma_start3A_1456 = arith.constant 0 : i32
    %dma_start3A_1457 = tpu.memref_slice %arg6[%dma_start3A_1446, %dma_start3A_1455, %dma_start3A_1456] : memref<6x16x1024xf32, #tpu.memory_space<vmem>> -> memref<1x16x1024xf32, #tpu.memory_space<vmem>>
    %dma_start3A_1458 = tpu.memref_squeeze %dma_start3A_1457 : memref<1x16x1024xf32, #tpu.memory_space<vmem>> -> memref<16x1024xf32, #tpu.memory_space<vmem>>
    tpu.enqueue_dma source(%dma_start3A_1458 : memref<16x1024xf32, #tpu.memory_space<vmem>>) target(%dma_start3A_1454 : memref<16x1024xf32, #tpu.memory_space<hbm>>) target_semaphore(%arg14 : memref<!tpu.dma_semaphore, #tpu.memory_space<semaphore_mem>>)
    %dma_wait3A_1459 = arith.constant 0 : i32
    %dma_wait3A_1460 = arith.constant 0 : i32
    %dma_wait3A_1461 = arith.constant 0 : i32
    %dma_wait3A_1462 = tpu.memref_slice %arg6[%dma_wait3A_1459, %dma_wait3A_1460, %dma_wait3A_1461] : memref<6x16x1024xf32, #tpu.memory_space<vmem>> -> memref<1x16x1024xf32, #tpu.memory_space<vmem>>
    %dma_wait3A_1463 = tpu.memref_squeeze %dma_wait3A_1462 : memref<1x16x1024xf32, #tpu.memory_space<vmem>> -> memref<16x1024xf32, #tpu.memory_space<vmem>>
    %dma_wait3A_1464 = arith.constant 0 : i32
    %dma_wait3A_1465 = tpu.memref_slice %arg4[%add3A_1420, %dma_wait3A_1464] : memref<16384x1024xf32, #tpu.memory_space<hbm>> -> memref<16x1024xf32, #tpu.memory_space<hbm>>
    %dma_wait3A_1466 = arith.constant 0 : i32
    %dma_wait3A_1467 = tpu.memref_slice %arg4[%add3A_1420, %dma_wait3A_1466] : memref<16384x1024xf32, #tpu.memory_space<hbm>> -> memref<16x1024xf32, #tpu.memory_space<hbm>>
    %dma_wait3A_1468 = arith.constant 0 : i32
    %dma_wait3A_1469 = arith.constant 0 : i32
    %dma_wait3A_1470 = tpu.memref_slice %arg6[%dma_wait3A_1459, %dma_wait3A_1468, %dma_wait3A_1469] : memref<6x16x1024xf32, #tpu.memory_space<vmem>> -> memref<1x16x1024xf32, #tpu.memory_space<vmem>>
    %dma_wait3A_1471 = tpu.memref_squeeze %dma_wait3A_1470 : memref<1x16x1024xf32, #tpu.memory_space<vmem>> -> memref<16x1024xf32, #tpu.memory_space<vmem>>
    tpu.wait_dma2 semaphore(%arg13 : memref<!tpu.dma_semaphore, #tpu.memory_space<semaphore_mem>>) src(%dma_wait3A_1471 : memref<16x1024xf32, #tpu.memory_space<vmem>>) dst(%dma_wait3A_1467 : memref<16x1024xf32, #tpu.memory_space<hbm>>)
    %dma_wait3A_1472 = arith.constant 1 : i32
    %dma_wait3A_1473 = arith.constant 0 : i32
    %dma_wait3A_1474 = arith.constant 0 : i32
    %dma_wait3A_1475 = tpu.memref_slice %arg6[%dma_wait3A_1472, %dma_wait3A_1473, %dma_wait3A_1474] : memref<6x16x1024xf32, #tpu.memory_space<vmem>> -> memref<1x16x1024xf32, #tpu.memory_space<vmem>>
    %dma_wait3A_1476 = tpu.memref_squeeze %dma_wait3A_1475 : memref<1x16x1024xf32, #tpu.memory_space<vmem>> -> memref<16x1024xf32, #tpu.memory_space<vmem>>
    %dma_wait3A_1477 = arith.constant 0 : i32
    %dma_wait3A_1478 = tpu.memref_slice %arg4[%add3A_1445, %dma_wait3A_1477] : memref<16384x1024xf32, #tpu.memory_space<hbm>> -> memref<16x1024xf32, #tpu.memory_space<hbm>>
    %dma_wait3A_1479 = arith.constant 0 : i32
    %dma_wait3A_1480 = tpu.memref_slice %arg4[%add3A_1445, %dma_wait3A_1479] : memref<16384x1024xf32, #tpu.memory_space<hbm>> -> memref<16x1024xf32, #tpu.memory_space<hbm>>
    %dma_wait3A_1481 = arith.constant 0 : i32
    %dma_wait3A_1482 = arith.constant 0 : i32
    %dma_wait3A_1483 = tpu.memref_slice %arg6[%dma_wait3A_1472, %dma_wait3A_1481, %dma_wait3A_1482] : memref<6x16x1024xf32, #tpu.memory_space<vmem>> -> memref<1x16x1024xf32, #tpu.memory_space<vmem>>
    %dma_wait3A_1484 = tpu.memref_squeeze %dma_wait3A_1483 : memref<1x16x1024xf32, #tpu.memory_space<vmem>> -> memref<16x1024xf32, #tpu.memory_space<vmem>>
    tpu.wait_dma2 semaphore(%arg14 : memref<!tpu.dma_semaphore, #tpu.memory_space<semaphore_mem>>) src(%dma_wait3A_1484 : memref<16x1024xf32, #tpu.memory_space<vmem>>) dst(%dma_wait3A_1480 : memref<16x1024xf32, #tpu.memory_space<hbm>>)
    %dma_wait3A_1485 = arith.constant 2 : i32
    %dma_wait3A_1486 = arith.constant 0 : i32
    %dma_wait3A_1487 = arith.constant 0 : i32
    %dma_wait3A_1488 = tpu.memref_slice %arg6[%dma_wait3A_1485, %dma_wait3A_1486, %dma_wait3A_1487] : memref<6x16x1024xf32, #tpu.memory_space<vmem>> -> memref<1x16x1024xf32, #tpu.memory_space<vmem>>
    %dma_wait3A_1489 = tpu.memref_squeeze %dma_wait3A_1488 : memref<1x16x1024xf32, #tpu.memory_space<vmem>> -> memref<16x1024xf32, #tpu.memory_space<vmem>>
    %dma_wait3A_1490 = arith.constant 0 : i32
    %dma_wait3A_1491 = tpu.memref_slice %arg4[%add3A_1228, %dma_wait3A_1490] : memref<16384x1024xf32, #tpu.memory_space<hbm>> -> memref<16x1024xf32, #tpu.memory_space<hbm>>
    %dma_wait3A_1492 = arith.constant 0 : i32
    %dma_wait3A_1493 = tpu.memref_slice %arg4[%add3A_1228, %dma_wait3A_1492] : memref<16384x1024xf32, #tpu.memory_space<hbm>> -> memref<16x1024xf32, #tpu.memory_space<hbm>>
    %dma_wait3A_1494 = arith.constant 0 : i32
    %dma_wait3A_1495 = arith.constant 0 : i32
    %dma_wait3A_1496 = tpu.memref_slice %arg6[%dma_wait3A_1485, %dma_wait3A_1494, %dma_wait3A_1495] : memref<6x16x1024xf32, #tpu.memory_space<vmem>> -> memref<1x16x1024xf32, #tpu.memory_space<vmem>>
    %dma_wait3A_1497 = tpu.memref_squeeze %dma_wait3A_1496 : memref<1x16x1024xf32, #tpu.memory_space<vmem>> -> memref<16x1024xf32, #tpu.memory_space<vmem>>
    tpu.wait_dma2 semaphore(%arg15 : memref<!tpu.dma_semaphore, #tpu.memory_space<semaphore_mem>>) src(%dma_wait3A_1497 : memref<16x1024xf32, #tpu.memory_space<vmem>>) dst(%dma_wait3A_1493 : memref<16x1024xf32, #tpu.memory_space<hbm>>)
    %dma_wait3A_1498 = arith.constant 3 : i32
    %dma_wait3A_1499 = arith.constant 0 : i32
    %dma_wait3A_1500 = arith.constant 0 : i32
    %dma_wait3A_1501 = tpu.memref_slice %arg6[%dma_wait3A_1498, %dma_wait3A_1499, %dma_wait3A_1500] : memref<6x16x1024xf32, #tpu.memory_space<vmem>> -> memref<1x16x1024xf32, #tpu.memory_space<vmem>>
    %dma_wait3A_1502 = tpu.memref_squeeze %dma_wait3A_1501 : memref<1x16x1024xf32, #tpu.memory_space<vmem>> -> memref<16x1024xf32, #tpu.memory_space<vmem>>
    %dma_wait3A_1503 = arith.constant 0 : i32
    %dma_wait3A_1504 = tpu.memref_slice %arg4[%add3A_1276, %dma_wait3A_1503] : memref<16384x1024xf32, #tpu.memory_space<hbm>> -> memref<16x1024xf32, #tpu.memory_space<hbm>>
    %dma_wait3A_1505 = arith.constant 0 : i32
    %dma_wait3A_1506 = tpu.memref_slice %arg4[%add3A_1276, %dma_wait3A_1505] : memref<16384x1024xf32, #tpu.memory_space<hbm>> -> memref<16x1024xf32, #tpu.memory_space<hbm>>
    %dma_wait3A_1507 = arith.constant 0 : i32
    %dma_wait3A_1508 = arith.constant 0 : i32
    %dma_wait3A_1509 = tpu.memref_slice %arg6[%dma_wait3A_1498, %dma_wait3A_1507, %dma_wait3A_1508] : memref<6x16x1024xf32, #tpu.memory_space<vmem>> -> memref<1x16x1024xf32, #tpu.memory_space<vmem>>
    %dma_wait3A_1510 = tpu.memref_squeeze %dma_wait3A_1509 : memref<1x16x1024xf32, #tpu.memory_space<vmem>> -> memref<16x1024xf32, #tpu.memory_space<vmem>>
    tpu.wait_dma2 semaphore(%arg16 : memref<!tpu.dma_semaphore, #tpu.memory_space<semaphore_mem>>) src(%dma_wait3A_1510 : memref<16x1024xf32, #tpu.memory_space<vmem>>) dst(%dma_wait3A_1506 : memref<16x1024xf32, #tpu.memory_space<hbm>>)
    %dma_wait3A_1511 = arith.constant 4 : i32
    %dma_wait3A_1512 = arith.constant 0 : i32
    %dma_wait3A_1513 = arith.constant 0 : i32
    %dma_wait3A_1514 = tpu.memref_slice %arg6[%dma_wait3A_1511, %dma_wait3A_1512, %dma_wait3A_1513] : memref<6x16x1024xf32, #tpu.memory_space<vmem>> -> memref<1x16x1024xf32, #tpu.memory_space<vmem>>
    %dma_wait3A_1515 = tpu.memref_squeeze %dma_wait3A_1514 : memref<1x16x1024xf32, #tpu.memory_space<vmem>> -> memref<16x1024xf32, #tpu.memory_space<vmem>>
    %dma_wait3A_1516 = arith.constant 0 : i32
    %dma_wait3A_1517 = tpu.memref_slice %arg4[%add3A_1324, %dma_wait3A_1516] : memref<16384x1024xf32, #tpu.memory_space<hbm>> -> memref<16x1024xf32, #tpu.memory_space<hbm>>
    %dma_wait3A_1518 = arith.constant 0 : i32
    %dma_wait3A_1519 = tpu.memref_slice %arg4[%add3A_1324, %dma_wait3A_1518] : memref<16384x1024xf32, #tpu.memory_space<hbm>> -> memref<16x1024xf32, #tpu.memory_space<hbm>>
    %dma_wait3A_1520 = arith.constant 0 : i32
    %dma_wait3A_1521 = arith.constant 0 : i32
    %dma_wait3A_1522 = tpu.memref_slice %arg6[%dma_wait3A_1511, %dma_wait3A_1520, %dma_wait3A_1521] : memref<6x16x1024xf32, #tpu.memory_space<vmem>> -> memref<1x16x1024xf32, #tpu.memory_space<vmem>>
    %dma_wait3A_1523 = tpu.memref_squeeze %dma_wait3A_1522 : memref<1x16x1024xf32, #tpu.memory_space<vmem>> -> memref<16x1024xf32, #tpu.memory_space<vmem>>
    tpu.wait_dma2 semaphore(%arg17 : memref<!tpu.dma_semaphore, #tpu.memory_space<semaphore_mem>>) src(%dma_wait3A_1523 : memref<16x1024xf32, #tpu.memory_space<vmem>>) dst(%dma_wait3A_1519 : memref<16x1024xf32, #tpu.memory_space<hbm>>)
    %dma_wait3A_1524 = arith.constant 5 : i32
    %dma_wait3A_1525 = arith.constant 0 : i32
    %dma_wait3A_1526 = arith.constant 0 : i32
    %dma_wait3A_1527 = tpu.memref_slice %arg6[%dma_wait3A_1524, %dma_wait3A_1525, %dma_wait3A_1526] : memref<6x16x1024xf32, #tpu.memory_space<vmem>> -> memref<1x16x1024xf32, #tpu.memory_space<vmem>>
    %dma_wait3A_1528 = tpu.memref_squeeze %dma_wait3A_1527 : memref<1x16x1024xf32, #tpu.memory_space<vmem>> -> memref<16x1024xf32, #tpu.memory_space<vmem>>
    %dma_wait3A_1529 = arith.constant 0 : i32
    %dma_wait3A_1530 = tpu.memref_slice %arg4[%add3A_1372, %dma_wait3A_1529] : memref<16384x1024xf32, #tpu.memory_space<hbm>> -> memref<16x1024xf32, #tpu.memory_space<hbm>>
    %dma_wait3A_1531 = arith.constant 0 : i32
    %dma_wait3A_1532 = tpu.memref_slice %arg4[%add3A_1372, %dma_wait3A_1531] : memref<16384x1024xf32, #tpu.memory_space<hbm>> -> memref<16x1024xf32, #tpu.memory_space<hbm>>
    %dma_wait3A_1533 = arith.constant 0 : i32
    %dma_wait3A_1534 = arith.constant 0 : i32
    %dma_wait3A_1535 = tpu.memref_slice %arg6[%dma_wait3A_1524, %dma_wait3A_1533, %dma_wait3A_1534] : memref<6x16x1024xf32, #tpu.memory_space<vmem>> -> memref<1x16x1024xf32, #tpu.memory_space<vmem>>
    %dma_wait3A_1536 = tpu.memref_squeeze %dma_wait3A_1535 : memref<1x16x1024xf32, #tpu.memory_space<vmem>> -> memref<16x1024xf32, #tpu.memory_space<vmem>>
    tpu.wait_dma2 semaphore(%arg18 : memref<!tpu.dma_semaphore, #tpu.memory_space<semaphore_mem>>) src(%dma_wait3A_1536 : memref<16x1024xf32, #tpu.memory_space<vmem>>) dst(%dma_wait3A_1532 : memref<16x1024xf32, #tpu.memory_space<hbm>>)
    return
  }
}

</mosaic_0001>

<sc_bundles>
// kernel: kernel.3.cloned.1.call-start
scs
__scs_entry_jumppad:
0x0: {  	(pc) =	sbr.rel $0x88, $3  }
0x1: {  	(tag) =	ssettag $0x0;
	lr =	simm.s32 $0x1  }
0x2: {  	[smem:$0x3F9F] =	sst lr;
	_ =	strace $0xD0000000  }
0x3: {  	_ = 	snop  }
0x4: {  	_ = 	snop  }
0x5: {  	_ = 	snop  }
0x6: {  	_ = 	snop  }
0x7: {  	_ = 	snop  }
__scs_overlays_trampoline_lowered:
0x8: {  	[smem:$0x3FAE] =	sst s0  }
0x9: {  	[smem:$0x3FAF] =	sst s1  }
0xa: {  	[smem:$0x3FB0] =	sst s2  }
0xb: {  	[smem:$0x3FB1] =	sst s3  }
0xc: {  	[smem:$0x3FB2] =	sst s4  }
0xd: {  	[smem:$0x3FB3] =	sst s5  }
0xe: {  	[smem:$0x3FB4] =	sst s6  }
0xf: {  	[smem:$0x3FB5] =	sst s7  }
0x10: {  	[smem:$0x3FB6] =	sst s8  }
0x11: {  	[smem:$0x3FB7] =	sst s9;
	s0 =	simm.s32 @!p0 $0x0  }
0x12: {  	s1 =	sld [smem:$0x3F9D];
	s0 =	simm.s32 @p0 $0x1  }
0x13: {  	[smem:$0x3FB8] =	sst s0;
	s0 =	simm.s32 @!p1 $0x0  }
0x14: {  	s2 =	sld [smem:$0x3F9C];
	s0 =	simm.s32 @p1 $0x1  }
0x15: {  	[smem:$0x3FB9] =	sst s0;
	s0 =	simm.s32 @!p2 $0x0  }
0x16: {  	s3 =	sld [smem:$0x3FDB];
	s0 =	simm.s32 @p2 $0x1  }
0x17: {  	s4 =	simm.s32 $0x1BF5;
	[smem:$0x3FBB] =	sst s0  }
0x18: {  	s0 =	sld [smem:$0x3F9E];
	_ =	swait.ge [sflag:s4], $0x0  }
0x19: {  	s7 =	sld [smem:$0x3F9F]  }
0x1a: {  	s8 =	sadd.s32 $0xFFFFE003, lr  }
0x1b: {  	s9 =	sadd.s32 $0xFFFFFEF7, lr;
	s5 =	simm.s32 $0xFFFFFFFF;
	p2 =	slt.u32 s8, $0xFFFFF086  }
0x1c: {  	p1 =	slt.u32 s9, $0xF7A;
	s5 =	simm.s32 @!p2 $0x0  }
0x1d: {  	s5 =	simm.s32 @p1 $0x1;
	p0 =	seq.s32 s7, s2  }
0x1e: {  	s7 =	smul.u32 @!p0 $0xF7A, s2;
	p2 =	seq.s32 @!p0 s5, $0x0  }
0x1f: {  	s9 =	smul.u32 $0xF7A, s1;
	s8 =	simm.s32 @!p0 $0x1BF5;
	p2 =	por !p2, p0  }
0x20: {  	[sflag:s8] =	ssyncset.s32 @!p0 $0xFFFFF086;
	s6 =	sadd.s32 @!p0 s3, s7;
	s7 =	simm.s32 @!p0 $0x108  }
0x21: {  	s3 =	sadd.s32 s3, s9;
	s6 =	sadd.s32 @!p0 $0x88, s6;
	s7 =	simm.s32 @p2 $0x1082  }
0x22: {  	[simem:s7], [sflag:s8] =	dma.local @!p0 [hbm:s6], $0xF7A  }
0x23: {  	s9 =	sor.u32 $0xD0000000, s2;
	s6 =	simm.s32 $0x108;
	_ =	swait.ge @!p0 [sflag:s8], $0x0  }
0x24: {  	s3 =	sadd.s32 $0x88, s3;
	s6 =	simm.s32 @!p1 $0x1082;
	[sflag:s4] =	ssyncset.s32 $0xFFFFF086  }
0x25: {  	[simem:s6], [sflag:s4] =	dma.local [hbm:s3], $0xF7A  }
0x26: {  	[smem:$0x3F9F] =	sst s1;
	(tag) =	ssettag s2;
	_ =	strace s9  }
0x27: {  	s1 =	sld [smem:$0x3FAF]  }
0x28: {  	s2 =	sld [smem:$0x3FB0]  }
0x29: {  	s4 =	sld [smem:$0x3FB2]  }
0x2a: {  	p0 =	seq.s32 s5, $0x0;
	s5 =	sld [smem:$0x3FB3]  }
0x2b: {  	s6 =	sld [smem:$0x3FB4]  }
0x2c: {  	s7 =	sld [smem:$0x3FB5]  }
0x2d: {  	s3 =	simm.s32 $0x108;
	s8 =	sld [smem:$0x3FB6]  }
0x2e: {  	s3 =	simm.s32 @!p0 $0x1082;
	s9 =	sld [smem:$0x3FB7]  }
0x2f: {  	lr =	sadd.s32 s0, s3;
	s0 =	sld [smem:$0x3FAE]  }
0x30: {  	s3 =	sld [smem:$0x3FB1]  }
0x31: {  	[smem:$0x3FBA] =	sst s10  }
0x32: {  	s10 =	sld [smem:$0x3FB8];
	_ =	sdelay $0x3  }
0x33: {  	p0 =	seq.s32 s10, $0x1;
	s10 =	sld [smem:$0x3FBA];
	_ =	sdelay $0x3  }
0x34: {  	[smem:$0x3FBA] =	sst s10  }
0x35: {  	s10 =	sld [smem:$0x3FB9];
	_ =	sdelay $0x3  }
0x36: {  	p1 =	seq.s32 s10, $0x1;
	s10 =	sld [smem:$0x3FBA];
	_ =	sdelay $0x3  }
0x37: {  	[smem:$0x3FBA] =	sst s10  }
0x38: {  	s10 =	sld [smem:$0x3FBB]  }
0x39: {  	_ = 	snop;
	(pc) =	sbr.ind lr, $3  }
0x3a: {  	_ = 	snop  }
0x3b: {  	_ = 	snop  }
0x3c: {  	p2 =	seq.s32 s10, $0x1;
	s10 =	sld [smem:$0x3FBA]  }
0x3d: {  	_ =	shalt  }
0x3e: {  	_ =	shalt  }
0x3f: {  	_ =	shalt  }
0x40: {  	_ =	shalt  }
0x41: {  	_ =	shalt  }
0x42: {  	_ =	shalt  }
0x43: {  	_ =	shalt  }
0x44: {  	_ =	shalt  }
0x45: {  	_ =	shalt  }
0x46: {  	_ =	shalt  }
0x47: {  	_ =	shalt  }
0x48: {  	_ =	shalt  }
0x49: {  	_ =	shalt  }
0x4a: {  	_ =	shalt  }
0x4b: {  	_ =	shalt  }
0x4c: {  	_ =	shalt  }
0x4d: {  	_ =	shalt  }
0x4e: {  	_ =	shalt  }
0x4f: {  	_ =	shalt  }
0x50: {  	_ =	shalt  }
0x51: {  	_ =	shalt  }
0x52: {  	_ =	shalt  }
0x53: {  	_ =	shalt  }
0x54: {  	_ =	shalt  }
0x55: {  	_ =	shalt  }
0x56: {  	_ =	shalt  }
0x57: {  	_ =	shalt  }
0x58: {  	_ =	shalt  }
0x59: {  	_ =	shalt  }
0x5a: {  	_ =	shalt  }
0x5b: {  	_ =	shalt  }
0x5c: {  	_ =	shalt  }
0x5d: {  	_ =	shalt  }
0x5e: {  	_ =	shalt  }
0x5f: {  	_ =	shalt  }
0x60: {  	_ =	shalt  }
0x61: {  	_ =	shalt  }
0x62: {  	_ =	shalt  }
0x63: {  	_ =	shalt  }
0x64: {  	_ =	shalt  }
0x65: {  	_ =	shalt  }
0x66: {  	_ =	shalt  }
0x67: {  	_ =	shalt  }
0x68: {  	_ =	shalt  }
0x69: {  	_ =	shalt  }
0x6a: {  	_ =	shalt  }
0x6b: {  	_ =	shalt  }
0x6c: {  	_ =	shalt  }
0x6d: {  	_ =	shalt  }
0x6e: {  	_ =	shalt  }
0x6f: {  	_ =	shalt  }
0x70: {  	_ =	shalt  }
0x71: {  	_ =	shalt  }
0x72: {  	_ =	shalt  }
0x73: {  	_ =	shalt  }
0x74: {  	_ =	shalt  }
0x75: {  	_ =	shalt  }
0x76: {  	_ =	shalt  }
0x77: {  	_ =	shalt  }
0x78: {  	_ =	shalt  }
0x79: {  	_ =	shalt  }
0x7a: {  	_ =	shalt  }
0x7b: {  	_ =	shalt  }
0x7c: {  	_ =	shalt  }
0x7d: {  	_ =	shalt  }
0x7e: {  	_ =	shalt  }
0x7f: {  	_ =	shalt  }
0x80: {  	_ =	shalt  }
0x81: {  	_ =	shalt  }
0x82: {  	_ =	shalt  }
0x83: {  	_ =	shalt  }
0x84: {  	_ =	shalt  }
0x85: {  	_ =	shalt  }
0x86: {  	_ =	shalt  }
0x87: {  	_ =	shalt  }
.Lfunc_end0:
.L_simem_size_0:
called_computation_lowered:
.L_overlay_start_0:
0x88: {  	s2 =	sld [smem:$0x3FD9]  }
0x89: {  	s3 =	sld [smem:$0x3FFE];
	_ =	sdelay $0x1  }
0x8a: {  	s1 =	srdreg.scid  }
0x8b: {  	s0 =	sand.u32 $0x1, s1  }
0x8c: {  	s17 =	sshll.u32 s0, $0xA;
	s2 =	sadd.s32 s3, s2  }
0x8d: {  	s2 =	sadd.s32 s2, s17  }
0x8e: {  	[smem:$0x3FC6] =	sst s2  }
0x8f: {  	_ = 	snop  }
0x90: {  	s2 =	sld [smem:$0x3FC8]  }
0x91: {  	s18 =	sld [smem:$0x3FD0];
	(tm) =	ssettm $0x1  }
0x92: {  	s4 =	sld [smem:$0x3FFB];
	_ =	sdelay $0x3  }
0x93: {  	_ =	strace s4  }
0x94: {  	s4 =	sld [smem:$0x3FFC];
	_ =	sdelay $0x3  }
0x95: {  	_ =	strace s4  }
0x96: {  	s4 =	sld [smem:$0x3FFD];
	_ =	sdelay $0x3  }
0x97: {  	_ =	strace s4  }
0x98: {  	_ =	strace $0x8FFFFFFF  }
0x99: {  	s19 =	sld [smem:$0x3FDB];
	_ =	sdelay $0x1  }
0x9a: {  	s5 =	simm.s32 $_scs_section_size  }
0x9b: {  	s6 =	simm.s32 $_size__tile_overlayer_lowered;
	s7 =	simm.s32 $_tile_overlayer_lowered  }
0x9c: {  	s22 =	simm.s32 $0x1BFF;
	s21 =	sshll.u32 s7, $0x1;
	s4 =	sadd.s32 s5, s19  }
0x9d: {  	s8 =	simm.s32 $0x0;
	s20 =	sshll.u32 s6, $0x1;
	s6 =	sadd.s32 s21, s4  }
0x9e: {  	[timem:s8], [sflag:s22] =	dma.local [hbm:s6], s20  }
0x9f: {  	_ =	swait.ge [sflag:s22], s20  }
0xa0: {  	s5 =	ssub.s32 $0x0, s20;
	[sflag:s22] =	ssyncset.done $0x0  }
0xa1: {  	[sflag:s22] =	ssyncadd.s32 s5;
	_ =	sdelay $0x1  }
0xa2: {  	s23 =	simm.s32 $0x1B8B  }
0xa3: {  	_ =	swait.ge [sflag:s23], $0x1  }
0xa4: {  	[sflag:s23] =	ssyncset.done $0x0  }
0xa5: {  	s25 =	simm.s32 $0x1B8E;
	s24 =	sld [smem:$0x3FFE];
	[sflag:s23] =	ssyncadd.s32 $0xFFFFFFFF  }
0xa6: {  	s26 =	simm.s32 $execute0_lowered;
	[smem:$0x3FD2] =	sst s25  }
0xa7: {  	s6 =	sshll.u32 s26, $0x1;
	_ =	strace $0x80000046;
	[dreg:$0x1] =	wrdreg $0xFFFFFFFF  }
0xa8: {  	s28 =	simm.s32 $_size_execute0_lowered;
	s4 =	sadd.s32 s4, s6;
	[dreg:$0x0] =	wrdreg $0x0  }
0xa9: {  	s6 =	sshll.u32 s28, $0x1;
	[dreg:$0x2] =	wrdreg s4  }
0xaa: {  	[dreg:$0x3] =	wrdreg s6  }
0xab: {  	[dreg:$0x4] =	wrdreg $0xC0  }
0xac: {  	_ =	task [dreg:s8], $0x5FFFF  }
0xad: {  	[dreg:$0x1] =	wrdreg $0xFFFFFFFF  }
0xae: {  	[dreg:$0x0] =	wrdreg $0x60  }
0xaf: {  	[dreg:$0x2] =	wrdreg s2  }
0xb0: {  	[dreg:$0x3] =	wrdreg s24  }
0xb1: {  	[dreg:$0x4] =	wrdreg s18  }
0xb2: {  	[dreg:$0x5] =	wrdreg $0x9  }
0xb3: {  	_ =	task.clear_ibuf [dreg:s8], $0x6FFFF;
	_ =	strace $0x90000046  }
0xb4: {  	s29 =	simm.s32 $0x9;
	_ =	strace $0x80000048  }
0xb5: {  	_ =	swait.ge [sflag:s29], $0x1  }
0xb6: {  	[sflag:s29] =	ssyncadd.s32 $0xFFFFFFFF  }
0xb7: {  	_ =	strace $0x90000048  }
0xb8: {  	_ =	sfence  }
0xb9: {  	s30 =	sld [smem:$0x0];
	_ =	sdelay $0x2  }
0xba: {  	s31 =	sshll.u32 s1, $0xD;
	s1 =	sshrl.u32 s1, $0x2  }
0xbb: {  	s3 =	sand.u32 $0x4000, s31;
	s1 =	sadd.s32 s1, s30  }
0xbc: {  	s0 =	sor.u32 s3, s0;
	s1 =	sshll.u32 s1, $0x11  }
0xbd: {  	s0 =	sor.u32 s1, s0  }
0xbe: {  	s0 =	sadd.s32 $0x8F2B, s0  }
0xbf: {  	[sflag:s0] =	ssyncadd.remote.s32 $0x1  }
0xc0: {  	_ =	sfence.sel $0xFFFF  }
0xc1: {  	[dreg:$0x0] =	wrdreg $0xFFFFFFFF;
	(pc) =	sbr.abs _section_cstart, $3  }
0xc2: {  	[dreg:$0x1] =	wrdreg $0xFFFFFFFF  }
0xc3: {  	_ =	task.clear_ibuf [dreg:s8], $0x2FFFF;
	_ =	strace $0x9FFFFFFF  }
0xc4: {  	(tm) =	ssettm $0x7FFFFFFF  }
0xc5: {  	_ =	shalt  }
tec
execute0_lowered:
.L_overlay_start_1:
0x0: {  	(tag) =	ssettag $0x1  }
0x1: {  	s0 =	srdreg.scid  }
0x2: {  	s1 =	rddreg [dreg:$0x0];
	s3 =	stileid.u32;
	s0 =	sand.u32 $0x1, s0  }
0x3: {  	s2 =	rddreg [dreg:$0x1];
	s3 =	sshll.u32 s3, $0xA;
	s4 =	sshll.u32 s0, $0x9  }
0x4: {  	s5 =	rddreg [dreg:$0x2];
	s4 =	sor.u32 s4, s3  }
0x5: {  	s3 =	simm.s32 $0x0;
	s6 =	sshrl.u32 s4, $0x3;
	s4 =	sshll.u32 s4, $0x7  }
0x6: {  	[smem:$0x7FF] =	sst s3;
	s2 =	sadd.s32 s6, s2;
	s8 =	sadd.s32 s5, s4  }
0x7: {  	_ =	strace $0x80000047;
	s2 =	sadd.s32 $0x400, s2;
	[smem:$0x7FC] =	sst s8  }
0x8: {  	s21 =	sadd.s32 $0x800, s8;
	[dreg:$0x4] =	wrdreg s2  }
0x9: {  	s22 =	sadd.s32 $0x1000, s8;
	[dreg:$0x5] =	wrdreg s21  }
0xa: {  	s23 =	sadd.s32 $0x1800, s8;
	[dreg:$0x6] =	wrdreg s22  }
0xb: {  	s24 =	sadd.s32 $0x2000, s8;
	[dreg:$0x7] =	wrdreg s23  }
0xc: {  	s25 =	sadd.s32 $0x2800, s8;
	[dreg:$0x8] =	wrdreg s24  }
0xd: {  	s26 =	sadd.s32 $0x3000, s8;
	[dreg:$0x9] =	wrdreg s25  }
0xe: {  	s28 =	sadd.s32 $0x3800, s8;
	[dreg:$0xa] =	wrdreg s26  }
0xf: {  	s30 =	sadd.s32 $0x4000, s8;
	[dreg:$0xb] =	wrdreg s28  }
0x10: {  	s4 =	sadd.s32 $0x4800, s8;
	[dreg:$0xc] =	wrdreg s30  }
0x11: {  	s5 =	sadd.s32 $0x5000, s8;
	[dreg:$0xd] =	wrdreg s4  }
0x12: {  	s6 =	sadd.s32 $0x5800, s8;
	[dreg:$0xe] =	wrdreg s5  }
0x13: {  	s7 =	sadd.s32 $0x6000, s8;
	[dreg:$0xf] =	wrdreg s6  }
0x14: {  	s9 =	sadd.s32 $0x6800, s8;
	[dreg:$0x10] =	wrdreg s7  }
0x15: {  	s10 =	sadd.s32 $0x7000, s8;
	[dreg:$0x11] =	wrdreg s9  }
0x16: {  	s11 =	sadd.s32 $0x7800, s8;
	[dreg:$0x12] =	wrdreg s10  }
0x17: {  	s12 =	sadd.s32 $0x8000, s8;
	[dreg:$0x13] =	wrdreg s11  }
0x18: {  	s13 =	sadd.s32 $0x8800, s8;
	[dreg:$0x14] =	wrdreg s12  }
0x19: {  	s14 =	sadd.s32 $0x9000, s8;
	[dreg:$0x15] =	wrdreg s13  }
0x1a: {  	s15 =	sadd.s32 $0x9800, s8;
	[dreg:$0x16] =	wrdreg s14  }
0x1b: {  	s16 =	sadd.s32 $0xA000, s8;
	[dreg:$0x17] =	wrdreg s15  }
0x1c: {  	s17 =	sadd.s32 $0xA800, s8;
	[dreg:$0x18] =	wrdreg s16  }
0x1d: {  	s18 =	sadd.s32 $0xB000, s8;
	[dreg:$0x19] =	wrdreg s17  }
0x1e: {  	s19 =	sadd.s32 $0xB800, s8;
	[dreg:$0x1a] =	wrdreg s18  }
0x1f: {  	s29 =	simm.s32 $0x2;
	s20 =	sadd.s32 $0xC000, s8;
	[dreg:$0x1b] =	wrdreg s19  }
0x20: {  	s31 =	simm.s32 $0x4;
	s0 =	ssub.s32 $0x2, s0;
	[dreg:$0x1c] =	wrdreg s20  }
0x21: {  	s21 =	sadd.s32 $0xC800, s8;
	s22 =	sadd.s32 $0xD000, s8;
	s23 =	sshrl.u32 s0, $0x1  }
0x22: {  	s24 =	sadd.s32 $0xD800, s8;
	s25 =	sadd.s32 $0xE000, s8;
	s5 =	sadd.s32 $0x100, s1  }
0x23: {  	s26 =	sadd.s32 $0xE800, s8;
	s6 =	sadd.s32 $0x200, s1;
	s28 =	sadd.s32 $0xF000, s8  }
0x24: {  	s7 =	sadd.s32 $0x300, s1;
	s30 =	sadd.s32 $0xF800, s8;
	[dreg:$0x1d] =	wrdreg s21  }
0x25: {  	s18 =	simm.s32 $0x3;
	s4 =	simm.s32 $0x5;
	[dreg:$0x1e] =	wrdreg s22  }
0x26: {  	s11 =	simm.s32 $0x7;
	s12 =	simm.s32 $0x6;
	[dreg:$0x1f] =	wrdreg s24  }
0x27: {  	s13 =	simm.s32 $0x8;
	s14 =	simm.s32 $0x9;
	[smem:$0x7F9] =	sst s25  }
0x28: {  	v2 =	vlaneseq.u32;
	s15 =	simm.s32 $0xA;
	s16 =	simm.s32 $0xB;
	[smem:$0x7FA] =	sst s26  }
0x29: {  	vm0 =	vmmov $0xffff;
	v1 =	vshrl.u32 v2, $0x3;
	s17 =	simm.s32 $0xC;
	s0 =	ssub.s32 s0, s23;
	[smem:$0x7FB] =	sst s28  }
0x2a: {  	v0 =	vand.u32 $0x7, v2;
	v2 =	vor.u32 $0x8, v2;
	v1 =	vmul.u32 $0x8, v1;
	[smem:$0x7FD] =	sst s30;
	s26 =	simm.s32 $0x1;
	s2 =	smax.u32 s0, $0x1  }
.LBB2_1:
0x2b: {  	[smem:$0x7F8] =	sst s2  }
0x2c: {  	s19 =	rddreg [dreg:$0x4];
	s25 =	simm.s32 $0xD  }
0x2d: {  	[tilespmem:s3], [sflag:$0xD] =	stream.linear.gather [hbm4b:s19+s3], $0x200, $0x38;
	[tilespmem:$0x18200] =	vst v63  }
0x2e: {  	_ =	swait.ge [sflag:s25], $0x200  }
0x2f: {  	[sflag:s25] =	ssyncset.done $0x0  }
0x30: {  	[sflag:s25] =	ssyncadd.s32 $0xFFFFFE00  }
0x31: {  	v3 =	vld [tilespmem:$0x0];
	_ =	sdelay $0x4  }
0x32: {  	v4 =	vshll.u32 v3, $0x3  }
0x33: {  	v3 =	vand.u32 $0x7, v3;
	v4 =	vand.u32 $0xFFFFFFC0, v4  }
0x34: {  	v3 =	vor.u32 v3, v4  }
0x35: {  	v4 =	vperm.xlane v3, v0;
	_ =	sdelay $0x1  }
0x36: {  	v4 =	vadd.s32 v1, v4;
	_ =	sdelay $0x3  }
0x37: {  	s28 =	simm.s32 $0x200  }
0x38: {  	[tilespmem:s28], [sflag:$0x1] =	stream.indirect_vreg.gather [hbm4b:s1+s3], $0x80, v4, vm0, $0xb8;
	[tilespmem:$0x18200] =	vst v63  }
0x39: {  	s30 =	simm.s32 $0xA00;
	v3 =	vperm.xlane v3, v2  }
0x3a: {  	[tilespmem:s30], [sflag:$0x1] =	stream.indirect_vreg.gather [hbm4b:s5+s3], $0x80, v4, vm0, $0xb8;
	[tilespmem:$0x18200] =	vst v63  }
0x3b: {  	s0 =	simm.s32 $0x1200;
	v3 =	vadd.s32 v1, v3  }
0x3c: {  	[tilespmem:s0], [sflag:$0x1] =	stream.indirect_vreg.gather [hbm4b:s6+s3], $0x80, v4, vm0, $0xb8;
	[tilespmem:$0x18200] =	vst v63  }
0x3d: {  	s8 =	simm.s32 $0x1A00  }
0x3e: {  	[tilespmem:s8], [sflag:$0x1] =	stream.indirect_vreg.gather [hbm4b:s7+s3], $0x80, v4, vm0, $0xb8;
	[tilespmem:$0x18200] =	vst v63  }
0x3f: {  	s10 =	simm.s32 $0x2200  }
0x40: {  	[tilespmem:s10], [sflag:$0x1] =	stream.indirect_vreg.gather [hbm4b:s1+s3], $0x80, v3, vm0, $0xb8;
	[tilespmem:$0x18200] =	vst v63  }
0x41: {  	s19 =	simm.s32 $0x2A00  }
0x42: {  	[tilespmem:s19], [sflag:$0x1] =	stream.indirect_vreg.gather [hbm4b:s5+s3], $0x80, v3, vm0, $0xb8;
	[tilespmem:$0x18200] =	vst v63  }
0x43: {  	s21 =	simm.s32 $0x3200  }
0x44: {  	[tilespmem:s21], [sflag:$0x1] =	stream.indirect_vreg.gather [hbm4b:s6+s3], $0x80, v3, vm0, $0xb8;
	[tilespmem:$0x18200] =	vst v63  }
0x45: {  	s22 =	simm.s32 $0x3A00  }
0x46: {  	[tilespmem:s22], [sflag:$0x1] =	stream.indirect_vreg.gather [hbm4b:s7+s3], $0x80, v3, vm0, $0xb8;
	[tilespmem:$0x18200] =	vst v63  }
0x47: {  	v3 =	vld [tilespmem:$0x10];
	_ =	sdelay $0x4  }
0x48: {  	v33 =	vshll.u32 v3, $0x3  }
0x49: {  	v3 =	vand.u32 $0x7, v3;
	v4 =	vand.u32 $0xFFFFFFC0, v33  }
0x4a: {  	v3 =	vor.u32 v3, v4  }
0x4b: {  	v4 =	vperm.xlane v3, v0;
	_ =	sdelay $0x1  }
0x4c: {  	v4 =	vadd.s32 v1, v4;
	_ =	sdelay $0x3  }
0x4d: {  	s0 =	simm.s32 $0x4200  }
0x4e: {  	[tilespmem:s0], [sflag:$0x2] =	stream.indirect_vreg.gather [hbm4b:s1+s3], $0x80, v4, vm0, $0xb8;
	[tilespmem:$0x18200] =	vst v63  }
0x4f: {  	s23 =	simm.s32 $0x4A00;
	v3 =	vperm.xlane v3, v2  }
0x50: {  	[tilespmem:s23], [sflag:$0x2] =	stream.indirect_vreg.gather [hbm4b:s5+s3], $0x80, v4, vm0, $0xb8;
	[tilespmem:$0x18200] =	vst v63  }
0x51: {  	s25 =	simm.s32 $0x5200;
	v3 =	vadd.s32 v1, v3  }
0x52: {  	[tilespmem:s25], [sflag:$0x2] =	stream.indirect_vreg.gather [hbm4b:s6+s3], $0x80, v4, vm0, $0xb8;
	[tilespmem:$0x18200] =	vst v63  }
0x53: {  	s28 =	simm.s32 $0x5A00  }
0x54: {  	[tilespmem:s28], [sflag:$0x2] =	stream.indirect_vreg.gather [hbm4b:s7+s3], $0x80, v4, vm0, $0xb8;
	[tilespmem:$0x18200] =	vst v63  }
0x55: {  	s30 =	simm.s32 $0x6200  }
0x56: {  	[tilespmem:s30], [sflag:$0x2] =	stream.indirect_vreg.gather [hbm4b:s1+s3], $0x80, v3, vm0, $0xb8;
	[tilespmem:$0x18200] =	vst v63  }
0x57: {  	s2 =	simm.s32 $0x6A00  }
0x58: {  	[tilespmem:s2], [sflag:$0x2] =	stream.indirect_vreg.gather [hbm4b:s5+s3], $0x80, v3, vm0, $0xb8;
	[tilespmem:$0x18200] =	vst v63  }
0x59: {  	s8 =	simm.s32 $0x7200  }
0x5a: {  	[tilespmem:s8], [sflag:$0x2] =	stream.indirect_vreg.gather [hbm4b:s6+s3], $0x80, v3, vm0, $0xb8;
	[tilespmem:$0x18200] =	vst v63  }
0x5b: {  	s10 =	simm.s32 $0x7A00  }
0x5c: {  	[tilespmem:s10], [sflag:$0x2] =	stream.indirect_vreg.gather [hbm4b:s7+s3], $0x80, v3, vm0, $0xb8;
	[tilespmem:$0x18200] =	vst v63  }
0x5d: {  	_ =	swait.ge [sflag:s26], $0x4000  }
0x5e: {  	s21 =	sld [smem:$0x7FC]  }
0x5f: {  	[sflag:s26] =	ssyncset.done $0x0  }
0x60: {  	s9 =	simm.s32 $0x200;
	[sflag:s26] =	ssyncadd.s32 $0xFFFFC000  }
0x61: {  	[hbm4b:s21+s3] =	stream.linear.scatter [tilespmem:s9], [sflag:$0x7], $0x4000, $0x38;
	[tilespmem:$0x18200] =	vst v63  }
0x62: {  	v3 =	vld [tilespmem:$0x20];
	_ =	sdelay $0x4  }
0x63: {  	v34 =	vshll.u32 v3, $0x3  }
0x64: {  	v3 =	vand.u32 $0x7, v3;
	v4 =	vand.u32 $0xFFFFFFC0, v34  }
0x65: {  	v3 =	vor.u32 v3, v4  }
0x66: {  	v4 =	vperm.xlane v3, v0;
	_ =	sdelay $0x1  }
0x67: {  	v4 =	vadd.s32 v1, v4;
	_ =	sdelay $0x3  }
0x68: {  	s22 =	simm.s32 $0x8200  }
0x69: {  	[tilespmem:s22], [sflag:$0x3] =	stream.indirect_vreg.gather [hbm4b:s1+s3], $0x80, v4, vm0, $0xb8;
	[tilespmem:$0x18200] =	vst v63  }
0x6a: {  	s23 =	simm.s32 $0x8A00;
	v3 =	vperm.xlane v3, v2  }
0x6b: {  	[tilespmem:s23], [sflag:$0x3] =	stream.indirect_vreg.gather [hbm4b:s5+s3], $0x80, v4, vm0, $0xb8;
	[tilespmem:$0x18200] =	vst v63  }
0x6c: {  	s25 =	simm.s32 $0x9200;
	v3 =	vadd.s32 v1, v3  }
0x6d: {  	[tilespmem:s25], [sflag:$0x3] =	stream.indirect_vreg.gather [hbm4b:s6+s3], $0x80, v4, vm0, $0xb8;
	[tilespmem:$0x18200] =	vst v63  }
0x6e: {  	s28 =	simm.s32 $0x9A00  }
0x6f: {  	[tilespmem:s28], [sflag:$0x3] =	stream.indirect_vreg.gather [hbm4b:s7+s3], $0x80, v4, vm0, $0xb8;
	[tilespmem:$0x18200] =	vst v63  }
0x70: {  	s30 =	simm.s32 $0xA200  }
0x71: {  	[tilespmem:s30], [sflag:$0x3] =	stream.indirect_vreg.gather [hbm4b:s1+s3], $0x80, v3, vm0, $0xb8;
	[tilespmem:$0x18200] =	vst v63  }
0x72: {  	s9 =	simm.s32 $0xAA00  }
0x73: {  	[tilespmem:s9], [sflag:$0x3] =	stream.indirect_vreg.gather [hbm4b:s5+s3], $0x80, v3, vm0, $0xb8;
	[tilespmem:$0x18200] =	vst v63  }
0x74: {  	s19 =	simm.s32 $0xB200  }
0x75: {  	[tilespmem:s19], [sflag:$0x3] =	stream.indirect_vreg.gather [hbm4b:s6+s3], $0x80, v3, vm0, $0xb8;
	[tilespmem:$0x18200] =	vst v63  }
0x76: {  	s21 =	simm.s32 $0xBA00  }
0x77: {  	[tilespmem:s21], [sflag:$0x3] =	stream.indirect_vreg.gather [hbm4b:s7+s3], $0x80, v3, vm0, $0xb8;
	[tilespmem:$0x18200] =	vst v63  }
0x78: {  	_ =	swait.ge [sflag:s29], $0x4000  }
0x79: {  	[sflag:s29] =	ssyncset.done $0x0  }
0x7a: {  	s0 =	simm.s32 $0x4200;
	s22 =	rddreg [dreg:$0x5];
	[sflag:s29] =	ssyncadd.s32 $0xFFFFC000  }
0x7b: {  	[hbm4b:s22+s3] =	stream.linear.scatter [tilespmem:s0], [sflag:$0x8], $0x4000, $0x38;
	[tilespmem:$0x18200] =	vst v63  }
0x7c: {  	v3 =	vld [tilespmem:$0x30];
	_ =	sdelay $0x4  }
0x7d: {  	v35 =	vshll.u32 v3, $0x3  }
0x7e: {  	v3 =	vand.u32 $0x7, v3;
	v4 =	vand.u32 $0xFFFFFFC0, v35  }
0x7f: {  	v3 =	vor.u32 v3, v4  }
0x80: {  	v4 =	vperm.xlane v3, v0;
	_ =	sdelay $0x1  }
0x81: {  	v4 =	vadd.s32 v1, v4;
	_ =	sdelay $0x3  }
0x82: {  	s23 =	simm.s32 $0xC200  }
0x83: {  	[tilespmem:s23], [sflag:$0x4] =	stream.indirect_vreg.gather [hbm4b:s1+s3], $0x80, v4, vm0, $0xb8;
	[tilespmem:$0x18200] =	vst v63  }
0x84: {  	s28 =	simm.s32 $0xCA00;
	v3 =	vperm.xlane v3, v2  }
0x85: {  	[tilespmem:s28], [sflag:$0x4] =	stream.indirect_vreg.gather [hbm4b:s5+s3], $0x80, v4, vm0, $0xb8;
	[tilespmem:$0x18200] =	vst v63  }
0x86: {  	s19 =	simm.s32 $0xD200;
	v3 =	vadd.s32 v1, v3  }
0x87: {  	[tilespmem:s19], [sflag:$0x4] =	stream.indirect_vreg.gather [hbm4b:s6+s3], $0x80, v4, vm0, $0xb8;
	[tilespmem:$0x18200] =	vst v63  }
0x88: {  	s21 =	simm.s32 $0xDA00  }
0x89: {  	[tilespmem:s21], [sflag:$0x4] =	stream.indirect_vreg.gather [hbm4b:s7+s3], $0x80, v4, vm0, $0xb8;
	[tilespmem:$0x18200] =	vst v63  }
0x8a: {  	s22 =	simm.s32 $0xE200  }
0x8b: {  	[tilespmem:s22], [sflag:$0x4] =	stream.indirect_vreg.gather [hbm4b:s1+s3], $0x80, v3, vm0, $0xb8;
	[tilespmem:$0x18200] =	vst v63  }
0x8c: {  	s23 =	simm.s32 $0xEA00  }
0x8d: {  	[tilespmem:s23], [sflag:$0x4] =	stream.indirect_vreg.gather [hbm4b:s5+s3], $0x80, v3, vm0, $0xb8;
	[tilespmem:$0x18200] =	vst v63  }
0x8e: {  	s28 =	simm.s32 $0xF200  }
0x8f: {  	[tilespmem:s28], [sflag:$0x4] =	stream.indirect_vreg.gather [hbm4b:s6+s3], $0x80, v3, vm0, $0xb8;
	[tilespmem:$0x18200] =	vst v63  }
0x90: {  	s19 =	simm.s32 $0xFA00  }
0x91: {  	[tilespmem:s19], [sflag:$0x4] =	stream.indirect_vreg.gather [hbm4b:s7+s3], $0x80, v3, vm0, $0xb8;
	[tilespmem:$0x18200] =	vst v63  }
0x92: {  	_ =	swait.ge [sflag:s18], $0x4000  }
0x93: {  	[sflag:s18] =	ssyncset.done $0x0  }
0x94: {  	s10 =	simm.s32 $0x8200;
	s21 =	rddreg [dreg:$0x6];
	[sflag:s18] =	ssyncadd.s32 $0xFFFFC000  }
0x95: {  	[hbm4b:s21+s3] =	stream.linear.scatter [tilespmem:s10], [sflag:$0x9], $0x4000, $0x38;
	[tilespmem:$0x18200] =	vst v63  }
0x96: {  	v3 =	vld [tilespmem:$0x40];
	_ =	sdelay $0x4  }
0x97: {  	v36 =	vshll.u32 v3, $0x3  }
0x98: {  	v3 =	vand.u32 $0x7, v3;
	v4 =	vand.u32 $0xFFFFFFC0, v36  }
0x99: {  	v3 =	vor.u32 v3, v4  }
0x9a: {  	v4 =	vperm.xlane v3, v0;
	_ =	sdelay $0x1  }
0x9b: {  	v4 =	vadd.s32 v1, v4;
	_ =	sdelay $0x3  }
0x9c: {  	s22 =	simm.s32 $0x10200  }
0x9d: {  	[tilespmem:s22], [sflag:$0x5] =	stream.indirect_vreg.gather [hbm4b:s1+s3], $0x80, v4, vm0, $0xb8;
	[tilespmem:$0x18200] =	vst v63  }
0x9e: {  	s23 =	simm.s32 $0x10A00;
	v3 =	vperm.xlane v3, v2  }
0x9f: {  	[tilespmem:s23], [sflag:$0x5] =	stream.indirect_vreg.gather [hbm4b:s5+s3], $0x80, v4, vm0, $0xb8;
	[tilespmem:$0x18200] =	vst v63  }
0xa0: {  	s28 =	simm.s32 $0x11200;
	v3 =	vadd.s32 v1, v3  }
0xa1: {  	[tilespmem:s28], [sflag:$0x5] =	stream.indirect_vreg.gather [hbm4b:s6+s3], $0x80, v4, vm0, $0xb8;
	[tilespmem:$0x18200] =	vst v63  }
0xa2: {  	s19 =	simm.s32 $0x11A00  }
0xa3: {  	[tilespmem:s19], [sflag:$0x5] =	stream.indirect_vreg.gather [hbm4b:s7+s3], $0x80, v4, vm0, $0xb8;
	[tilespmem:$0x18200] =	vst v63  }
0xa4: {  	s21 =	simm.s32 $0x12200  }
0xa5: {  	[tilespmem:s21], [sflag:$0x5] =	stream.indirect_vreg.gather [hbm4b:s1+s3], $0x80, v3, vm0, $0xb8;
	[tilespmem:$0x18200] =	vst v63  }
0xa6: {  	s22 =	simm.s32 $0x12A00  }
0xa7: {  	[tilespmem:s22], [sflag:$0x5] =	stream.indirect_vreg.gather [hbm4b:s5+s3], $0x80, v3, vm0, $0xb8;
	[tilespmem:$0x18200] =	vst v63  }
0xa8: {  	s23 =	simm.s32 $0x13200  }
0xa9: {  	[tilespmem:s23], [sflag:$0x5] =	stream.indirect_vreg.gather [hbm4b:s6+s3], $0x80, v3, vm0, $0xb8;
	[tilespmem:$0x18200] =	vst v63  }
0xaa: {  	s28 =	simm.s32 $0x13A00  }
0xab: {  	[tilespmem:s28], [sflag:$0x5] =	stream.indirect_vreg.gather [hbm4b:s7+s3], $0x80, v3, vm0, $0xb8;
	[tilespmem:$0x18200] =	vst v63  }
0xac: {  	_ =	swait.ge [sflag:s31], $0x4000  }
0xad: {  	[sflag:s31] =	ssyncset.done $0x0  }
0xae: {  	s0 =	simm.s32 $0xC200;
	s10 =	rddreg [dreg:$0x7];
	[sflag:s31] =	ssyncadd.s32 $0xFFFFC000  }
0xaf: {  	[hbm4b:s10+s3] =	stream.linear.scatter [tilespmem:s0], [sflag:$0xA], $0x4000, $0x38;
	[tilespmem:$0x18200] =	vst v63  }
0xb0: {  	v3 =	vld [tilespmem:$0x50];
	_ =	sdelay $0x4  }
0xb1: {  	v37 =	vshll.u32 v3, $0x3  }
0xb2: {  	v3 =	vand.u32 $0x7, v3;
	v4 =	vand.u32 $0xFFFFFFC0, v37  }
0xb3: {  	v3 =	vor.u32 v3, v4  }
0xb4: {  	v4 =	vperm.xlane v3, v0;
	_ =	sdelay $0x1  }
0xb5: {  	v4 =	vadd.s32 v1, v4;
	_ =	sdelay $0x3  }
0xb6: {  	s21 =	simm.s32 $0x14200  }
0xb7: {  	[tilespmem:s21], [sflag:$0x6] =	stream.indirect_vreg.gather [hbm4b:s1+s3], $0x80, v4, vm0, $0xb8;
	[tilespmem:$0x18200] =	vst v63  }
0xb8: {  	s22 =	simm.s32 $0x14A00;
	v3 =	vperm.xlane v3, v2  }
0xb9: {  	[tilespmem:s22], [sflag:$0x6] =	stream.indirect_vreg.gather [hbm4b:s5+s3], $0x80, v4, vm0, $0xb8;
	[tilespmem:$0x18200] =	vst v63  }
0xba: {  	s23 =	simm.s32 $0x15200;
	v3 =	vadd.s32 v1, v3  }
0xbb: {  	[tilespmem:s23], [sflag:$0x6] =	stream.indirect_vreg.gather [hbm4b:s6+s3], $0x80, v4, vm0, $0xb8;
	[tilespmem:$0x18200] =	vst v63  }
0xbc: {  	s28 =	simm.s32 $0x15A00  }
0xbd: {  	[tilespmem:s28], [sflag:$0x6] =	stream.indirect_vreg.gather [hbm4b:s7+s3], $0x80, v4, vm0, $0xb8;
	[tilespmem:$0x18200] =	vst v63  }
0xbe: {  	s10 =	simm.s32 $0x16200  }
0xbf: {  	[tilespmem:s10], [sflag:$0x6] =	stream.indirect_vreg.gather [hbm4b:s1+s3], $0x80, v3, vm0, $0xb8;
	[tilespmem:$0x18200] =	vst v63  }
0xc0: {  	s21 =	simm.s32 $0x16A00  }
0xc1: {  	[tilespmem:s21], [sflag:$0x6] =	stream.indirect_vreg.gather [hbm4b:s5+s3], $0x80, v3, vm0, $0xb8;
	[tilespmem:$0x18200] =	vst v63  }
0xc2: {  	s22 =	simm.s32 $0x17200  }
0xc3: {  	[tilespmem:s22], [sflag:$0x6] =	stream.indirect_vreg.gather [hbm4b:s6+s3], $0x80, v3, vm0, $0xb8;
	[tilespmem:$0x18200] =	vst v63  }
0xc4: {  	s23 =	simm.s32 $0x17A00  }
0xc5: {  	[tilespmem:s23], [sflag:$0x6] =	stream.indirect_vreg.gather [hbm4b:s7+s3], $0x80, v3, vm0, $0xb8;
	[tilespmem:$0x18200] =	vst v63  }
0xc6: {  	_ =	swait.ge [sflag:s4], $0x4000  }
0xc7: {  	[sflag:s4] =	ssyncset.done $0x0  }
0xc8: {  	s2 =	simm.s32 $0x10200;
	s28 =	rddreg [dreg:$0x8];
	[sflag:s4] =	ssyncadd.s32 $0xFFFFC000  }
0xc9: {  	[hbm4b:s28+s3] =	stream.linear.scatter [tilespmem:s2], [sflag:$0xB], $0x4000, $0x38;
	[tilespmem:$0x18200] =	vst v63  }
0xca: {  	_ =	swait.ge [sflag:s11], $0x4000  }
0xcb: {  	[sflag:s11] =	ssyncset.done $0x0  }
0xcc: {  	[sflag:s11] =	ssyncadd.s32 $0xFFFFC000  }
0xcd: {  	v3 =	vld [tilespmem:$0x60];
	_ =	sdelay $0x4  }
0xce: {  	v38 =	vshll.u32 v3, $0x3  }
0xcf: {  	v3 =	vand.u32 $0x7, v3;
	v4 =	vand.u32 $0xFFFFFFC0, v38  }
0xd0: {  	v3 =	vor.u32 v3, v4  }
0xd1: {  	v4 =	vperm.xlane v3, v0;
	_ =	sdelay $0x1  }
0xd2: {  	v4 =	vadd.s32 v1, v4;
	_ =	sdelay $0x3  }
0xd3: {  	s2 =	simm.s32 $0x200  }
0xd4: {  	[tilespmem:s2], [sflag:$0x1] =	stream.indirect_vreg.gather [hbm4b:s1+s3], $0x80, v4, vm0, $0xb8;
	[tilespmem:$0x18200] =	vst v63  }
0xd5: {  	s20 =	simm.s32 $0xA00;
	v3 =	vperm.xlane v3, v2  }
0xd6: {  	[tilespmem:s20], [sflag:$0x1] =	stream.indirect_vreg.gather [hbm4b:s5+s3], $0x80, v4, vm0, $0xb8;
	[tilespmem:$0x18200] =	vst v63  }
0xd7: {  	v3 =	vadd.s32 v1, v3;
	s20 =	simm.s32 $0x1200  }
0xd8: {  	[tilespmem:s20], [sflag:$0x1] =	stream.indirect_vreg.gather [hbm4b:s6+s3], $0x80, v4, vm0, $0xb8;
	[tilespmem:$0x18200] =	vst v63  }
0xd9: {  	s21 =	simm.s32 $0x1A00  }
0xda: {  	[tilespmem:s21], [sflag:$0x1] =	stream.indirect_vreg.gather [hbm4b:s7+s3], $0x80, v4, vm0, $0xb8;
	[tilespmem:$0x18200] =	vst v63  }
0xdb: {  	s22 =	simm.s32 $0x2200  }
0xdc: {  	[tilespmem:s22], [sflag:$0x1] =	stream.indirect_vreg.gather [hbm4b:s1+s3], $0x80, v3, vm0, $0xb8;
	[tilespmem:$0x18200] =	vst v63  }
0xdd: {  	s23 =	simm.s32 $0x2A00  }
0xde: {  	[tilespmem:s23], [sflag:$0x1] =	stream.indirect_vreg.gather [hbm4b:s5+s3], $0x80, v3, vm0, $0xb8;
	[tilespmem:$0x18200] =	vst v63  }
0xdf: {  	s28 =	simm.s32 $0x3200  }
0xe0: {  	[tilespmem:s28], [sflag:$0x1] =	stream.indirect_vreg.gather [hbm4b:s6+s3], $0x80, v3, vm0, $0xb8;
	[tilespmem:$0x18200] =	vst v63  }
0xe1: {  	s24 =	simm.s32 $0x3A00  }
0xe2: {  	[tilespmem:s24], [sflag:$0x1] =	stream.indirect_vreg.gather [hbm4b:s7+s3], $0x80, v3, vm0, $0xb8;
	[tilespmem:$0x18200] =	vst v63  }
0xe3: {  	_ =	swait.ge [sflag:s12], $0x4000  }
0xe4: {  	[sflag:s12] =	ssyncset.done $0x0  }
0xe5: {  	s0 =	simm.s32 $0x14200;
	s10 =	rddreg [dreg:$0x9];
	[sflag:s12] =	ssyncadd.s32 $0xFFFFC000  }
0xe6: {  	[hbm4b:s10+s3] =	stream.linear.scatter [tilespmem:s0], [sflag:$0xC], $0x4000, $0x38;
	[tilespmem:$0x18200] =	vst v63  }
0xe7: {  	_ =	swait.ge [sflag:s13], $0x4000  }
0xe8: {  	[sflag:s13] =	ssyncset.done $0x0  }
0xe9: {  	[sflag:s13] =	ssyncadd.s32 $0xFFFFC000  }
0xea: {  	v3 =	vld [tilespmem:$0x70];
	_ =	sdelay $0x4  }
0xeb: {  	v39 =	vshll.u32 v3, $0x3  }
0xec: {  	v3 =	vand.u32 $0x7, v3;
	v4 =	vand.u32 $0xFFFFFFC0, v39  }
0xed: {  	v3 =	vor.u32 v3, v4  }
0xee: {  	v4 =	vperm.xlane v3, v0;
	_ =	sdelay $0x1  }
0xef: {  	v4 =	vadd.s32 v1, v4;
	_ =	sdelay $0x3  }
0xf0: {  	s0 =	simm.s32 $0x4200  }
0xf1: {  	[tilespmem:s0], [sflag:$0x2] =	stream.indirect_vreg.gather [hbm4b:s1+s3], $0x80, v4, vm0, $0xb8;
	[tilespmem:$0x18200] =	vst v63  }
0xf2: {  	s24 =	simm.s32 $0x4A00;
	v3 =	vperm.xlane v3, v2  }
0xf3: {  	[tilespmem:s24], [sflag:$0x2] =	stream.indirect_vreg.gather [hbm4b:s5+s3], $0x80, v4, vm0, $0xb8;
	[tilespmem:$0x18200] =	vst v63  }
0xf4: {  	s19 =	simm.s32 $0x5200;
	v3 =	vadd.s32 v1, v3  }
0xf5: {  	[tilespmem:s19], [sflag:$0x2] =	stream.indirect_vreg.gather [hbm4b:s6+s3], $0x80, v4, vm0, $0xb8;
	[tilespmem:$0x18200] =	vst v63  }
0xf6: {  	s24 =	simm.s32 $0x5A00  }
0xf7: {  	[tilespmem:s24], [sflag:$0x2] =	stream.indirect_vreg.gather [hbm4b:s7+s3], $0x80, v4, vm0, $0xb8;
	[tilespmem:$0x18200] =	vst v63  }
0xf8: {  	s19 =	simm.s32 $0x6200  }
0xf9: {  	[tilespmem:s19], [sflag:$0x2] =	stream.indirect_vreg.gather [hbm4b:s1+s3], $0x80, v3, vm0, $0xb8;
	[tilespmem:$0x18200] =	vst v63  }
0xfa: {  	s24 =	simm.s32 $0x6A00  }
0xfb: {  	[tilespmem:s24], [sflag:$0x2] =	stream.indirect_vreg.gather [hbm4b:s5+s3], $0x80, v3, vm0, $0xb8;
	[tilespmem:$0x18200] =	vst v63  }
0xfc: {  	s19 =	simm.s32 $0x7200  }
0xfd: {  	[tilespmem:s19], [sflag:$0x2] =	stream.indirect_vreg.gather [hbm4b:s6+s3], $0x80, v3, vm0, $0xb8;
	[tilespmem:$0x18200] =	vst v63  }
0xfe: {  	s24 =	simm.s32 $0x7A00  }
0xff: {  	[tilespmem:s24], [sflag:$0x2] =	stream.indirect_vreg.gather [hbm4b:s7+s3], $0x80, v3, vm0, $0xb8;
	[tilespmem:$0x18200] =	vst v63  }
0x100: {  	_ =	swait.ge [sflag:s26], $0x4000  }
0x101: {  	[sflag:s26] =	ssyncset.done $0x0  }
0x102: {  	s10 =	rddreg [dreg:$0xa];
	[sflag:s26] =	ssyncadd.s32 $0xFFFFC000  }
0x103: {  	[hbm4b:s10+s3] =	stream.linear.scatter [tilespmem:s2], [sflag:$0x7], $0x4000, $0x38;
	[tilespmem:$0x18200] =	vst v63  }
0x104: {  	_ =	swait.ge [sflag:s14], $0x4000  }
0x105: {  	[sflag:s14] =	ssyncset.done $0x0  }
0x106: {  	[sflag:s14] =	ssyncadd.s32 $0xFFFFC000  }
0x107: {  	v3 =	vld [tilespmem:$0x80];
	_ =	sdelay $0x4  }
0x108: {  	v40 =	vshll.u32 v3, $0x3  }
0x109: {  	v3 =	vand.u32 $0x7, v3;
	v4 =	vand.u32 $0xFFFFFFC0, v40  }
0x10a: {  	v3 =	vor.u32 v3, v4  }
0x10b: {  	v4 =	vperm.xlane v3, v0;
	_ =	sdelay $0x1  }
0x10c: {  	v4 =	vadd.s32 v1, v4;
	_ =	sdelay $0x3  }
0x10d: {  	s10 =	simm.s32 $0x8200  }
0x10e: {  	[tilespmem:s10], [sflag:$0x3] =	stream.indirect_vreg.gather [hbm4b:s1+s3], $0x80, v4, vm0, $0xb8;
	[tilespmem:$0x18200] =	vst v63  }
0x10f: {  	s8 =	simm.s32 $0x8A00;
	v3 =	vperm.xlane v3, v2  }
0x110: {  	[tilespmem:s8], [sflag:$0x3] =	stream.indirect_vreg.gather [hbm4b:s5+s3], $0x80, v4, vm0, $0xb8;
	[tilespmem:$0x18200] =	vst v63  }
0x111: {  	s19 =	simm.s32 $0x9200;
	v3 =	vadd.s32 v1, v3  }
0x112: {  	[tilespmem:s19], [sflag:$0x3] =	stream.indirect_vreg.gather [hbm4b:s6+s3], $0x80, v4, vm0, $0xb8;
	[tilespmem:$0x18200] =	vst v63  }
0x113: {  	s24 =	simm.s32 $0x9A00  }
0x114: {  	[tilespmem:s24], [sflag:$0x3] =	stream.indirect_vreg.gather [hbm4b:s7+s3], $0x80, v4, vm0, $0xb8;
	[tilespmem:$0x18200] =	vst v63  }
0x115: {  	s25 =	simm.s32 $0xA200  }
0x116: {  	[tilespmem:s25], [sflag:$0x3] =	stream.indirect_vreg.gather [hbm4b:s1+s3], $0x80, v3, vm0, $0xb8;
	[tilespmem:$0x18200] =	vst v63  }
0x117: {  	s30 =	simm.s32 $0xAA00  }
0x118: {  	[tilespmem:s30], [sflag:$0x3] =	stream.indirect_vreg.gather [hbm4b:s5+s3], $0x80, v3, vm0, $0xb8;
	[tilespmem:$0x18200] =	vst v63  }
0x119: {  	s8 =	simm.s32 $0xB200  }
0x11a: {  	[tilespmem:s8], [sflag:$0x3] =	stream.indirect_vreg.gather [hbm4b:s6+s3], $0x80, v3, vm0, $0xb8;
	[tilespmem:$0x18200] =	vst v63  }
0x11b: {  	s9 =	simm.s32 $0xBA00  }
0x11c: {  	[tilespmem:s9], [sflag:$0x3] =	stream.indirect_vreg.gather [hbm4b:s7+s3], $0x80, v3, vm0, $0xb8;
	[tilespmem:$0x18200] =	vst v63  }
0x11d: {  	_ =	swait.ge [sflag:s29], $0x4000  }
0x11e: {  	[sflag:s29] =	ssyncset.done $0x0  }
0x11f: {  	s9 =	rddreg [dreg:$0xb];
	[sflag:s29] =	ssyncadd.s32 $0xFFFFC000  }
0x120: {  	[hbm4b:s9+s3] =	stream.linear.scatter [tilespmem:s0], [sflag:$0x8], $0x4000, $0x38;
	[tilespmem:$0x18200] =	vst v63  }
0x121: {  	_ =	swait.ge [sflag:s15], $0x4000  }
0x122: {  	[sflag:s15] =	ssyncset.done $0x0  }
0x123: {  	[sflag:s15] =	ssyncadd.s32 $0xFFFFC000  }
0x124: {  	v3 =	vld [tilespmem:$0x90];
	_ =	sdelay $0x4  }
0x125: {  	v41 =	vshll.u32 v3, $0x3  }
0x126: {  	v3 =	vand.u32 $0x7, v3;
	v4 =	vand.u32 $0xFFFFFFC0, v41  }
0x127: {  	v3 =	vor.u32 v3, v4  }
0x128: {  	v4 =	vperm.xlane v3, v0;
	_ =	sdelay $0x1  }
0x129: {  	v4 =	vadd.s32 v1, v4;
	_ =	sdelay $0x3  }
0x12a: {  	s2 =	simm.s32 $0xC200  }
0x12b: {  	[tilespmem:s2], [sflag:$0x4] =	stream.indirect_vreg.gather [hbm4b:s1+s3], $0x80, v4, vm0, $0xb8;
	[tilespmem:$0x18200] =	vst v63  }
0x12c: {  	s24 =	simm.s32 $0xCA00;
	v3 =	vperm.xlane v3, v2  }
0x12d: {  	[tilespmem:s24], [sflag:$0x4] =	stream.indirect_vreg.gather [hbm4b:s5+s3], $0x80, v4, vm0, $0xb8;
	[tilespmem:$0x18200] =	vst v63  }
0x12e: {  	s25 =	simm.s32 $0xD200;
	v3 =	vadd.s32 v1, v3  }
0x12f: {  	[tilespmem:s25], [sflag:$0x4] =	stream.indirect_vreg.gather [hbm4b:s6+s3], $0x80, v4, vm0, $0xb8;
	[tilespmem:$0x18200] =	vst v63  }
0x130: {  	s30 =	simm.s32 $0xDA00  }
0x131: {  	[tilespmem:s30], [sflag:$0x4] =	stream.indirect_vreg.gather [hbm4b:s7+s3], $0x80, v4, vm0, $0xb8;
	[tilespmem:$0x18200] =	vst v63  }
0x132: {  	s8 =	simm.s32 $0xE200  }
0x133: {  	[tilespmem:s8], [sflag:$0x4] =	stream.indirect_vreg.gather [hbm4b:s1+s3], $0x80, v3, vm0, $0xb8;
	[tilespmem:$0x18200] =	vst v63  }
0x134: {  	s30 =	simm.s32 $0xEA00  }
0x135: {  	[tilespmem:s30], [sflag:$0x4] =	stream.indirect_vreg.gather [hbm4b:s5+s3], $0x80, v3, vm0, $0xb8;
	[tilespmem:$0x18200] =	vst v63  }
0x136: {  	s9 =	simm.s32 $0xF200  }
0x137: {  	[tilespmem:s9], [sflag:$0x4] =	stream.indirect_vreg.gather [hbm4b:s6+s3], $0x80, v3, vm0, $0xb8;
	[tilespmem:$0x18200] =	vst v63  }
0x138: {  	s19 =	simm.s32 $0xFA00  }
0x139: {  	[tilespmem:s19], [sflag:$0x4] =	stream.indirect_vreg.gather [hbm4b:s7+s3], $0x80, v3, vm0, $0xb8;
	[tilespmem:$0x18200] =	vst v63  }
0x13a: {  	_ =	swait.ge [sflag:s18], $0x4000  }
0x13b: {  	[sflag:s18] =	ssyncset.done $0x0  }
0x13c: {  	s24 =	rddreg [dreg:$0xc];
	[sflag:s18] =	ssyncadd.s32 $0xFFFFC000  }
0x13d: {  	[hbm4b:s24+s3] =	stream.linear.scatter [tilespmem:s10], [sflag:$0x9], $0x4000, $0x38;
	[tilespmem:$0x18200] =	vst v63  }
0x13e: {  	_ =	swait.ge [sflag:s16], $0x4000  }
0x13f: {  	[sflag:s16] =	ssyncset.done $0x0  }
0x140: {  	[sflag:s16] =	ssyncadd.s32 $0xFFFFC000  }
0x141: {  	v3 =	vld [tilespmem:$0xA0];
	_ =	sdelay $0x4  }
0x142: {  	v42 =	vshll.u32 v3, $0x3  }
0x143: {  	v3 =	vand.u32 $0x7, v3;
	v4 =	vand.u32 $0xFFFFFFC0, v42  }
0x144: {  	v3 =	vor.u32 v3, v4  }
0x145: {  	v4 =	vperm.xlane v3, v0;
	_ =	sdelay $0x1  }
0x146: {  	v4 =	vadd.s32 v1, v4;
	_ =	sdelay $0x3  }
0x147: {  	s0 =	simm.s32 $0x10200  }
0x148: {  	[tilespmem:s0], [sflag:$0x5] =	stream.indirect_vreg.gather [hbm4b:s1+s3], $0x80, v4, vm0, $0xb8;
	[tilespmem:$0x18200] =	vst v63  }
0x149: {  	s25 =	simm.s32 $0x10A00;
	v3 =	vperm.xlane v3, v2  }
0x14a: {  	[tilespmem:s25], [sflag:$0x5] =	stream.indirect_vreg.gather [hbm4b:s5+s3], $0x80, v4, vm0, $0xb8;
	[tilespmem:$0x18200] =	vst v63  }
0x14b: {  	s24 =	simm.s32 $0x11200;
	v3 =	vadd.s32 v1, v3  }
0x14c: {  	[tilespmem:s24], [sflag:$0x5] =	stream.indirect_vreg.gather [hbm4b:s6+s3], $0x80, v4, vm0, $0xb8;
	[tilespmem:$0x18200] =	vst v63  }
0x14d: {  	s25 =	simm.s32 $0x11A00  }
0x14e: {  	[tilespmem:s25], [sflag:$0x5] =	stream.indirect_vreg.gather [hbm4b:s7+s3], $0x80, v4, vm0, $0xb8;
	[tilespmem:$0x18200] =	vst v63  }
0x14f: {  	s9 =	simm.s32 $0x12200  }
0x150: {  	[tilespmem:s9], [sflag:$0x5] =	stream.indirect_vreg.gather [hbm4b:s1+s3], $0x80, v3, vm0, $0xb8;
	[tilespmem:$0x18200] =	vst v63  }
0x151: {  	s10 =	simm.s32 $0x12A00  }
0x152: {  	[tilespmem:s10], [sflag:$0x5] =	stream.indirect_vreg.gather [hbm4b:s5+s3], $0x80, v3, vm0, $0xb8;
	[tilespmem:$0x18200] =	vst v63  }
0x153: {  	s19 =	simm.s32 $0x13200  }
0x154: {  	[tilespmem:s19], [sflag:$0x5] =	stream.indirect_vreg.gather [hbm4b:s6+s3], $0x80, v3, vm0, $0xb8;
	[tilespmem:$0x18200] =	vst v63  }
0x155: {  	s9 =	simm.s32 $0x13A00  }
0x156: {  	[tilespmem:s9], [sflag:$0x5] =	stream.indirect_vreg.gather [hbm4b:s7+s3], $0x80, v3, vm0, $0xb8;
	[tilespmem:$0x18200] =	vst v63  }
0x157: {  	_ =	swait.ge [sflag:s31], $0x4000  }
0x158: {  	[sflag:s31] =	ssyncset.done $0x0  }
0x159: {  	s10 =	rddreg [dreg:$0xd];
	[sflag:s31] =	ssyncadd.s32 $0xFFFFC000  }
0x15a: {  	[hbm4b:s10+s3] =	stream.linear.scatter [tilespmem:s2], [sflag:$0xA], $0x4000, $0x38;
	[tilespmem:$0x18200] =	vst v63  }
0x15b: {  	_ =	swait.ge [sflag:s17], $0x4000  }
0x15c: {  	[sflag:s17] =	ssyncset.done $0x0  }
0x15d: {  	[sflag:s17] =	ssyncadd.s32 $0xFFFFC000  }
0x15e: {  	v3 =	vld [tilespmem:$0xB0];
	_ =	sdelay $0x4  }
0x15f: {  	v43 =	vshll.u32 v3, $0x3  }
0x160: {  	v3 =	vand.u32 $0x7, v3;
	v4 =	vand.u32 $0xFFFFFFC0, v43  }
0x161: {  	v3 =	vor.u32 v3, v4  }
0x162: {  	v4 =	vperm.xlane v3, v0;
	_ =	sdelay $0x1  }
0x163: {  	v4 =	vadd.s32 v1, v4;
	_ =	sdelay $0x3  }
0x164: {  	s2 =	simm.s32 $0x14200  }
0x165: {  	[tilespmem:s2], [sflag:$0x6] =	stream.indirect_vreg.gather [hbm4b:s1+s3], $0x80, v4, vm0, $0xb8;
	[tilespmem:$0x18200] =	vst v63  }
0x166: {  	s19 =	simm.s32 $0x14A00;
	v3 =	vperm.xlane v3, v2  }
0x167: {  	[tilespmem:s19], [sflag:$0x6] =	stream.indirect_vreg.gather [hbm4b:s5+s3], $0x80, v4, vm0, $0xb8;
	[tilespmem:$0x18200] =	vst v63  }
0x168: {  	s10 =	simm.s32 $0x15200;
	v3 =	vadd.s32 v1, v3  }
0x169: {  	[tilespmem:s10], [sflag:$0x6] =	stream.indirect_vreg.gather [hbm4b:s6+s3], $0x80, v4, vm0, $0xb8;
	[tilespmem:$0x18200] =	vst v63  }
0x16a: {  	s19 =	simm.s32 $0x15A00  }
0x16b: {  	[tilespmem:s19], [sflag:$0x6] =	stream.indirect_vreg.gather [hbm4b:s7+s3], $0x80, v4, vm0, $0xb8;
	[tilespmem:$0x18200] =	vst v63  }
0x16c: {  	s10 =	simm.s32 $0x16200  }
0x16d: {  	[tilespmem:s10], [sflag:$0x6] =	stream.indirect_vreg.gather [hbm4b:s1+s3], $0x80, v3, vm0, $0xb8;
	[tilespmem:$0x18200] =	vst v63  }
0x16e: {  	s19 =	simm.s32 $0x16A00  }
0x16f: {  	[tilespmem:s19], [sflag:$0x6] =	stream.indirect_vreg.gather [hbm4b:s5+s3], $0x80, v3, vm0, $0xb8;
	[tilespmem:$0x18200] =	vst v63  }
0x170: {  	s10 =	simm.s32 $0x17200  }
0x171: {  	[tilespmem:s10], [sflag:$0x6] =	stream.indirect_vreg.gather [hbm4b:s6+s3], $0x80, v3, vm0, $0xb8;
	[tilespmem:$0x18200] =	vst v63  }
0x172: {  	s19 =	simm.s32 $0x17A00  }
0x173: {  	[tilespmem:s19], [sflag:$0x6] =	stream.indirect_vreg.gather [hbm4b:s7+s3], $0x80, v3, vm0, $0xb8;
	[tilespmem:$0x18200] =	vst v63  }
0x174: {  	_ =	swait.ge [sflag:s4], $0x4000  }
0x175: {  	[sflag:s4] =	ssyncset.done $0x0  }
0x176: {  	s10 =	rddreg [dreg:$0xe];
	[sflag:s4] =	ssyncadd.s32 $0xFFFFC000  }
0x177: {  	[hbm4b:s10+s3] =	stream.linear.scatter [tilespmem:s0], [sflag:$0xB], $0x4000, $0x38;
	[tilespmem:$0x18200] =	vst v63  }
0x178: {  	_ =	swait.ge [sflag:s11], $0x4000  }
0x179: {  	[sflag:s11] =	ssyncset.done $0x0  }
0x17a: {  	[sflag:s11] =	ssyncadd.s32 $0xFFFFC000  }
0x17b: {  	v3 =	vld [tilespmem:$0xC0];
	_ =	sdelay $0x4  }
0x17c: {  	v44 =	vshll.u32 v3, $0x3  }
0x17d: {  	v3 =	vand.u32 $0x7, v3;
	v4 =	vand.u32 $0xFFFFFFC0, v44  }
0x17e: {  	v3 =	vor.u32 v3, v4  }
0x17f: {  	v4 =	vperm.xlane v3, v0;
	_ =	sdelay $0x1  }
0x180: {  	v4 =	vadd.s32 v1, v4;
	_ =	sdelay $0x3  }
0x181: {  	s10 =	simm.s32 $0x200  }
0x182: {  	[tilespmem:s10], [sflag:$0x1] =	stream.indirect_vreg.gather [hbm4b:s1+s3], $0x80, v4, vm0, $0xb8;
	[tilespmem:$0x18200] =	vst v63  }
0x183: {  	s19 =	simm.s32 $0xA00;
	v3 =	vperm.xlane v3, v2  }
0x184: {  	[tilespmem:s19], [sflag:$0x1] =	stream.indirect_vreg.gather [hbm4b:s5+s3], $0x80, v4, vm0, $0xb8;
	[tilespmem:$0x18200] =	vst v63  }
0x185: {  	v3 =	vadd.s32 v1, v3  }
0x186: {  	[tilespmem:s20], [sflag:$0x1] =	stream.indirect_vreg.gather [hbm4b:s6+s3], $0x80, v4, vm0, $0xb8;
	[tilespmem:$0x18200] =	vst v63  }
0x187: {  	_ = 	snop  }
0x188: {  	[tilespmem:s21], [sflag:$0x1] =	stream.indirect_vreg.gather [hbm4b:s7+s3], $0x80, v4, vm0, $0xb8;
	[tilespmem:$0x18200] =	vst v63  }
0x189: {  	_ = 	snop  }
0x18a: {  	[tilespmem:s22], [sflag:$0x1] =	stream.indirect_vreg.gather [hbm4b:s1+s3], $0x80, v3, vm0, $0xb8;
	[tilespmem:$0x18200] =	vst v63  }
0x18b: {  	_ = 	snop  }
0x18c: {  	[tilespmem:s23], [sflag:$0x1] =	stream.indirect_vreg.gather [hbm4b:s5+s3], $0x80, v3, vm0, $0xb8;
	[tilespmem:$0x18200] =	vst v63  }
0x18d: {  	_ = 	snop  }
0x18e: {  	[tilespmem:s28], [sflag:$0x1] =	stream.indirect_vreg.gather [hbm4b:s6+s3], $0x80, v3, vm0, $0xb8;
	[tilespmem:$0x18200] =	vst v63  }
0x18f: {  	s22 =	simm.s32 $0x3A00  }
0x190: {  	[tilespmem:s22], [sflag:$0x1] =	stream.indirect_vreg.gather [hbm4b:s7+s3], $0x80, v3, vm0, $0xb8;
	[tilespmem:$0x18200] =	vst v63  }
0x191: {  	_ =	swait.ge [sflag:s12], $0x4000  }
0x192: {  	[sflag:s12] =	ssyncset.done $0x0  }
0x193: {  	s23 =	rddreg [dreg:$0xf];
	[sflag:s12] =	ssyncadd.s32 $0xFFFFC000  }
0x194: {  	[hbm4b:s23+s3] =	stream.linear.scatter [tilespmem:s2], [sflag:$0xC], $0x4000, $0x38;
	[tilespmem:$0x18200] =	vst v63  }
0x195: {  	_ =	swait.ge [sflag:s13], $0x4000  }
0x196: {  	[sflag:s13] =	ssyncset.done $0x0  }
0x197: {  	[sflag:s13] =	ssyncadd.s32 $0xFFFFC000  }
0x198: {  	v3 =	vld [tilespmem:$0xD0];
	_ =	sdelay $0x4  }
0x199: {  	v45 =	vshll.u32 v3, $0x3  }
0x19a: {  	v3 =	vand.u32 $0x7, v3;
	v4 =	vand.u32 $0xFFFFFFC0, v45  }
0x19b: {  	v3 =	vor.u32 v3, v4  }
0x19c: {  	v4 =	vperm.xlane v3, v0;
	_ =	sdelay $0x1  }
0x19d: {  	v4 =	vadd.s32 v1, v4;
	_ =	sdelay $0x3  }
0x19e: {  	s0 =	simm.s32 $0x4200  }
0x19f: {  	[tilespmem:s0], [sflag:$0x2] =	stream.indirect_vreg.gather [hbm4b:s1+s3], $0x80, v4, vm0, $0xb8;
	[tilespmem:$0x18200] =	vst v63  }
0x1a0: {  	s28 =	simm.s32 $0x4A00;
	v3 =	vperm.xlane v3, v2  }
0x1a1: {  	[tilespmem:s28], [sflag:$0x2] =	stream.indirect_vreg.gather [hbm4b:s5+s3], $0x80, v4, vm0, $0xb8;
	[tilespmem:$0x18200] =	vst v63  }
0x1a2: {  	s19 =	simm.s32 $0x5200;
	v3 =	vadd.s32 v1, v3  }
0x1a3: {  	[tilespmem:s19], [sflag:$0x2] =	stream.indirect_vreg.gather [hbm4b:s6+s3], $0x80, v4, vm0, $0xb8;
	[tilespmem:$0x18200] =	vst v63  }
0x1a4: {  	s20 =	simm.s32 $0x5A00  }
0x1a5: {  	[tilespmem:s20], [sflag:$0x2] =	stream.indirect_vreg.gather [hbm4b:s7+s3], $0x80, v4, vm0, $0xb8;
	[tilespmem:$0x18200] =	vst v63  }
0x1a6: {  	s21 =	simm.s32 $0x6200  }
0x1a7: {  	[tilespmem:s21], [sflag:$0x2] =	stream.indirect_vreg.gather [hbm4b:s1+s3], $0x80, v3, vm0, $0xb8;
	[tilespmem:$0x18200] =	vst v63  }
0x1a8: {  	s22 =	simm.s32 $0x6A00  }
0x1a9: {  	[tilespmem:s22], [sflag:$0x2] =	stream.indirect_vreg.gather [hbm4b:s5+s3], $0x80, v3, vm0, $0xb8;
	[tilespmem:$0x18200] =	vst v63  }
0x1aa: {  	s23 =	simm.s32 $0x7200  }
0x1ab: {  	[tilespmem:s23], [sflag:$0x2] =	stream.indirect_vreg.gather [hbm4b:s6+s3], $0x80, v3, vm0, $0xb8;
	[tilespmem:$0x18200] =	vst v63  }
0x1ac: {  	s28 =	simm.s32 $0x7A00  }
0x1ad: {  	[tilespmem:s28], [sflag:$0x2] =	stream.indirect_vreg.gather [hbm4b:s7+s3], $0x80, v3, vm0, $0xb8;
	[tilespmem:$0x18200] =	vst v63  }
0x1ae: {  	_ =	swait.ge [sflag:s26], $0x4000  }
0x1af: {  	[sflag:s26] =	ssyncset.done $0x0  }
0x1b0: {  	s2 =	rddreg [dreg:$0x10];
	[sflag:s26] =	ssyncadd.s32 $0xFFFFC000  }
0x1b1: {  	[hbm4b:s2+s3] =	stream.linear.scatter [tilespmem:s10], [sflag:$0x7], $0x4000, $0x38;
	[tilespmem:$0x18200] =	vst v63  }
0x1b2: {  	_ =	swait.ge [sflag:s14], $0x4000  }
0x1b3: {  	[sflag:s14] =	ssyncset.done $0x0  }
0x1b4: {  	[sflag:s14] =	ssyncadd.s32 $0xFFFFC000  }
0x1b5: {  	v3 =	vld [tilespmem:$0xE0];
	_ =	sdelay $0x4  }
0x1b6: {  	v46 =	vshll.u32 v3, $0x3  }
0x1b7: {  	v3 =	vand.u32 $0x7, v3;
	v4 =	vand.u32 $0xFFFFFFC0, v46  }
0x1b8: {  	v3 =	vor.u32 v3, v4  }
0x1b9: {  	v4 =	vperm.xlane v3, v0;
	_ =	sdelay $0x1  }
0x1ba: {  	v4 =	vadd.s32 v1, v4;
	_ =	sdelay $0x3  }
0x1bb: {  	s2 =	simm.s32 $0x8200  }
0x1bc: {  	[tilespmem:s2], [sflag:$0x3] =	stream.indirect_vreg.gather [hbm4b:s1+s3], $0x80, v4, vm0, $0xb8;
	[tilespmem:$0x18200] =	vst v63  }
0x1bd: {  	s20 =	simm.s32 $0x8A00;
	v3 =	vperm.xlane v3, v2  }
0x1be: {  	[tilespmem:s20], [sflag:$0x3] =	stream.indirect_vreg.gather [hbm4b:s5+s3], $0x80, v4, vm0, $0xb8;
	[tilespmem:$0x18200] =	vst v63  }
0x1bf: {  	v3 =	vadd.s32 v1, v3;
	s20 =	simm.s32 $0x9200  }
0x1c0: {  	[tilespmem:s20], [sflag:$0x3] =	stream.indirect_vreg.gather [hbm4b:s6+s3], $0x80, v4, vm0, $0xb8;
	[tilespmem:$0x18200] =	vst v63  }
0x1c1: {  	s22 =	simm.s32 $0x9A00  }
0x1c2: {  	[tilespmem:s22], [sflag:$0x3] =	stream.indirect_vreg.gather [hbm4b:s7+s3], $0x80, v4, vm0, $0xb8;
	[tilespmem:$0x18200] =	vst v63  }
0x1c3: {  	s23 =	simm.s32 $0xA200  }
0x1c4: {  	[tilespmem:s23], [sflag:$0x3] =	stream.indirect_vreg.gather [hbm4b:s1+s3], $0x80, v3, vm0, $0xb8;
	[tilespmem:$0x18200] =	vst v63  }
0x1c5: {  	s28 =	simm.s32 $0xAA00  }
0x1c6: {  	[tilespmem:s28], [sflag:$0x3] =	stream.indirect_vreg.gather [hbm4b:s5+s3], $0x80, v3, vm0, $0xb8;
	[tilespmem:$0x18200] =	vst v63  }
0x1c7: {  	s21 =	simm.s32 $0xB200  }
0x1c8: {  	[tilespmem:s21], [sflag:$0x3] =	stream.indirect_vreg.gather [hbm4b:s6+s3], $0x80, v3, vm0, $0xb8;
	[tilespmem:$0x18200] =	vst v63  }
0x1c9: {  	s21 =	simm.s32 $0xBA00  }
0x1ca: {  	[tilespmem:s21], [sflag:$0x3] =	stream.indirect_vreg.gather [hbm4b:s7+s3], $0x80, v3, vm0, $0xb8;
	[tilespmem:$0x18200] =	vst v63  }
0x1cb: {  	_ =	swait.ge [sflag:s29], $0x4000  }
0x1cc: {  	[sflag:s29] =	ssyncset.done $0x0  }
0x1cd: {  	s21 =	rddreg [dreg:$0x11];
	[sflag:s29] =	ssyncadd.s32 $0xFFFFC000  }
0x1ce: {  	[hbm4b:s21+s3] =	stream.linear.scatter [tilespmem:s0], [sflag:$0x8], $0x4000, $0x38;
	[tilespmem:$0x18200] =	vst v63  }
0x1cf: {  	_ =	swait.ge [sflag:s15], $0x4000  }
0x1d0: {  	[sflag:s15] =	ssyncset.done $0x0  }
0x1d1: {  	[sflag:s15] =	ssyncadd.s32 $0xFFFFC000  }
0x1d2: {  	v3 =	vld [tilespmem:$0xF0];
	_ =	sdelay $0x4  }
0x1d3: {  	v47 =	vshll.u32 v3, $0x3  }
0x1d4: {  	v3 =	vand.u32 $0x7, v3;
	v4 =	vand.u32 $0xFFFFFFC0, v47  }
0x1d5: {  	v3 =	vor.u32 v3, v4  }
0x1d6: {  	v4 =	vperm.xlane v3, v0;
	_ =	sdelay $0x1  }
0x1d7: {  	v4 =	vadd.s32 v1, v4;
	_ =	sdelay $0x3  }
0x1d8: {  	s8 =	simm.s32 $0xC200  }
0x1d9: {  	[tilespmem:s8], [sflag:$0x4] =	stream.indirect_vreg.gather [hbm4b:s1+s3], $0x80, v4, vm0, $0xb8;
	[tilespmem:$0x18200] =	vst v63  }
0x1da: {  	s21 =	simm.s32 $0xCA00;
	v3 =	vperm.xlane v3, v2  }
0x1db: {  	[tilespmem:s21], [sflag:$0x4] =	stream.indirect_vreg.gather [hbm4b:s5+s3], $0x80, v4, vm0, $0xb8;
	[tilespmem:$0x18200] =	vst v63  }
0x1dc: {  	s19 =	simm.s32 $0xD200;
	v3 =	vadd.s32 v1, v3  }
0x1dd: {  	[tilespmem:s19], [sflag:$0x4] =	stream.indirect_vreg.gather [hbm4b:s6+s3], $0x80, v4, vm0, $0xb8;
	[tilespmem:$0x18200] =	vst v63  }
0x1de: {  	s21 =	simm.s32 $0xDA00  }
0x1df: {  	[tilespmem:s21], [sflag:$0x4] =	stream.indirect_vreg.gather [hbm4b:s7+s3], $0x80, v4, vm0, $0xb8;
	[tilespmem:$0x18200] =	vst v63  }
0x1e0: {  	s19 =	simm.s32 $0xE200  }
0x1e1: {  	[tilespmem:s19], [sflag:$0x4] =	stream.indirect_vreg.gather [hbm4b:s1+s3], $0x80, v3, vm0, $0xb8;
	[tilespmem:$0x18200] =	vst v63  }
0x1e2: {  	_ = 	snop  }
0x1e3: {  	[tilespmem:s30], [sflag:$0x4] =	stream.indirect_vreg.gather [hbm4b:s5+s3], $0x80, v3, vm0, $0xb8;
	[tilespmem:$0x18200] =	vst v63  }
0x1e4: {  	s30 =	simm.s32 $0xF200  }
0x1e5: {  	[tilespmem:s30], [sflag:$0x4] =	stream.indirect_vreg.gather [hbm4b:s6+s3], $0x80, v3, vm0, $0xb8;
	[tilespmem:$0x18200] =	vst v63  }
0x1e6: {  	s21 =	simm.s32 $0xFA00  }
0x1e7: {  	[tilespmem:s21], [sflag:$0x4] =	stream.indirect_vreg.gather [hbm4b:s7+s3], $0x80, v3, vm0, $0xb8;
	[tilespmem:$0x18200] =	vst v63  }
0x1e8: {  	_ =	swait.ge [sflag:s18], $0x4000  }
0x1e9: {  	[sflag:s18] =	ssyncset.done $0x0  }
0x1ea: {  	s0 =	rddreg [dreg:$0x12];
	[sflag:s18] =	ssyncadd.s32 $0xFFFFC000  }
0x1eb: {  	[hbm4b:s0+s3] =	stream.linear.scatter [tilespmem:s2], [sflag:$0x9], $0x4000, $0x38;
	[tilespmem:$0x18200] =	vst v63  }
0x1ec: {  	_ =	swait.ge [sflag:s16], $0x4000  }
0x1ed: {  	[sflag:s16] =	ssyncset.done $0x0  }
0x1ee: {  	[sflag:s16] =	ssyncadd.s32 $0xFFFFC000  }
0x1ef: {  	v3 =	vld [tilespmem:$0x100];
	_ =	sdelay $0x4  }
0x1f0: {  	v48 =	vshll.u32 v3, $0x3  }
0x1f1: {  	v3 =	vand.u32 $0x7, v3;
	v4 =	vand.u32 $0xFFFFFFC0, v48  }
0x1f2: {  	v3 =	vor.u32 v3, v4  }
0x1f3: {  	v4 =	vperm.xlane v3, v0;
	_ =	sdelay $0x1  }
0x1f4: {  	v4 =	vadd.s32 v1, v4;
	_ =	sdelay $0x3  }
0x1f5: {  	s9 =	simm.s32 $0x10200  }
0x1f6: {  	[tilespmem:s9], [sflag:$0x5] =	stream.indirect_vreg.gather [hbm4b:s1+s3], $0x80, v4, vm0, $0xb8;
	[tilespmem:$0x18200] =	vst v63  }
0x1f7: {  	s19 =	simm.s32 $0x10A00;
	v3 =	vperm.xlane v3, v2  }
0x1f8: {  	[tilespmem:s19], [sflag:$0x5] =	stream.indirect_vreg.gather [hbm4b:s5+s3], $0x80, v4, vm0, $0xb8;
	[tilespmem:$0x18200] =	vst v63  }
0x1f9: {  	v3 =	vadd.s32 v1, v3  }
0x1fa: {  	[tilespmem:s24], [sflag:$0x5] =	stream.indirect_vreg.gather [hbm4b:s6+s3], $0x80, v4, vm0, $0xb8;
	[tilespmem:$0x18200] =	vst v63  }
0x1fb: {  	_ = 	snop  }
0x1fc: {  	[tilespmem:s25], [sflag:$0x5] =	stream.indirect_vreg.gather [hbm4b:s7+s3], $0x80, v4, vm0, $0xb8;
	[tilespmem:$0x18200] =	vst v63  }
0x1fd: {  	s21 =	simm.s32 $0x12200  }
0x1fe: {  	[tilespmem:s21], [sflag:$0x5] =	stream.indirect_vreg.gather [hbm4b:s1+s3], $0x80, v3, vm0, $0xb8;
	[tilespmem:$0x18200] =	vst v63  }
0x1ff: {  	s24 =	simm.s32 $0x12A00  }
0x200: {  	[tilespmem:s24], [sflag:$0x5] =	stream.indirect_vreg.gather [hbm4b:s5+s3], $0x80, v3, vm0, $0xb8;
	[tilespmem:$0x18200] =	vst v63  }
0x201: {  	s21 =	simm.s32 $0x13200  }
0x202: {  	[tilespmem:s21], [sflag:$0x5] =	stream.indirect_vreg.gather [hbm4b:s6+s3], $0x80, v3, vm0, $0xb8;
	[tilespmem:$0x18200] =	vst v63  }
0x203: {  	s25 =	simm.s32 $0x13A00  }
0x204: {  	[tilespmem:s25], [sflag:$0x5] =	stream.indirect_vreg.gather [hbm4b:s7+s3], $0x80, v3, vm0, $0xb8;
	[tilespmem:$0x18200] =	vst v63  }
0x205: {  	_ =	swait.ge [sflag:s31], $0x4000  }
0x206: {  	[sflag:s31] =	ssyncset.done $0x0  }
0x207: {  	s2 =	rddreg [dreg:$0x13];
	[sflag:s31] =	ssyncadd.s32 $0xFFFFC000  }
0x208: {  	[hbm4b:s2+s3] =	stream.linear.scatter [tilespmem:s8], [sflag:$0xA], $0x4000, $0x38;
	[tilespmem:$0x18200] =	vst v63  }
0x209: {  	_ =	swait.ge [sflag:s17], $0x4000  }
0x20a: {  	[sflag:s17] =	ssyncset.done $0x0  }
0x20b: {  	[sflag:s17] =	ssyncadd.s32 $0xFFFFC000  }
0x20c: {  	v3 =	vld [tilespmem:$0x110];
	_ =	sdelay $0x4  }
0x20d: {  	v49 =	vshll.u32 v3, $0x3  }
0x20e: {  	v3 =	vand.u32 $0x7, v3;
	v4 =	vand.u32 $0xFFFFFFC0, v49  }
0x20f: {  	v3 =	vor.u32 v3, v4  }
0x210: {  	v4 =	vperm.xlane v3, v0;
	_ =	sdelay $0x1  }
0x211: {  	v4 =	vadd.s32 v1, v4;
	_ =	sdelay $0x3  }
0x212: {  	s0 =	simm.s32 $0x14200  }
0x213: {  	[tilespmem:s0], [sflag:$0x6] =	stream.indirect_vreg.gather [hbm4b:s1+s3], $0x80, v4, vm0, $0xb8;
	[tilespmem:$0x18200] =	vst v63  }
0x214: {  	s19 =	simm.s32 $0x14A00;
	v3 =	vperm.xlane v3, v2  }
0x215: {  	[tilespmem:s19], [sflag:$0x6] =	stream.indirect_vreg.gather [hbm4b:s5+s3], $0x80, v4, vm0, $0xb8;
	[tilespmem:$0x18200] =	vst v63  }
0x216: {  	s25 =	simm.s32 $0x15200;
	v3 =	vadd.s32 v1, v3  }
0x217: {  	[tilespmem:s25], [sflag:$0x6] =	stream.indirect_vreg.gather [hbm4b:s6+s3], $0x80, v4, vm0, $0xb8;
	[tilespmem:$0x18200] =	vst v63  }
0x218: {  	s24 =	simm.s32 $0x15A00  }
0x219: {  	[tilespmem:s24], [sflag:$0x6] =	stream.indirect_vreg.gather [hbm4b:s7+s3], $0x80, v4, vm0, $0xb8;
	[tilespmem:$0x18200] =	vst v63  }
0x21a: {  	s2 =	simm.s32 $0x16200  }
0x21b: {  	[tilespmem:s2], [sflag:$0x6] =	stream.indirect_vreg.gather [hbm4b:s1+s3], $0x80, v3, vm0, $0xb8;
	[tilespmem:$0x18200] =	vst v63  }
0x21c: {  	s19 =	simm.s32 $0x16A00  }
0x21d: {  	[tilespmem:s19], [sflag:$0x6] =	stream.indirect_vreg.gather [hbm4b:s5+s3], $0x80, v3, vm0, $0xb8;
	[tilespmem:$0x18200] =	vst v63  }
0x21e: {  	s24 =	simm.s32 $0x17200  }
0x21f: {  	[tilespmem:s24], [sflag:$0x6] =	stream.indirect_vreg.gather [hbm4b:s6+s3], $0x80, v3, vm0, $0xb8;
	[tilespmem:$0x18200] =	vst v63  }
0x220: {  	s2 =	simm.s32 $0x17A00  }
0x221: {  	[tilespmem:s2], [sflag:$0x6] =	stream.indirect_vreg.gather [hbm4b:s7+s3], $0x80, v3, vm0, $0xb8;
	[tilespmem:$0x18200] =	vst v63  }
0x222: {  	_ =	swait.ge [sflag:s4], $0x4000  }
0x223: {  	[sflag:s4] =	ssyncset.done $0x0  }
0x224: {  	s8 =	rddreg [dreg:$0x14];
	[sflag:s4] =	ssyncadd.s32 $0xFFFFC000  }
0x225: {  	[hbm4b:s8+s3] =	stream.linear.scatter [tilespmem:s9], [sflag:$0xB], $0x4000, $0x38;
	[tilespmem:$0x18200] =	vst v63  }
0x226: {  	_ =	swait.ge [sflag:s11], $0x4000  }
0x227: {  	[sflag:s11] =	ssyncset.done $0x0  }
0x228: {  	[sflag:s11] =	ssyncadd.s32 $0xFFFFC000  }
0x229: {  	v3 =	vld [tilespmem:$0x120];
	_ =	sdelay $0x4  }
0x22a: {  	v50 =	vshll.u32 v3, $0x3  }
0x22b: {  	v3 =	vand.u32 $0x7, v3;
	v4 =	vand.u32 $0xFFFFFFC0, v50  }
0x22c: {  	v3 =	vor.u32 v3, v4  }
0x22d: {  	v4 =	vperm.xlane v3, v0;
	_ =	sdelay $0x1  }
0x22e: {  	v4 =	vadd.s32 v1, v4;
	_ =	sdelay $0x3  }
0x22f: {  	s10 =	simm.s32 $0x200  }
0x230: {  	[tilespmem:s10], [sflag:$0x1] =	stream.indirect_vreg.gather [hbm4b:s1+s3], $0x80, v4, vm0, $0xb8;
	[tilespmem:$0x18200] =	vst v63  }
0x231: {  	s9 =	simm.s32 $0xA00;
	v3 =	vperm.xlane v3, v2  }
0x232: {  	[tilespmem:s9], [sflag:$0x1] =	stream.indirect_vreg.gather [hbm4b:s5+s3], $0x80, v4, vm0, $0xb8;
	[tilespmem:$0x18200] =	vst v63  }
0x233: {  	s8 =	simm.s32 $0x1200;
	v3 =	vadd.s32 v1, v3  }
0x234: {  	[tilespmem:s8], [sflag:$0x1] =	stream.indirect_vreg.gather [hbm4b:s6+s3], $0x80, v4, vm0, $0xb8;
	[tilespmem:$0x18200] =	vst v63  }
0x235: {  	s19 =	simm.s32 $0x1A00  }
0x236: {  	[tilespmem:s19], [sflag:$0x1] =	stream.indirect_vreg.gather [hbm4b:s7+s3], $0x80, v4, vm0, $0xb8;
	[tilespmem:$0x18200] =	vst v63  }
0x237: {  	s24 =	simm.s32 $0x2200  }
0x238: {  	[tilespmem:s24], [sflag:$0x1] =	stream.indirect_vreg.gather [hbm4b:s1+s3], $0x80, v3, vm0, $0xb8;
	[tilespmem:$0x18200] =	vst v63  }
0x239: {  	s24 =	simm.s32 $0x2A00  }
0x23a: {  	[tilespmem:s24], [sflag:$0x1] =	stream.indirect_vreg.gather [hbm4b:s5+s3], $0x80, v3, vm0, $0xb8;
	[tilespmem:$0x18200] =	vst v63  }
0x23b: {  	s9 =	simm.s32 $0x3200  }
0x23c: {  	[tilespmem:s9], [sflag:$0x1] =	stream.indirect_vreg.gather [hbm4b:s6+s3], $0x80, v3, vm0, $0xb8;
	[tilespmem:$0x18200] =	vst v63  }
0x23d: {  	s2 =	simm.s32 $0x3A00  }
0x23e: {  	[tilespmem:s2], [sflag:$0x1] =	stream.indirect_vreg.gather [hbm4b:s7+s3], $0x80, v3, vm0, $0xb8;
	[tilespmem:$0x18200] =	vst v63  }
0x23f: {  	_ =	swait.ge [sflag:s12], $0x4000  }
0x240: {  	[sflag:s12] =	ssyncset.done $0x0  }
0x241: {  	s9 =	rddreg [dreg:$0x15];
	[sflag:s12] =	ssyncadd.s32 $0xFFFFC000  }
0x242: {  	[hbm4b:s9+s3] =	stream.linear.scatter [tilespmem:s0], [sflag:$0xC], $0x4000, $0x38;
	[tilespmem:$0x18200] =	vst v63  }
0x243: {  	_ =	swait.ge [sflag:s13], $0x4000  }
0x244: {  	[sflag:s13] =	ssyncset.done $0x0  }
0x245: {  	[sflag:s13] =	ssyncadd.s32 $0xFFFFC000  }
0x246: {  	v3 =	vld [tilespmem:$0x130];
	_ =	sdelay $0x4  }
0x247: {  	v51 =	vshll.u32 v3, $0x3  }
0x248: {  	v3 =	vand.u32 $0x7, v3;
	v4 =	vand.u32 $0xFFFFFFC0, v51  }
0x249: {  	v3 =	vor.u32 v3, v4  }
0x24a: {  	v4 =	vperm.xlane v3, v0;
	_ =	sdelay $0x1  }
0x24b: {  	v4 =	vadd.s32 v1, v4;
	_ =	sdelay $0x3  }
0x24c: {  	s0 =	simm.s32 $0x4200  }
0x24d: {  	[tilespmem:s0], [sflag:$0x2] =	stream.indirect_vreg.gather [hbm4b:s1+s3], $0x80, v4, vm0, $0xb8;
	[tilespmem:$0x18200] =	vst v63  }
0x24e: {  	s2 =	simm.s32 $0x4A00;
	v3 =	vperm.xlane v3, v2  }
0x24f: {  	[tilespmem:s2], [sflag:$0x2] =	stream.indirect_vreg.gather [hbm4b:s5+s3], $0x80, v4, vm0, $0xb8;
	[tilespmem:$0x18200] =	vst v63  }
0x250: {  	s9 =	simm.s32 $0x5200;
	v3 =	vadd.s32 v1, v3  }
0x251: {  	[tilespmem:s9], [sflag:$0x2] =	stream.indirect_vreg.gather [hbm4b:s6+s3], $0x80, v4, vm0, $0xb8;
	[tilespmem:$0x18200] =	vst v63  }
0x252: {  	s2 =	simm.s32 $0x5A00  }
0x253: {  	[tilespmem:s2], [sflag:$0x2] =	stream.indirect_vreg.gather [hbm4b:s7+s3], $0x80, v4, vm0, $0xb8;
	[tilespmem:$0x18200] =	vst v63  }
0x254: {  	s9 =	simm.s32 $0x6200  }
0x255: {  	[tilespmem:s9], [sflag:$0x2] =	stream.indirect_vreg.gather [hbm4b:s1+s3], $0x80, v3, vm0, $0xb8;
	[tilespmem:$0x18200] =	vst v63  }
0x256: {  	s2 =	simm.s32 $0x6A00  }
0x257: {  	[tilespmem:s2], [sflag:$0x2] =	stream.indirect_vreg.gather [hbm4b:s5+s3], $0x80, v3, vm0, $0xb8;
	[tilespmem:$0x18200] =	vst v63  }
0x258: {  	s9 =	simm.s32 $0x7200  }
0x259: {  	[tilespmem:s9], [sflag:$0x2] =	stream.indirect_vreg.gather [hbm4b:s6+s3], $0x80, v3, vm0, $0xb8;
	[tilespmem:$0x18200] =	vst v63  }
0x25a: {  	s2 =	simm.s32 $0x7A00  }
0x25b: {  	[tilespmem:s2], [sflag:$0x2] =	stream.indirect_vreg.gather [hbm4b:s7+s3], $0x80, v3, vm0, $0xb8;
	[tilespmem:$0x18200] =	vst v63  }
0x25c: {  	_ =	swait.ge [sflag:s26], $0x4000  }
0x25d: {  	[sflag:s26] =	ssyncset.done $0x0  }
0x25e: {  	s9 =	rddreg [dreg:$0x16];
	[sflag:s26] =	ssyncadd.s32 $0xFFFFC000  }
0x25f: {  	[hbm4b:s9+s3] =	stream.linear.scatter [tilespmem:s10], [sflag:$0x7], $0x4000, $0x38;
	[tilespmem:$0x18200] =	vst v63  }
0x260: {  	_ =	swait.ge [sflag:s14], $0x4000  }
0x261: {  	[sflag:s14] =	ssyncset.done $0x0  }
0x262: {  	[sflag:s14] =	ssyncadd.s32 $0xFFFFC000  }
0x263: {  	v3 =	vld [tilespmem:$0x140];
	_ =	sdelay $0x4  }
0x264: {  	v52 =	vshll.u32 v3, $0x3  }
0x265: {  	v3 =	vand.u32 $0x7, v3;
	v4 =	vand.u32 $0xFFFFFFC0, v52  }
0x266: {  	v3 =	vor.u32 v3, v4  }
0x267: {  	v4 =	vperm.xlane v3, v0;
	_ =	sdelay $0x1  }
0x268: {  	v4 =	vadd.s32 v1, v4;
	_ =	sdelay $0x3  }
0x269: {  	s9 =	simm.s32 $0x8200  }
0x26a: {  	[tilespmem:s9], [sflag:$0x3] =	stream.indirect_vreg.gather [hbm4b:s1+s3], $0x80, v4, vm0, $0xb8;
	[tilespmem:$0x18200] =	vst v63  }
0x26b: {  	s19 =	simm.s32 $0x8A00;
	v3 =	vperm.xlane v3, v2  }
0x26c: {  	[tilespmem:s19], [sflag:$0x3] =	stream.indirect_vreg.gather [hbm4b:s5+s3], $0x80, v4, vm0, $0xb8;
	[tilespmem:$0x18200] =	vst v63  }
0x26d: {  	v3 =	vadd.s32 v1, v3  }
0x26e: {  	[tilespmem:s20], [sflag:$0x3] =	stream.indirect_vreg.gather [hbm4b:s6+s3], $0x80, v4, vm0, $0xb8;
	[tilespmem:$0x18200] =	vst v63  }
0x26f: {  	_ = 	snop  }
0x270: {  	[tilespmem:s22], [sflag:$0x3] =	stream.indirect_vreg.gather [hbm4b:s7+s3], $0x80, v4, vm0, $0xb8;
	[tilespmem:$0x18200] =	vst v63  }
0x271: {  	_ = 	snop  }
0x272: {  	[tilespmem:s23], [sflag:$0x3] =	stream.indirect_vreg.gather [hbm4b:s1+s3], $0x80, v3, vm0, $0xb8;
	[tilespmem:$0x18200] =	vst v63  }
0x273: {  	_ = 	snop  }
0x274: {  	[tilespmem:s28], [sflag:$0x3] =	stream.indirect_vreg.gather [hbm4b:s5+s3], $0x80, v3, vm0, $0xb8;
	[tilespmem:$0x18200] =	vst v63  }
0x275: {  	s20 =	simm.s32 $0xB200  }
0x276: {  	[tilespmem:s20], [sflag:$0x3] =	stream.indirect_vreg.gather [hbm4b:s6+s3], $0x80, v3, vm0, $0xb8;
	[tilespmem:$0x18200] =	vst v63  }
0x277: {  	s22 =	simm.s32 $0xBA00  }
0x278: {  	[tilespmem:s22], [sflag:$0x3] =	stream.indirect_vreg.gather [hbm4b:s7+s3], $0x80, v3, vm0, $0xb8;
	[tilespmem:$0x18200] =	vst v63  }
0x279: {  	_ =	swait.ge [sflag:s29], $0x4000  }
0x27a: {  	[sflag:s29] =	ssyncset.done $0x0  }
0x27b: {  	s2 =	rddreg [dreg:$0x17];
	[sflag:s29] =	ssyncadd.s32 $0xFFFFC000  }
0x27c: {  	[hbm4b:s2+s3] =	stream.linear.scatter [tilespmem:s0], [sflag:$0x8], $0x4000, $0x38;
	[tilespmem:$0x18200] =	vst v63  }
0x27d: {  	_ =	swait.ge [sflag:s15], $0x4000  }
0x27e: {  	[sflag:s15] =	ssyncset.done $0x0  }
0x27f: {  	[sflag:s15] =	ssyncadd.s32 $0xFFFFC000  }
0x280: {  	v3 =	vld [tilespmem:$0x150];
	_ =	sdelay $0x4  }
0x281: {  	v53 =	vshll.u32 v3, $0x3  }
0x282: {  	v3 =	vand.u32 $0x7, v3;
	v4 =	vand.u32 $0xFFFFFFC0, v53  }
0x283: {  	v3 =	vor.u32 v3, v4  }
0x284: {  	v4 =	vperm.xlane v3, v0;
	_ =	sdelay $0x1  }
0x285: {  	v4 =	vadd.s32 v1, v4;
	_ =	sdelay $0x3  }
0x286: {  	s2 =	simm.s32 $0xC200  }
0x287: {  	[tilespmem:s2], [sflag:$0x4] =	stream.indirect_vreg.gather [hbm4b:s1+s3], $0x80, v4, vm0, $0xb8;
	[tilespmem:$0x18200] =	vst v63  }
0x288: {  	s10 =	simm.s32 $0xCA00;
	v3 =	vperm.xlane v3, v2  }
0x289: {  	[tilespmem:s10], [sflag:$0x4] =	stream.indirect_vreg.gather [hbm4b:s5+s3], $0x80, v4, vm0, $0xb8;
	[tilespmem:$0x18200] =	vst v63  }
0x28a: {  	s19 =	simm.s32 $0xD200;
	v3 =	vadd.s32 v1, v3  }
0x28b: {  	[tilespmem:s19], [sflag:$0x4] =	stream.indirect_vreg.gather [hbm4b:s6+s3], $0x80, v4, vm0, $0xb8;
	[tilespmem:$0x18200] =	vst v63  }
0x28c: {  	s20 =	simm.s32 $0xDA00  }
0x28d: {  	[tilespmem:s20], [sflag:$0x4] =	stream.indirect_vreg.gather [hbm4b:s7+s3], $0x80, v4, vm0, $0xb8;
	[tilespmem:$0x18200] =	vst v63  }
0x28e: {  	s10 =	simm.s32 $0xE200  }
0x28f: {  	[tilespmem:s10], [sflag:$0x4] =	stream.indirect_vreg.gather [hbm4b:s1+s3], $0x80, v3, vm0, $0xb8;
	[tilespmem:$0x18200] =	vst v63  }
0x290: {  	s19 =	simm.s32 $0xEA00  }
0x291: {  	[tilespmem:s19], [sflag:$0x4] =	stream.indirect_vreg.gather [hbm4b:s5+s3], $0x80, v3, vm0, $0xb8;
	[tilespmem:$0x18200] =	vst v63  }
0x292: {  	_ = 	snop  }
0x293: {  	[tilespmem:s30], [sflag:$0x4] =	stream.indirect_vreg.gather [hbm4b:s6+s3], $0x80, v3, vm0, $0xb8;
	[tilespmem:$0x18200] =	vst v63  }
0x294: {  	s20 =	simm.s32 $0xFA00  }
0x295: {  	[tilespmem:s20], [sflag:$0x4] =	stream.indirect_vreg.gather [hbm4b:s7+s3], $0x80, v3, vm0, $0xb8;
	[tilespmem:$0x18200] =	vst v63  }
0x296: {  	_ =	swait.ge [sflag:s18], $0x4000  }
0x297: {  	[sflag:s18] =	ssyncset.done $0x0  }
0x298: {  	s0 =	rddreg [dreg:$0x18];
	[sflag:s18] =	ssyncadd.s32 $0xFFFFC000  }
0x299: {  	[hbm4b:s0+s3] =	stream.linear.scatter [tilespmem:s9], [sflag:$0x9], $0x4000, $0x38;
	[tilespmem:$0x18200] =	vst v63  }
0x29a: {  	_ =	swait.ge [sflag:s16], $0x4000  }
0x29b: {  	[sflag:s16] =	ssyncset.done $0x0  }
0x29c: {  	[sflag:s16] =	ssyncadd.s32 $0xFFFFC000  }
0x29d: {  	v3 =	vld [tilespmem:$0x160];
	_ =	sdelay $0x4  }
0x29e: {  	v54 =	vshll.u32 v3, $0x3  }
0x29f: {  	v3 =	vand.u32 $0x7, v3;
	v4 =	vand.u32 $0xFFFFFFC0, v54  }
0x2a0: {  	v3 =	vor.u32 v3, v4  }
0x2a1: {  	v4 =	vperm.xlane v3, v0;
	_ =	sdelay $0x1  }
0x2a2: {  	v4 =	vadd.s32 v1, v4;
	_ =	sdelay $0x3  }
0x2a3: {  	s0 =	simm.s32 $0x10200  }
0x2a4: {  	[tilespmem:s0], [sflag:$0x5] =	stream.indirect_vreg.gather [hbm4b:s1+s3], $0x80, v4, vm0, $0xb8;
	[tilespmem:$0x18200] =	vst v63  }
0x2a5: {  	s9 =	simm.s32 $0x10A00;
	v3 =	vperm.xlane v3, v2  }
0x2a6: {  	[tilespmem:s9], [sflag:$0x5] =	stream.indirect_vreg.gather [hbm4b:s5+s3], $0x80, v4, vm0, $0xb8;
	[tilespmem:$0x18200] =	vst v63  }
0x2a7: {  	s10 =	simm.s32 $0x11200;
	v3 =	vadd.s32 v1, v3  }
0x2a8: {  	[tilespmem:s10], [sflag:$0x5] =	stream.indirect_vreg.gather [hbm4b:s6+s3], $0x80, v4, vm0, $0xb8;
	[tilespmem:$0x18200] =	vst v63  }
0x2a9: {  	s9 =	simm.s32 $0x11A00  }
0x2aa: {  	[tilespmem:s9], [sflag:$0x5] =	stream.indirect_vreg.gather [hbm4b:s7+s3], $0x80, v4, vm0, $0xb8;
	[tilespmem:$0x18200] =	vst v63  }
0x2ab: {  	s10 =	simm.s32 $0x12200  }
0x2ac: {  	[tilespmem:s10], [sflag:$0x5] =	stream.indirect_vreg.gather [hbm4b:s1+s3], $0x80, v3, vm0, $0xb8;
	[tilespmem:$0x18200] =	vst v63  }
0x2ad: {  	s19 =	simm.s32 $0x12A00  }
0x2ae: {  	[tilespmem:s19], [sflag:$0x5] =	stream.indirect_vreg.gather [hbm4b:s5+s3], $0x80, v3, vm0, $0xb8;
	[tilespmem:$0x18200] =	vst v63  }
0x2af: {  	_ = 	snop  }
0x2b0: {  	[tilespmem:s21], [sflag:$0x5] =	stream.indirect_vreg.gather [hbm4b:s6+s3], $0x80, v3, vm0, $0xb8;
	[tilespmem:$0x18200] =	vst v63  }
0x2b1: {  	s21 =	simm.s32 $0x13A00  }
0x2b2: {  	[tilespmem:s21], [sflag:$0x5] =	stream.indirect_vreg.gather [hbm4b:s7+s3], $0x80, v3, vm0, $0xb8;
	[tilespmem:$0x18200] =	vst v63  }
0x2b3: {  	_ =	swait.ge [sflag:s31], $0x4000  }
0x2b4: {  	[sflag:s31] =	ssyncset.done $0x0  }
0x2b5: {  	s9 =	rddreg [dreg:$0x19];
	[sflag:s31] =	ssyncadd.s32 $0xFFFFC000  }
0x2b6: {  	[hbm4b:s9+s3] =	stream.linear.scatter [tilespmem:s2], [sflag:$0xA], $0x4000, $0x38;
	[tilespmem:$0x18200] =	vst v63  }
0x2b7: {  	_ =	swait.ge [sflag:s17], $0x4000  }
0x2b8: {  	[sflag:s17] =	ssyncset.done $0x0  }
0x2b9: {  	[sflag:s17] =	ssyncadd.s32 $0xFFFFC000  }
0x2ba: {  	v3 =	vld [tilespmem:$0x170];
	_ =	sdelay $0x4  }
0x2bb: {  	v55 =	vshll.u32 v3, $0x3  }
0x2bc: {  	v3 =	vand.u32 $0x7, v3;
	v4 =	vand.u32 $0xFFFFFFC0, v55  }
0x2bd: {  	v3 =	vor.u32 v3, v4  }
0x2be: {  	v4 =	vperm.xlane v3, v0;
	_ =	sdelay $0x1  }
0x2bf: {  	v4 =	vadd.s32 v1, v4;
	_ =	sdelay $0x3  }
0x2c0: {  	s2 =	simm.s32 $0x14200  }
0x2c1: {  	[tilespmem:s2], [sflag:$0x6] =	stream.indirect_vreg.gather [hbm4b:s1+s3], $0x80, v4, vm0, $0xb8;
	[tilespmem:$0x18200] =	vst v63  }
0x2c2: {  	s10 =	simm.s32 $0x14A00;
	v3 =	vperm.xlane v3, v2  }
0x2c3: {  	[tilespmem:s10], [sflag:$0x6] =	stream.indirect_vreg.gather [hbm4b:s5+s3], $0x80, v4, vm0, $0xb8;
	[tilespmem:$0x18200] =	vst v63  }
0x2c4: {  	v3 =	vadd.s32 v1, v3  }
0x2c5: {  	[tilespmem:s25], [sflag:$0x6] =	stream.indirect_vreg.gather [hbm4b:s6+s3], $0x80, v4, vm0, $0xb8;
	[tilespmem:$0x18200] =	vst v63  }
0x2c6: {  	s10 =	simm.s32 $0x15A00  }
0x2c7: {  	[tilespmem:s10], [sflag:$0x6] =	stream.indirect_vreg.gather [hbm4b:s7+s3], $0x80, v4, vm0, $0xb8;
	[tilespmem:$0x18200] =	vst v63  }
0x2c8: {  	s25 =	simm.s32 $0x16200  }
0x2c9: {  	[tilespmem:s25], [sflag:$0x6] =	stream.indirect_vreg.gather [hbm4b:s1+s3], $0x80, v3, vm0, $0xb8;
	[tilespmem:$0x18200] =	vst v63  }
0x2ca: {  	s10 =	simm.s32 $0x16A00  }
0x2cb: {  	[tilespmem:s10], [sflag:$0x6] =	stream.indirect_vreg.gather [hbm4b:s5+s3], $0x80, v3, vm0, $0xb8;
	[tilespmem:$0x18200] =	vst v63  }
0x2cc: {  	s25 =	simm.s32 $0x17200  }
0x2cd: {  	[tilespmem:s25], [sflag:$0x6] =	stream.indirect_vreg.gather [hbm4b:s6+s3], $0x80, v3, vm0, $0xb8;
	[tilespmem:$0x18200] =	vst v63  }
0x2ce: {  	s10 =	simm.s32 $0x17A00  }
0x2cf: {  	[tilespmem:s10], [sflag:$0x6] =	stream.indirect_vreg.gather [hbm4b:s7+s3], $0x80, v3, vm0, $0xb8;
	[tilespmem:$0x18200] =	vst v63  }
0x2d0: {  	_ =	swait.ge [sflag:s4], $0x4000  }
0x2d1: {  	[sflag:s4] =	ssyncset.done $0x0  }
0x2d2: {  	s25 =	rddreg [dreg:$0x1a];
	[sflag:s4] =	ssyncadd.s32 $0xFFFFC000  }
0x2d3: {  	[hbm4b:s25+s3] =	stream.linear.scatter [tilespmem:s0], [sflag:$0xB], $0x4000, $0x38;
	[tilespmem:$0x18200] =	vst v63  }
0x2d4: {  	_ =	swait.ge [sflag:s11], $0x4000  }
0x2d5: {  	[sflag:s11] =	ssyncset.done $0x0  }
0x2d6: {  	[sflag:s11] =	ssyncadd.s32 $0xFFFFC000  }
0x2d7: {  	v3 =	vld [tilespmem:$0x180];
	_ =	sdelay $0x4  }
0x2d8: {  	v56 =	vshll.u32 v3, $0x3  }
0x2d9: {  	v3 =	vand.u32 $0x7, v3;
	v4 =	vand.u32 $0xFFFFFFC0, v56  }
0x2da: {  	v3 =	vor.u32 v3, v4  }
0x2db: {  	v4 =	vperm.xlane v3, v0;
	_ =	sdelay $0x1  }
0x2dc: {  	v4 =	vadd.s32 v1, v4;
	_ =	sdelay $0x3  }
0x2dd: {  	s25 =	simm.s32 $0x200  }
0x2de: {  	[tilespmem:s25], [sflag:$0x1] =	stream.indirect_vreg.gather [hbm4b:s1+s3], $0x80, v4, vm0, $0xb8;
	[tilespmem:$0x18200] =	vst v63  }
0x2df: {  	s10 =	simm.s32 $0xA00;
	v3 =	vperm.xlane v3, v2  }
0x2e0: {  	[tilespmem:s10], [sflag:$0x1] =	stream.indirect_vreg.gather [hbm4b:s5+s3], $0x80, v4, vm0, $0xb8;
	[tilespmem:$0x18200] =	vst v63  }
0x2e1: {  	v3 =	vadd.s32 v1, v3  }
0x2e2: {  	[tilespmem:s8], [sflag:$0x1] =	stream.indirect_vreg.gather [hbm4b:s6+s3], $0x80, v4, vm0, $0xb8;
	[tilespmem:$0x18200] =	vst v63  }
0x2e3: {  	s10 =	simm.s32 $0x1A00  }
0x2e4: {  	[tilespmem:s10], [sflag:$0x1] =	stream.indirect_vreg.gather [hbm4b:s7+s3], $0x80, v4, vm0, $0xb8;
	[tilespmem:$0x18200] =	vst v63  }
0x2e5: {  	s19 =	simm.s32 $0x2200  }
0x2e6: {  	[tilespmem:s19], [sflag:$0x1] =	stream.indirect_vreg.gather [hbm4b:s1+s3], $0x80, v3, vm0, $0xb8;
	[tilespmem:$0x18200] =	vst v63  }
0x2e7: {  	_ = 	snop  }
0x2e8: {  	[tilespmem:s24], [sflag:$0x1] =	stream.indirect_vreg.gather [hbm4b:s5+s3], $0x80, v3, vm0, $0xb8;
	[tilespmem:$0x18200] =	vst v63  }
0x2e9: {  	s8 =	simm.s32 $0x3200  }
0x2ea: {  	[tilespmem:s8], [sflag:$0x1] =	stream.indirect_vreg.gather [hbm4b:s6+s3], $0x80, v3, vm0, $0xb8;
	[tilespmem:$0x18200] =	vst v63  }
0x2eb: {  	s8 =	simm.s32 $0x3A00  }
0x2ec: {  	[tilespmem:s8], [sflag:$0x1] =	stream.indirect_vreg.gather [hbm4b:s7+s3], $0x80, v3, vm0, $0xb8;
	[tilespmem:$0x18200] =	vst v63  }
0x2ed: {  	_ =	swait.ge [sflag:s12], $0x4000  }
0x2ee: {  	[sflag:s12] =	ssyncset.done $0x0  }
0x2ef: {  	s8 =	rddreg [dreg:$0x1b];
	[sflag:s12] =	ssyncadd.s32 $0xFFFFC000  }
0x2f0: {  	[hbm4b:s8+s3] =	stream.linear.scatter [tilespmem:s2], [sflag:$0xC], $0x4000, $0x38;
	[tilespmem:$0x18200] =	vst v63  }
0x2f1: {  	_ =	swait.ge [sflag:s13], $0x4000  }
0x2f2: {  	[sflag:s13] =	ssyncset.done $0x0  }
0x2f3: {  	[sflag:s13] =	ssyncadd.s32 $0xFFFFC000  }
0x2f4: {  	v3 =	vld [tilespmem:$0x190];
	_ =	sdelay $0x4  }
0x2f5: {  	v57 =	vshll.u32 v3, $0x3  }
0x2f6: {  	v3 =	vand.u32 $0x7, v3;
	v4 =	vand.u32 $0xFFFFFFC0, v57  }
0x2f7: {  	v3 =	vor.u32 v3, v4  }
0x2f8: {  	v4 =	vperm.xlane v3, v0;
	_ =	sdelay $0x1  }
0x2f9: {  	v4 =	vadd.s32 v1, v4;
	_ =	sdelay $0x3  }
0x2fa: {  	s22 =	simm.s32 $0x4200  }
0x2fb: {  	[tilespmem:s22], [sflag:$0x2] =	stream.indirect_vreg.gather [hbm4b:s1+s3], $0x80, v4, vm0, $0xb8;
	[tilespmem:$0x18200] =	vst v63  }
0x2fc: {  	s2 =	simm.s32 $0x4A00;
	v3 =	vperm.xlane v3, v2  }
0x2fd: {  	[tilespmem:s2], [sflag:$0x2] =	stream.indirect_vreg.gather [hbm4b:s5+s3], $0x80, v4, vm0, $0xb8;
	[tilespmem:$0x18200] =	vst v63  }
0x2fe: {  	v3 =	vadd.s32 v1, v3;
	s2 =	simm.s32 $0x5200  }
0x2ff: {  	[tilespmem:s2], [sflag:$0x2] =	stream.indirect_vreg.gather [hbm4b:s6+s3], $0x80, v4, vm0, $0xb8;
	[tilespmem:$0x18200] =	vst v63  }
0x300: {  	s2 =	simm.s32 $0x5A00  }
0x301: {  	[tilespmem:s2], [sflag:$0x2] =	stream.indirect_vreg.gather [hbm4b:s7+s3], $0x80, v4, vm0, $0xb8;
	[tilespmem:$0x18200] =	vst v63  }
0x302: {  	s2 =	simm.s32 $0x6200  }
0x303: {  	[tilespmem:s2], [sflag:$0x2] =	stream.indirect_vreg.gather [hbm4b:s1+s3], $0x80, v3, vm0, $0xb8;
	[tilespmem:$0x18200] =	vst v63  }
0x304: {  	s2 =	simm.s32 $0x6A00  }
0x305: {  	[tilespmem:s2], [sflag:$0x2] =	stream.indirect_vreg.gather [hbm4b:s5+s3], $0x80, v3, vm0, $0xb8;
	[tilespmem:$0x18200] =	vst v63  }
0x306: {  	s2 =	simm.s32 $0x7200  }
0x307: {  	[tilespmem:s2], [sflag:$0x2] =	stream.indirect_vreg.gather [hbm4b:s6+s3], $0x80, v3, vm0, $0xb8;
	[tilespmem:$0x18200] =	vst v63  }
0x308: {  	s2 =	simm.s32 $0x7A00  }
0x309: {  	[tilespmem:s2], [sflag:$0x2] =	stream.indirect_vreg.gather [hbm4b:s7+s3], $0x80, v3, vm0, $0xb8;
	[tilespmem:$0x18200] =	vst v63  }
0x30a: {  	_ =	swait.ge [sflag:s26], $0x4000  }
0x30b: {  	[sflag:s26] =	ssyncset.done $0x0  }
0x30c: {  	s2 =	rddreg [dreg:$0x1c];
	[sflag:s26] =	ssyncadd.s32 $0xFFFFC000  }
0x30d: {  	[hbm4b:s2+s3] =	stream.linear.scatter [tilespmem:s25], [sflag:$0x7], $0x4000, $0x38;
	[tilespmem:$0x18200] =	vst v63  }
0x30e: {  	_ =	swait.ge [sflag:s14], $0x4000  }
0x30f: {  	[sflag:s14] =	ssyncset.done $0x0  }
0x310: {  	[sflag:s14] =	ssyncadd.s32 $0xFFFFC000  }
0x311: {  	v3 =	vld [tilespmem:$0x1A0];
	_ =	sdelay $0x4  }
0x312: {  	v58 =	vshll.u32 v3, $0x3  }
0x313: {  	v3 =	vand.u32 $0x7, v3;
	v4 =	vand.u32 $0xFFFFFFC0, v58  }
0x314: {  	v3 =	vor.u32 v3, v4  }
0x315: {  	v4 =	vperm.xlane v3, v0;
	_ =	sdelay $0x1  }
0x316: {  	v4 =	vadd.s32 v1, v4;
	_ =	sdelay $0x3  }
0x317: {  	s20 =	simm.s32 $0x8200  }
0x318: {  	[tilespmem:s20], [sflag:$0x3] =	stream.indirect_vreg.gather [hbm4b:s1+s3], $0x80, v4, vm0, $0xb8;
	[tilespmem:$0x18200] =	vst v63  }
0x319: {  	s19 =	simm.s32 $0x8A00;
	v3 =	vperm.xlane v3, v2  }
0x31a: {  	[tilespmem:s19], [sflag:$0x3] =	stream.indirect_vreg.gather [hbm4b:s5+s3], $0x80, v4, vm0, $0xb8;
	[tilespmem:$0x18200] =	vst v63  }
0x31b: {  	v3 =	vadd.s32 v1, v3;
	s19 =	simm.s32 $0x9200  }
0x31c: {  	[tilespmem:s19], [sflag:$0x3] =	stream.indirect_vreg.gather [hbm4b:s6+s3], $0x80, v4, vm0, $0xb8;
	[tilespmem:$0x18200] =	vst v63  }
0x31d: {  	s19 =	simm.s32 $0x9A00  }
0x31e: {  	[tilespmem:s19], [sflag:$0x3] =	stream.indirect_vreg.gather [hbm4b:s7+s3], $0x80, v4, vm0, $0xb8;
	[tilespmem:$0x18200] =	vst v63  }
0x31f: {  	s23 =	simm.s32 $0xA200  }
0x320: {  	[tilespmem:s23], [sflag:$0x3] =	stream.indirect_vreg.gather [hbm4b:s1+s3], $0x80, v3, vm0, $0xb8;
	[tilespmem:$0x18200] =	vst v63  }
0x321: {  	s28 =	simm.s32 $0xAA00  }
0x322: {  	[tilespmem:s28], [sflag:$0x3] =	stream.indirect_vreg.gather [hbm4b:s5+s3], $0x80, v3, vm0, $0xb8;
	[tilespmem:$0x18200] =	vst v63  }
0x323: {  	s28 =	simm.s32 $0xB200  }
0x324: {  	[tilespmem:s28], [sflag:$0x3] =	stream.indirect_vreg.gather [hbm4b:s6+s3], $0x80, v3, vm0, $0xb8;
	[tilespmem:$0x18200] =	vst v63  }
0x325: {  	s19 =	simm.s32 $0xBA00  }
0x326: {  	[tilespmem:s19], [sflag:$0x3] =	stream.indirect_vreg.gather [hbm4b:s7+s3], $0x80, v3, vm0, $0xb8;
	[tilespmem:$0x18200] =	vst v63  }
0x327: {  	_ =	swait.ge [sflag:s29], $0x4000  }
0x328: {  	[sflag:s29] =	ssyncset.done $0x0  }
0x329: {  	s23 =	rddreg [dreg:$0x1d];
	[sflag:s29] =	ssyncadd.s32 $0xFFFFC000  }
0x32a: {  	[hbm4b:s23+s3] =	stream.linear.scatter [tilespmem:s22], [sflag:$0x8], $0x4000, $0x38;
	[tilespmem:$0x18200] =	vst v63  }
0x32b: {  	_ =	swait.ge [sflag:s15], $0x4000  }
0x32c: {  	[sflag:s15] =	ssyncset.done $0x0  }
0x32d: {  	[sflag:s15] =	ssyncadd.s32 $0xFFFFC000  }
0x32e: {  	v3 =	vld [tilespmem:$0x1B0];
	_ =	sdelay $0x4  }
0x32f: {  	v59 =	vshll.u32 v3, $0x3  }
0x330: {  	v3 =	vand.u32 $0x7, v3;
	v4 =	vand.u32 $0xFFFFFFC0, v59  }
0x331: {  	v3 =	vor.u32 v3, v4  }
0x332: {  	v4 =	vperm.xlane v3, v0;
	_ =	sdelay $0x1  }
0x333: {  	v4 =	vadd.s32 v1, v4;
	_ =	sdelay $0x3  }
0x334: {  	s9 =	simm.s32 $0xC200  }
0x335: {  	[tilespmem:s9], [sflag:$0x4] =	stream.indirect_vreg.gather [hbm4b:s1+s3], $0x80, v4, vm0, $0xb8;
	[tilespmem:$0x18200] =	vst v63  }
0x336: {  	s28 =	simm.s32 $0xCA00;
	v3 =	vperm.xlane v3, v2  }
0x337: {  	[tilespmem:s28], [sflag:$0x4] =	stream.indirect_vreg.gather [hbm4b:s5+s3], $0x80, v4, vm0, $0xb8;
	[tilespmem:$0x18200] =	vst v63  }
0x338: {  	s19 =	simm.s32 $0xD200;
	v3 =	vadd.s32 v1, v3  }
0x339: {  	[tilespmem:s19], [sflag:$0x4] =	stream.indirect_vreg.gather [hbm4b:s6+s3], $0x80, v4, vm0, $0xb8;
	[tilespmem:$0x18200] =	vst v63  }
0x33a: {  	s23 =	simm.s32 $0xDA00  }
0x33b: {  	[tilespmem:s23], [sflag:$0x4] =	stream.indirect_vreg.gather [hbm4b:s7+s3], $0x80, v4, vm0, $0xb8;
	[tilespmem:$0x18200] =	vst v63  }
0x33c: {  	s28 =	simm.s32 $0xE200  }
0x33d: {  	[tilespmem:s28], [sflag:$0x4] =	stream.indirect_vreg.gather [hbm4b:s1+s3], $0x80, v3, vm0, $0xb8;
	[tilespmem:$0x18200] =	vst v63  }
0x33e: {  	s19 =	simm.s32 $0xEA00  }
0x33f: {  	[tilespmem:s19], [sflag:$0x4] =	stream.indirect_vreg.gather [hbm4b:s5+s3], $0x80, v3, vm0, $0xb8;
	[tilespmem:$0x18200] =	vst v63  }
0x340: {  	s30 =	simm.s32 $0xF200  }
0x341: {  	[tilespmem:s30], [sflag:$0x4] =	stream.indirect_vreg.gather [hbm4b:s6+s3], $0x80, v3, vm0, $0xb8;
	[tilespmem:$0x18200] =	vst v63  }
0x342: {  	s23 =	simm.s32 $0xFA00  }
0x343: {  	[tilespmem:s23], [sflag:$0x4] =	stream.indirect_vreg.gather [hbm4b:s7+s3], $0x80, v3, vm0, $0xb8;
	[tilespmem:$0x18200] =	vst v63  }
0x344: {  	_ =	swait.ge [sflag:s18], $0x4000  }
0x345: {  	[sflag:s18] =	ssyncset.done $0x0  }
0x346: {  	s28 =	rddreg [dreg:$0x1e];
	[sflag:s18] =	ssyncadd.s32 $0xFFFFC000  }
0x347: {  	[hbm4b:s28+s3] =	stream.linear.scatter [tilespmem:s20], [sflag:$0x9], $0x4000, $0x38;
	[tilespmem:$0x18200] =	vst v63  }
0x348: {  	_ =	swait.ge [sflag:s16], $0x4000  }
0x349: {  	[sflag:s16] =	ssyncset.done $0x0  }
0x34a: {  	[sflag:s16] =	ssyncadd.s32 $0xFFFFC000  }
0x34b: {  	v3 =	vld [tilespmem:$0x1C0];
	_ =	sdelay $0x4  }
0x34c: {  	v60 =	vshll.u32 v3, $0x3  }
0x34d: {  	v3 =	vand.u32 $0x7, v3;
	v4 =	vand.u32 $0xFFFFFFC0, v60  }
0x34e: {  	v3 =	vor.u32 v3, v4  }
0x34f: {  	v4 =	vperm.xlane v3, v0;
	_ =	sdelay $0x1  }
0x350: {  	v4 =	vadd.s32 v1, v4;
	_ =	sdelay $0x3  }
0x351: {  	s0 =	simm.s32 $0x10200  }
0x352: {  	[tilespmem:s0], [sflag:$0x5] =	stream.indirect_vreg.gather [hbm4b:s1+s3], $0x80, v4, vm0, $0xb8;
	[tilespmem:$0x18200] =	vst v63  }
0x353: {  	s30 =	simm.s32 $0x10A00;
	v3 =	vperm.xlane v3, v2  }
0x354: {  	[tilespmem:s30], [sflag:$0x5] =	stream.indirect_vreg.gather [hbm4b:s5+s3], $0x80, v4, vm0, $0xb8;
	[tilespmem:$0x18200] =	vst v63  }
0x355: {  	s19 =	simm.s32 $0x11200;
	v3 =	vadd.s32 v1, v3  }
0x356: {  	[tilespmem:s19], [sflag:$0x5] =	stream.indirect_vreg.gather [hbm4b:s6+s3], $0x80, v4, vm0, $0xb8;
	[tilespmem:$0x18200] =	vst v63  }
0x357: {  	s20 =	simm.s32 $0x11A00  }
0x358: {  	[tilespmem:s20], [sflag:$0x5] =	stream.indirect_vreg.gather [hbm4b:s7+s3], $0x80, v4, vm0, $0xb8;
	[tilespmem:$0x18200] =	vst v63  }
0x359: {  	s23 =	simm.s32 $0x12200  }
0x35a: {  	[tilespmem:s23], [sflag:$0x5] =	stream.indirect_vreg.gather [hbm4b:s1+s3], $0x80, v3, vm0, $0xb8;
	[tilespmem:$0x18200] =	vst v63  }
0x35b: {  	s28 =	simm.s32 $0x12A00  }
0x35c: {  	[tilespmem:s28], [sflag:$0x5] =	stream.indirect_vreg.gather [hbm4b:s5+s3], $0x80, v3, vm0, $0xb8;
	[tilespmem:$0x18200] =	vst v63  }
0x35d: {  	s30 =	simm.s32 $0x13200  }
0x35e: {  	[tilespmem:s30], [sflag:$0x5] =	stream.indirect_vreg.gather [hbm4b:s6+s3], $0x80, v3, vm0, $0xb8;
	[tilespmem:$0x18200] =	vst v63  }
0x35f: {  	s21 =	simm.s32 $0x13A00  }
0x360: {  	[tilespmem:s21], [sflag:$0x5] =	stream.indirect_vreg.gather [hbm4b:s7+s3], $0x80, v3, vm0, $0xb8;
	[tilespmem:$0x18200] =	vst v63  }
0x361: {  	_ =	swait.ge [sflag:s31], $0x4000  }
0x362: {  	[sflag:s31] =	ssyncset.done $0x0  }
0x363: {  	s2 =	rddreg [dreg:$0x1f];
	[sflag:s31] =	ssyncadd.s32 $0xFFFFC000  }
0x364: {  	[hbm4b:s2+s3] =	stream.linear.scatter [tilespmem:s9], [sflag:$0xA], $0x4000, $0x38;
	[tilespmem:$0x18200] =	vst v63  }
0x365: {  	_ =	swait.ge [sflag:s17], $0x4000  }
0x366: {  	[sflag:s17] =	ssyncset.done $0x0  }
0x367: {  	[sflag:s17] =	ssyncadd.s32 $0xFFFFC000  }
0x368: {  	v3 =	vld [tilespmem:$0x1D0];
	_ =	sdelay $0x4  }
0x369: {  	v61 =	vshll.u32 v3, $0x3  }
0x36a: {  	v3 =	vand.u32 $0x7, v3;
	v4 =	vand.u32 $0xFFFFFFC0, v61  }
0x36b: {  	v3 =	vor.u32 v3, v4  }
0x36c: {  	v4 =	vperm.xlane v3, v0;
	_ =	sdelay $0x1  }
0x36d: {  	v4 =	vadd.s32 v1, v4;
	_ =	sdelay $0x3  }
0x36e: {  	s8 =	simm.s32 $0x14200  }
0x36f: {  	[tilespmem:s8], [sflag:$0x6] =	stream.indirect_vreg.gather [hbm4b:s1+s3], $0x80, v4, vm0, $0xb8;
	[tilespmem:$0x18200] =	vst v63  }
0x370: {  	s9 =	simm.s32 $0x14A00;
	v3 =	vperm.xlane v3, v2  }
0x371: {  	[tilespmem:s9], [sflag:$0x6] =	stream.indirect_vreg.gather [hbm4b:s5+s3], $0x80, v4, vm0, $0xb8;
	[tilespmem:$0x18200] =	vst v63  }
0x372: {  	s19 =	simm.s32 $0x15200;
	v3 =	vadd.s32 v1, v3  }
0x373: {  	[tilespmem:s19], [sflag:$0x6] =	stream.indirect_vreg.gather [hbm4b:s6+s3], $0x80, v4, vm0, $0xb8;
	[tilespmem:$0x18200] =	vst v63  }
0x374: {  	s20 =	simm.s32 $0x15A00  }
0x375: {  	[tilespmem:s20], [sflag:$0x6] =	stream.indirect_vreg.gather [hbm4b:s7+s3], $0x80, v4, vm0, $0xb8;
	[tilespmem:$0x18200] =	vst v63  }
0x376: {  	s21 =	simm.s32 $0x16200  }
0x377: {  	[tilespmem:s21], [sflag:$0x6] =	stream.indirect_vreg.gather [hbm4b:s1+s3], $0x80, v3, vm0, $0xb8;
	[tilespmem:$0x18200] =	vst v63  }
0x378: {  	s23 =	simm.s32 $0x16A00  }
0x379: {  	[tilespmem:s23], [sflag:$0x6] =	stream.indirect_vreg.gather [hbm4b:s5+s3], $0x80, v3, vm0, $0xb8;
	[tilespmem:$0x18200] =	vst v63  }
0x37a: {  	s28 =	simm.s32 $0x17200  }
0x37b: {  	[tilespmem:s28], [sflag:$0x6] =	stream.indirect_vreg.gather [hbm4b:s6+s3], $0x80, v3, vm0, $0xb8;
	[tilespmem:$0x18200] =	vst v63  }
0x37c: {  	s30 =	simm.s32 $0x17A00  }
0x37d: {  	[tilespmem:s30], [sflag:$0x6] =	stream.indirect_vreg.gather [hbm4b:s7+s3], $0x80, v3, vm0, $0xb8;
	[tilespmem:$0x18200] =	vst v63  }
0x37e: {  	_ =	swait.ge [sflag:s4], $0x4000  }
0x37f: {  	s9 =	sld [smem:$0x7F9]  }
0x380: {  	[sflag:s4] =	ssyncset.done $0x0  }
0x381: {  	[sflag:s4] =	ssyncadd.s32 $0xFFFFC000  }
0x382: {  	[hbm4b:s9+s3] =	stream.linear.scatter [tilespmem:s0], [sflag:$0xB], $0x4000, $0x38;
	[tilespmem:$0x18200] =	vst v63  }
0x383: {  	s2 =	sld [smem:$0x7F8];
	_ =	swait.ge [sflag:s11], $0x4000  }
0x384: {  	[sflag:s11] =	ssyncset.done $0x0  }
0x385: {  	[sflag:s11] =	ssyncadd.s32 $0xFFFFC000  }
0x386: {  	v3 =	vld [tilespmem:$0x1E0];
	_ =	sdelay $0x4  }
0x387: {  	v62 =	vshll.u32 v3, $0x3  }
0x388: {  	v3 =	vand.u32 $0x7, v3;
	v4 =	vand.u32 $0xFFFFFFC0, v62  }
0x389: {  	v3 =	vor.u32 v3, v4  }
0x38a: {  	v4 =	vperm.xlane v3, v0;
	_ =	sdelay $0x1  }
0x38b: {  	v4 =	vadd.s32 v1, v4;
	_ =	sdelay $0x3  }
0x38c: {  	s25 =	simm.s32 $0x200  }
0x38d: {  	[tilespmem:s25], [sflag:$0x1] =	stream.indirect_vreg.gather [hbm4b:s1+s3], $0x80, v4, vm0, $0xb8;
	[tilespmem:$0x18200] =	vst v63  }
0x38e: {  	s20 =	simm.s32 $0xA00;
	v3 =	vperm.xlane v3, v2  }
0x38f: {  	[tilespmem:s20], [sflag:$0x1] =	stream.indirect_vreg.gather [hbm4b:s5+s3], $0x80, v4, vm0, $0xb8;
	[tilespmem:$0x18200] =	vst v63  }
0x390: {  	s21 =	simm.s32 $0x1200;
	v3 =	vadd.s32 v1, v3  }
0x391: {  	[tilespmem:s21], [sflag:$0x1] =	stream.indirect_vreg.gather [hbm4b:s6+s3], $0x80, v4, vm0, $0xb8;
	[tilespmem:$0x18200] =	vst v63  }
0x392: {  	s23 =	simm.s32 $0x1A00  }
0x393: {  	[tilespmem:s23], [sflag:$0x1] =	stream.indirect_vreg.gather [hbm4b:s7+s3], $0x80, v4, vm0, $0xb8;
	[tilespmem:$0x18200] =	vst v63  }
0x394: {  	s10 =	simm.s32 $0x2200  }
0x395: {  	[tilespmem:s10], [sflag:$0x1] =	stream.indirect_vreg.gather [hbm4b:s1+s3], $0x80, v3, vm0, $0xb8;
	[tilespmem:$0x18200] =	vst v63  }
0x396: {  	s24 =	simm.s32 $0x2A00  }
0x397: {  	[tilespmem:s24], [sflag:$0x1] =	stream.indirect_vreg.gather [hbm4b:s5+s3], $0x80, v3, vm0, $0xb8;
	[tilespmem:$0x18200] =	vst v63  }
0x398: {  	s28 =	simm.s32 $0x3200  }
0x399: {  	[tilespmem:s28], [sflag:$0x1] =	stream.indirect_vreg.gather [hbm4b:s6+s3], $0x80, v3, vm0, $0xb8;
	[tilespmem:$0x18200] =	vst v63  }
0x39a: {  	s30 =	simm.s32 $0x3A00  }
0x39b: {  	[tilespmem:s30], [sflag:$0x1] =	stream.indirect_vreg.gather [hbm4b:s7+s3], $0x80, v3, vm0, $0xb8;
	[tilespmem:$0x18200] =	vst v63  }
0x39c: {  	_ =	swait.ge [sflag:s12], $0x4000  }
0x39d: {  	s0 =	sld [smem:$0x7FA]  }
0x39e: {  	[sflag:s12] =	ssyncset.done $0x0  }
0x39f: {  	[sflag:s12] =	ssyncadd.s32 $0xFFFFC000  }
0x3a0: {  	[hbm4b:s0+s3] =	stream.linear.scatter [tilespmem:s8], [sflag:$0xC], $0x4000, $0x38;
	[tilespmem:$0x18200] =	vst v63  }
0x3a1: {  	_ =	swait.ge [sflag:s13], $0x4000  }
0x3a2: {  	[sflag:s13] =	ssyncset.done $0x0  }
0x3a3: {  	[sflag:s13] =	ssyncadd.s32 $0xFFFFC000  }
0x3a4: {  	v3 =	vld [tilespmem:$0x1F0];
	_ =	sdelay $0x4  }
0x3a5: {  	v63 =	vshll.u32 v3, $0x3  }
0x3a6: {  	v3 =	vand.u32 $0x7, v3;
	v4 =	vand.u32 $0xFFFFFFC0, v63  }
0x3a7: {  	v3 =	vor.u32 v3, v4  }
0x3a8: {  	v4 =	vperm.xlane v3, v0;
	_ =	sdelay $0x1  }
0x3a9: {  	v4 =	vadd.s32 v1, v4;
	_ =	sdelay $0x4  }
0x3aa: {  	[tilespmem:s22], [sflag:$0x2] =	stream.indirect_vreg.gather [hbm4b:s1+s3], $0x80, v4, vm0, $0xb8;
	[tilespmem:$0x18200] =	vst v63  }
0x3ab: {  	s9 =	simm.s32 $0x4A00;
	v3 =	vperm.xlane v3, v2  }
0x3ac: {  	[tilespmem:s9], [sflag:$0x2] =	stream.indirect_vreg.gather [hbm4b:s5+s3], $0x80, v4, vm0, $0xb8;
	[tilespmem:$0x18200] =	vst v63  }
0x3ad: {  	s10 =	simm.s32 $0x5200;
	v3 =	vadd.s32 v1, v3  }
0x3ae: {  	[tilespmem:s10], [sflag:$0x2] =	stream.indirect_vreg.gather [hbm4b:s6+s3], $0x80, v4, vm0, $0xb8;
	[tilespmem:$0x18200] =	vst v63  }
0x3af: {  	s19 =	simm.s32 $0x5A00  }
0x3b0: {  	[tilespmem:s19], [sflag:$0x2] =	stream.indirect_vreg.gather [hbm4b:s7+s3], $0x80, v4, vm0, $0xb8;
	[tilespmem:$0x18200] =	vst v63  }
0x3b1: {  	s20 =	simm.s32 $0x6200  }
0x3b2: {  	[tilespmem:s20], [sflag:$0x2] =	stream.indirect_vreg.gather [hbm4b:s1+s3], $0x80, v3, vm0, $0xb8;
	[tilespmem:$0x18200] =	vst v63  }
0x3b3: {  	s21 =	simm.s32 $0x6A00  }
0x3b4: {  	[tilespmem:s21], [sflag:$0x2] =	stream.indirect_vreg.gather [hbm4b:s5+s3], $0x80, v3, vm0, $0xb8;
	[tilespmem:$0x18200] =	vst v63  }
0x3b5: {  	s23 =	simm.s32 $0x7200  }
0x3b6: {  	[tilespmem:s23], [sflag:$0x2] =	stream.indirect_vreg.gather [hbm4b:s6+s3], $0x80, v3, vm0, $0xb8;
	[tilespmem:$0x18200] =	vst v63  }
0x3b7: {  	s24 =	simm.s32 $0x7A00  }
0x3b8: {  	[tilespmem:s24], [sflag:$0x2] =	stream.indirect_vreg.gather [hbm4b:s7+s3], $0x80, v3, vm0, $0xb8;
	[tilespmem:$0x18200] =	vst v63  }
0x3b9: {  	_ =	swait.ge [sflag:s26], $0x4000  }
0x3ba: {  	s28 =	sld [smem:$0x7FB]  }
0x3bb: {  	[sflag:s26] =	ssyncset.done $0x0  }
0x3bc: {  	[sflag:s26] =	ssyncadd.s32 $0xFFFFC000  }
0x3bd: {  	[hbm4b:s28+s3] =	stream.linear.scatter [tilespmem:s25], [sflag:$0x7], $0x4000, $0x38;
	[tilespmem:$0x18200] =	vst v63  }
0x3be: {  	_ =	swait.ge [sflag:s29], $0x4000  }
0x3bf: {  	s30 =	sld [smem:$0x7FD]  }
0x3c0: {  	[sflag:s29] =	ssyncset.done $0x0  }
0x3c1: {  	[sflag:s29] =	ssyncadd.s32 $0xFFFFC000  }
0x3c2: {  	[hbm4b:s30+s3] =	stream.linear.scatter [tilespmem:s22], [sflag:$0x8], $0x4000, $0x38;
	[tilespmem:$0x18200] =	vst v63  }
0x3c3: {  	_ =	swait.ge [sflag:s11], $0x4000  }
0x3c4: {  	[sflag:s11] =	ssyncset.done $0x0  }
0x3c5: {  	[sflag:s11] =	ssyncadd.s32 $0xFFFFC000  }
0x3c6: {  	_ =	swait.ge [sflag:s13], $0x4000  }
0x3c7: {  	[sflag:s13] =	ssyncset.done $0x0  }
0x3c8: {  	[sflag:s13] =	ssyncadd.s32 $0xFFFFC000  }
0x3c9: {  	_ =	swait.ge [sflag:s14], $0x4000  }
0x3ca: {  	[sflag:s14] =	ssyncset.done $0x0  }
0x3cb: {  	[sflag:s14] =	ssyncadd.s32 $0xFFFFC000  }
0x3cc: {  	_ =	swait.ge [sflag:s15], $0x4000  }
0x3cd: {  	[sflag:s15] =	ssyncset.done $0x0  }
0x3ce: {  	[sflag:s15] =	ssyncadd.s32 $0xFFFFC000  }
0x3cf: {  	p0 =	sne.s32 s2, $0x1;
	_ =	swait.ge [sflag:s16], $0x4000  }
.Ltmp0:
0x3d0: {  	[sflag:s16] =	ssyncset.done $0x0;
	(pc) =	sbr.rel @p0 .LBB2_1-.Ltmp0, $4  }
0x3d1: {  	[sflag:s16] =	ssyncadd.s32 $0xFFFFC000  }
0x3d2: {  	_ =	swait.ge [sflag:s17], $0x4000  }
0x3d3: {  	[sflag:s17] =	ssyncset.done $0x0  }
0x3d4: {  	s2 =	sadd.s32 $0xFFFFFFFF, s2;
	[sflag:s17] =	ssyncadd.s32 $0xFFFFC000  }
0x3d5: {  	_ =	sfence.sel $0x180000  }
0x3d6: {  	[bflag:$0x0] =	sbarrier.arrive $0xFFFF  }
0x3d7: {  	_ =	strace $0x90000047  }
0x3d8: {  	s0 =	stileid.u32;
	[bflag:$0x2] =	sbarrier.arrive $0xFFFF  }
0x3d9: {  	p0 =	sne.s32 s0, $0x0;
	s0 =	rddreg [dreg:$0x3]  }
0x3da: {  	s0 =	sadd.s32 @!p0 $0x100000, s0  }
0x3db: {  	[sflag:s0] =	ssyncadd.tile.s32 @!p0 $0x1;
	_ =	shalt  }
.Lfunc_end2:
_tile_overlayer_lowered:
.L_overlay_start_2:
0x3dc: {  	(tag) =	ssettag $0x2  }
0x3dd: {  	s0 =	rddreg [dreg:$0x0];
	s2 =	stileid.u32  }
0x3de: {  	s1 =	rddreg [dreg:$0x1];
	p0 =	sne.s32 s2, $0x0  }
0x3df: {  	s3 =	rddreg [dreg:$0x2];
	[bflag:$0x3] =	sbarrier.arrive $0xFFFF;
	s2 =	simm.s32 @!p0 $0x1C0D  }
0x3e0: {  	[timem:s3], [sflag:s2] =	dma.local @!p0 [hbm:s0], s1  }
0x3e1: {  	s0 =	simm.s32 @!p0 $0xD  }
0x3e2: {  	_ =	swait.ge @!p0 [sflag:s0], s1  }
0x3e3: {  	s1 =	ssub.s32 @!p0 $0x0, s1;
	[sflag:s0] =	ssyncset.done @!p0 $0x0  }
0x3e4: {  	[sflag:s0] =	ssyncadd.s32 @!p0 s1  }
0x3e5: {  	[bflag:$0x3] =	sbarrier.arrive $0xFFFF  }
0x3e6: {  	_ =	shalt  }

</sc_bundles>
